<compile_context>
chip_gen: v7x
topology: tpu7x:2x2x1
jax: 0.10.2.dev20260603
libtpu: 0.0.44.dev20260713+nightly
codegen_flags: <defaults>
</compile_context>

<pallas_src>
import functools

import jax
import jax.numpy as jnp
from jax import lax
from jax.experimental import pallas as pl
from jax.experimental.pallas import tpu as pltpu
from jax.experimental.pallas import tpu_sc as plsc

N = 10000
E = 160000
D = 256
NC = 2
NS = 16
NW = NC * NS
N_PAD = 10240
E_PAD = 163840
ECH = 512
E_PER_W = E_PAD // NW
E_CHUNKS = E_PER_W // ECH
XCH = 64
X_PER_W = N_PAD // NW
X_CHUNKS = X_PER_W // XCH
RPS = N_PAD // NS


def _mesh():
    return plsc.VectorSubcoreMesh(core_axis_name="c", subcore_axis_name="s")



@functools.partial(
    pl.kernel,
    out_type=jax.ShapeDtypeStruct((N_PAD, D), jnp.float32),
    mesh=_mesh(),
    scratch_types=[
        pltpu.VMEM((X_CHUNKS, XCH), jnp.int32),
        pltpu.VMEM((XCH, D), jnp.float32),
        pltpu.VMEM((XCH, D), jnp.float32),
        pltpu.SemaphoreType.DMA,
        pltpu.SemaphoreType.DMA,
    ],
    name="sc_embed",
)
def _sc_embed(x2d, table, h0, xidx, rows_a, rows_b, sem_a, sem_b):
    cid = lax.axis_index("c")
    sid = lax.axis_index("s")
    wid = sid * NC + cid
    pltpu.sync_copy(x2d.at[wid], xidx)
    bufs = (rows_a, rows_b)
    sems = (sem_a, sem_b)
    descs = [None, None]
    for j in range(X_CHUNKS):
        b = j % 2
        if descs[b] is not None:
            descs[b].wait()
            pltpu.sync_copy(bufs[b],
                            h0.at[pl.ds(wid * X_PER_W + (j - 2) * XCH, XCH)])
        descs[b] = pltpu.async_copy(table.at[xidx.at[j]], bufs[b], sems[b])
    for j in range(X_CHUNKS - 2, X_CHUNKS):
        b = j % 2
        descs[b].wait()
        pltpu.sync_copy(bufs[b],
                        h0.at[pl.ds(wid * X_PER_W + j * XCH, XCH)])




@functools.partial(
    pl.kernel,
    out_type=jax.ShapeDtypeStruct((NC, N_PAD, 16), jnp.float32),
    mesh=_mesh(),
    scratch_types=[
        pltpu.VMEM((E_CHUNKS, ECH), jnp.int32),
        pltpu.VMEM((ECH, 16), jnp.float32),
        pltpu.VMEM_SHARED((N_PAD, 16), jnp.float32),
        pltpu.SemaphoreType.DMA,
    ],
    compiler_params=pltpu.CompilerParams(use_tc_tiling_on_sc=False),
    name="sc_deg",
)
def _sc_deg(col2d, zcol, ones, degp, cidx, ones_v, deg_sh, sem):
    cid = lax.axis_index("c")
    sid = lax.axis_index("s")
    wid = sid * NC + cid
    pltpu.sync_copy(zcol.at[pl.ds(sid * RPS, RPS)],
                    deg_sh.at[pl.ds(sid * RPS, RPS)])
    pltpu.sync_copy(ones, ones_v)
    pltpu.sync_copy(col2d.at[wid], cidx)
    plsc.subcore_barrier()

    for k in range(E_CHUNKS):
        pltpu.async_copy(ones_v, deg_sh.at[cidx.at[k]], sem, add=True)
    for _ in range(E_CHUNKS):
        pltpu.make_async_copy(ones_v, deg_sh.at[cidx.at[0]], sem).wait()
    plsc.subcore_barrier()
    pltpu.sync_copy(deg_sh.at[pl.ds(sid * RPS, RPS)],
                    degp.at[cid, pl.ds(sid * RPS, RPS)])




def _make_agg(dm):
    @functools.partial(
        pl.kernel,
        out_type=jax.ShapeDtypeStruct((NC, N_PAD, dm), jnp.float32),
        mesh=_mesh(),
        scratch_types=[
            pltpu.VMEM((E_CHUNKS, ECH), jnp.int32),
            pltpu.VMEM((E_CHUNKS, ECH), jnp.int32),
            [pltpu.VMEM((ECH, dm), jnp.float32)] * 2,
            pltpu.VMEM_SHARED((N_PAD, dm), jnp.float32),
            [pltpu.SemaphoreType.DMA] * 2,
        ],
        compiler_params=pltpu.CompilerParams(use_tc_tiling_on_sc=False),
        name=f"sc_agg{dm}",
    )
    def agg(row2d, col2d, s_hbm, zeros_hbm, aggp,
            ridx, cidx, msgs, agg_sh, sem_g):
        cid = lax.axis_index("c")
        sid = lax.axis_index("s")
        wid = sid * NC + cid
        nch = E_CHUNKS
        pltpu.sync_copy(zeros_hbm.at[pl.ds(sid * RPS, RPS)],
                        agg_sh.at[pl.ds(sid * RPS, RPS)])
        pltpu.sync_copy(row2d.at[wid], ridx)
        pltpu.sync_copy(col2d.at[wid], cidx)
        plsc.subcore_barrier()

        pltpu.async_copy(s_hbm.at[ridx.at[0]], msgs[0], sem_g[0])

        def pair(j2, c):
            ja = 2 * j2
            jb = ja + 1
            ja_next = jnp.minimum(ja + 2, nch - 1)
            pltpu.async_copy(s_hbm.at[ridx.at[jb]], msgs[1], sem_g[1])
            pltpu.make_async_copy(s_hbm.at[ridx.at[0]], msgs[0],
                                  sem_g[0]).wait()
            pltpu.sync_copy(msgs[0], agg_sh.at[cidx.at[ja]], add=True)
            pltpu.async_copy(s_hbm.at[ridx.at[ja_next]], msgs[0], sem_g[0])
            pltpu.make_async_copy(s_hbm.at[ridx.at[0]], msgs[1],
                                  sem_g[1]).wait()
            pltpu.sync_copy(msgs[1], agg_sh.at[cidx.at[jb]], add=True)
            return c

        lax.fori_loop(0, nch // 2, pair, 0)
        pltpu.make_async_copy(s_hbm.at[ridx.at[0]], msgs[0], sem_g[0]).wait()
        plsc.subcore_barrier()
        pltpu.sync_copy(agg_sh.at[pl.ds(sid * RPS, RPS)],
                        aggp.at[cid, pl.ds(sid * RPS, RPS)])

    return agg


_agg64 = _make_agg(64)
_agg32 = _make_agg(32)



BR = 1024


def _tc1_body(h0_ref, degp_ref, w1_ref, s1_ref, dinv_ref):
    deg = degp_ref[0, :, 0:1] + degp_ref[1, :, 0:1] + 1.0
    dinv = lax.rsqrt(deg)
    xw = jnp.dot(h0_ref[...], w1_ref[...], preferred_element_type=jnp.float32)
    s1_ref[...] = xw * dinv
    dinv_ref[...] = dinv


_tc1 = pl.pallas_call(
    _tc1_body,
    grid=(N_PAD // BR,),
    in_specs=[
        pl.BlockSpec((BR, D), lambda i: (i, 0)),
        pl.BlockSpec((NC, BR, 16), lambda i: (0, i, 0)),
        pl.BlockSpec((D, 64), lambda i: (0, 0)),
    ],
    out_specs=[
        pl.BlockSpec((BR, 64), lambda i: (i, 0)),
        pl.BlockSpec((BR, 1), lambda i: (i, 0)),
    ],
    out_shape=[
        jax.ShapeDtypeStruct((N_PAD, 64), jnp.float32),
        jax.ShapeDtypeStruct((N_PAD, 1), jnp.float32),
    ],
)


def _tc2_body(s1_ref, aggp_ref, dinv_ref, b1_ref, w2_ref, s2_ref):
    dinv = dinv_ref[...]
    pre = (aggp_ref[0] + aggp_ref[1] + s1_ref[...]) * dinv + b1_ref[...]
    h1 = jnp.maximum(pre, 0.0)
    s2_ref[...] = jnp.dot(h1, w2_ref[...],
                          preferred_element_type=jnp.float32) * dinv


_tc2 = pl.pallas_call(
    _tc2_body,
    grid=(N_PAD // BR,),
    in_specs=[
        pl.BlockSpec((BR, 64), lambda i: (i, 0)),
        pl.BlockSpec((NC, BR, 64), lambda i: (0, i, 0)),
        pl.BlockSpec((BR, 1), lambda i: (i, 0)),
        pl.BlockSpec((1, 64), lambda i: (0, 0)),
        pl.BlockSpec((64, 32), lambda i: (0, 0)),
    ],
    out_specs=pl.BlockSpec((BR, 32), lambda i: (i, 0)),
    out_shape=jax.ShapeDtypeStruct((N_PAD, 32), jnp.float32),
)


def _tc3_body(s2_ref, aggp_ref, dinv_ref, b2_ref, wg_ref, bg_ref,
              wh_ref, bh_ref, y_ref):
    h2 = (aggp_ref[0] + aggp_ref[1] + s2_ref[...]) * dinv_ref[...] + b2_ref[...]
    gate = jnp.dot(h2, wg_ref[...], preferred_element_type=jnp.float32)
    gate = gate + bg_ref[...]
    gate = 1.0 / (1.0 + jnp.exp(-gate))
    valid = lax.broadcasted_iota(jnp.int32, (N_PAD, 1), 0) < N
    g = jnp.where(valid, gate, -1e30)
    m = jnp.max(g)
    e = jnp.where(valid, jnp.exp(g - m), 0.0)
    hg = jnp.sum(e * h2, axis=0, keepdims=True) / jnp.sum(e)
    y_ref[...] = jnp.dot(hg, wh_ref[...],
                         preferred_element_type=jnp.float32) + bh_ref[...]


_tc3 = pl.pallas_call(
    _tc3_body,
    in_specs=[
        pl.BlockSpec((N_PAD, 32), lambda: (0, 0)),
        pl.BlockSpec((NC, N_PAD, 32), lambda: (0, 0, 0)),
        pl.BlockSpec((N_PAD, 1), lambda: (0, 0)),
        pl.BlockSpec((1, 32), lambda: (0, 0)),
        pl.BlockSpec((32, 1), lambda: (0, 0)),
        pl.BlockSpec((1, 1), lambda: (0, 0)),
        pl.BlockSpec((32, 2), lambda: (0, 0)),
        pl.BlockSpec((1, 2), lambda: (0, 0)),
    ],
    out_specs=pl.BlockSpec((1, 2), lambda: (0, 0)),
    out_shape=jax.ShapeDtypeStruct((1, 2), jnp.float32),
)



def kernel(x, edge_index, edge_attr, embed_table, edge_embed_table,
           W1, b1, W2, b2, Wg, bg, Wh, bh):
    del edge_attr, edge_embed_table
    xi = x[:, 0].astype(jnp.int32)
    x_pad = jnp.concatenate(
        [xi, jnp.arange(N_PAD - N, dtype=jnp.int32)]).reshape(
            NW, X_CHUNKS, XCH)
    row = edge_index[0].astype(jnp.int32)
    col = edge_index[1].astype(jnp.int32)
    dump = N + (jnp.arange(E_PAD - E, dtype=jnp.int32) % (N_PAD - N))
    spread = jnp.arange(E_PAD - E, dtype=jnp.int32) % N
    row_flat = jnp.concatenate([row, spread])
    col_flat = jnp.concatenate([col, dump])
    row_ch = row_flat.reshape(NW, E_CHUNKS, ECH)
    col_ch = col_flat.reshape(NW, E_CHUNKS, ECH)
    col_pad = col_ch
    zcol = jnp.zeros((N_PAD, 16), jnp.float32)
    ones = jnp.ones((ECH, 16), jnp.float32)
    z64 = jnp.zeros((N_PAD, 64), jnp.float32)
    z32 = jnp.zeros((N_PAD, 32), jnp.float32)

    h0 = _sc_embed(x_pad, embed_table)
    degp = _sc_deg(col_pad, zcol, ones)
    s1, dinv = _tc1(h0, degp, W1)
    aggp1 = _agg64(row_ch, col_ch, s1, z64)
    s2 = _tc2(s1, aggp1, dinv, b1.reshape(1, 64), W2)
    aggp2 = _agg32(row_ch, col_ch, s2, z32)
    y = _tc3(s2, aggp2, dinv, b2.reshape(1, 32), Wg, bg.reshape(1, 1),
             Wh, bh.reshape(1, 2))
    return y

# --- scband reference (transcript-rebuilt; emitter-appended) ---
"""Pipeline reference for scband-gcn-8340826489021 (READ-ONLY COPY).

The authoritative reference and input builder live on the scoring server;
editing this copy changes nothing except your own understanding.
"""

import jax, jax.numpy as jnp
import numpy as np

N = 10000
E = 160000
D = 256
VOCAB = 100000

def _gcn_conv(x, edge_index, W, b):
    n = x.shape[0]
    loop = jnp.arange(n)
    row = jnp.concatenate([edge_index[0], loop])
    col = jnp.concatenate([edge_index[1], loop])
    w = jnp.ones(row.shape[0], dtype=x.dtype)
    deg = jax.ops.segment_sum(w, col, num_segments=n)
    dinv = jnp.where(deg > 0, jax.lax.rsqrt(deg), 0.0)
    norm = dinv[row] * w * dinv[col]
    xw = x @ W
    msg = xw[row] * norm[:, None]
    out = jax.ops.segment_sum(msg, col, num_segments=n)
    return out + b

def setup_inputs(seed: int = 0):
    key = jax.random.key(seed)
    ks = jax.random.split(key, 9)
    return {
        'x': jax.random.randint(ks[0], (N, 1), 0, VOCAB),
        'edge_index': jax.random.randint(ks[1], (2, E), 0, N),
        'edge_attr': jax.random.randint(ks[2], (E, 1), 0, 20),
        'embed_table': jax.random.normal(ks[3], (VOCAB, D), dtype=jnp.float32),
        'edge_embed_table': jax.random.normal(ks[4], (20, D), dtype=jnp.float32),
        'W1': jax.random.normal(ks[5], (D, 64), dtype=jnp.float32) * (1.0 / np.sqrt(D)),
        'b1': jnp.zeros((64,), dtype=jnp.float32),
        'W2': jax.random.normal(ks[6], (64, 32), dtype=jnp.float32) * (1.0 / np.sqrt(64.0)),
        'b2': jnp.zeros((32,), dtype=jnp.float32),
        'Wg': jax.random.normal(ks[7], (32, 1), dtype=jnp.float32) * (1.0 / np.sqrt(32.0)),
        'bg': jnp.zeros((1,), dtype=jnp.float32),
        'Wh': jax.random.normal(ks[8], (32, 2), dtype=jnp.float32) * (1.0 / np.sqrt(32.0)),
        'bh': jnp.zeros((2,), dtype=jnp.float32),
    }

def reference(x, edge_index, edge_attr, embed_table, edge_embed_table, W1, b1, W2, b2, Wg, bg, Wh, bh):
    # x: int64[N,1] -> embed -> squeeze(1) -> [N, D]
    h = embed_table[x[:, 0]]
    # edge_weight is computed but never used downstream, exactly as in the original forward
    edge_weight = edge_embed_table[edge_attr[:, 0]]
    h = _gcn_conv(h, edge_index, W1, b1)
    h = jax.nn.relu(h)
    h = _gcn_conv(h, edge_index, W2, b2)
    # GlobalAttention pooling with batch = all zeros (single graph)
    gate = jax.nn.sigmoid(h @ Wg + bg)          # [N, 1]
    alpha = jax.nn.softmax(gate, axis=0)        # softmax over all nodes (one segment)
    hg = jnp.sum(alpha * h, axis=0, keepdims=True)  # [1, 32]
    y = hg @ Wh + bh                            # [1, 2]
    return y

if __name__ == "__main__":
    import jax
    _d = setup_inputs()
    print(jax.jit(kernel)(*tuple(_d.values())))

</pallas_src>

<mosaic_0001>
#map = affine_map<(d0, d1) -> (0, 0, 0)>
#map1 = affine_map<(d0, d1) -> (0, 0)>
module attributes {stable_mosaic.version = 14 : i64} {
  func.func @sc_embed(%arg0: i32, %arg1: i32, %arg2: memref<32x5x64xi32, #tpu.memory_space<hbm>>, %arg3: memref<100000x256xf32, #tpu.memory_space<hbm>>, %arg4: memref<10240x256xf32, #tpu.memory_space<hbm>>, %arg5: memref<5x64xi32, #tpu.memory_space<vmem>>, %arg6: memref<64x256xf32, #tpu.memory_space<vmem>>, %arg7: memref<64x256xf32, #tpu.memory_space<vmem>>, %arg8: memref<!tpu.dma_semaphore, #tpu.memory_space<semaphore_mem>>, %arg9: memref<!tpu.dma_semaphore, #tpu.memory_space<semaphore_mem>>) attributes {dimension_semantics = [#tpu.dimension_semantics<core_parallel>, #tpu.dimension_semantics<subcore_parallel>], iteration_bounds = array<i64: 2, 16>, scalar_prefetch = 0 : i64, scratch_operands = 5 : i64, tpu.core_type = #tpu.core_type<sc_vector_subcore>, window_params = [{transform_indices = #map}, {transform_indices = #map1}, {transform_indices = #map1}]} {
    %mul3A = arith.constant 2 : i32
    %mul3A_0 = arith.muli %arg1, %mul3A : i32
    %add3A = arith.addi %mul3A_0, %arg0 : i32
    "tpu.region"() ({
      %run_scoped3A = tpu.sem_alloc : memref<!tpu.dma_semaphore, #tpu.memory_space<semaphore_mem>>
      %dma_start3A_89 = arith.constant 0 : i32
      %dma_start3A_90 = arith.constant 0 : i32
      %dma_start3A_91 = tpu.memref_slice %arg2[%add3A, %dma_start3A_89, %dma_start3A_90] : memref<32x5x64xi32, #tpu.memory_space<hbm>> -> memref<1x5x64xi32, #tpu.memory_space<hbm>>
      %dma_start3A_92 = tpu.memref_squeeze %dma_start3A_91 : memref<1x5x64xi32, #tpu.memory_space<hbm>> -> memref<5x64xi32, #tpu.memory_space<hbm>>
      %dma_start3A_93 = arith.constant 0 : i32
      %dma_start3A_94 = arith.constant 0 : i32
      %dma_start3A_95 = tpu.memref_slice %arg2[%add3A, %dma_start3A_93, %dma_start3A_94] : memref<32x5x64xi32, #tpu.memory_space<hbm>> -> memref<1x5x64xi32, #tpu.memory_space<hbm>>
      %dma_start3A_96 = tpu.memref_squeeze %dma_start3A_95 : memref<1x5x64xi32, #tpu.memory_space<hbm>> -> memref<5x64xi32, #tpu.memory_space<hbm>>
      tpu.enqueue_dma source(%dma_start3A_96 : memref<5x64xi32, #tpu.memory_space<hbm>>) target(%arg5 : memref<5x64xi32, #tpu.memory_space<vmem>>) target_semaphore(%run_scoped3A : memref<!tpu.dma_semaphore, #tpu.memory_space<semaphore_mem>>)
      %dma_wait3A_97 = arith.constant 0 : i32
      %dma_wait3A_98 = arith.constant 0 : i32
      %dma_wait3A_99 = tpu.memref_slice %arg2[%add3A, %dma_wait3A_97, %dma_wait3A_98] : memref<32x5x64xi32, #tpu.memory_space<hbm>> -> memref<1x5x64xi32, #tpu.memory_space<hbm>>
      %dma_wait3A_100 = tpu.memref_squeeze %dma_wait3A_99 : memref<1x5x64xi32, #tpu.memory_space<hbm>> -> memref<5x64xi32, #tpu.memory_space<hbm>>
      %dma_wait3A_101 = arith.constant 0 : i32
      %dma_wait3A_102 = arith.constant 0 : i32
      %dma_wait3A_103 = tpu.memref_slice %arg2[%add3A, %dma_wait3A_101, %dma_wait3A_102] : memref<32x5x64xi32, #tpu.memory_space<hbm>> -> memref<1x5x64xi32, #tpu.memory_space<hbm>>
      %dma_wait3A_104 = tpu.memref_squeeze %dma_wait3A_103 : memref<1x5x64xi32, #tpu.memory_space<hbm>> -> memref<5x64xi32, #tpu.memory_space<hbm>>
      tpu.wait_dma2 semaphore(%run_scoped3A : memref<!tpu.dma_semaphore, #tpu.memory_space<semaphore_mem>>) src(%dma_wait3A_104 : memref<5x64xi32, #tpu.memory_space<hbm>>) dst(%arg5 : memref<5x64xi32, #tpu.memory_space<vmem>>)
      tpu.yield
    }) : () -> ()
    %dma_start3A = arith.constant 0 : i32
    %dma_start3A_1 = arith.constant 0 : i32
    %dma_start3A_2 = tpu.memref_slice %arg5[%dma_start3A, %dma_start3A_1] : memref<5x64xi32, #tpu.memory_space<vmem>> -> memref<1x64xi32, #tpu.memory_space<vmem>>
    %dma_start3A_3 = tpu.memref_squeeze %dma_start3A_2 : memref<1x64xi32, #tpu.memory_space<vmem>> -> memref<64xi32, #tpu.memory_space<vmem>>
    %dma_start3A_4 = arith.constant 0 : i32
    %dma_start3A_5 = arith.constant 0 : i32
    %dma_start3A_6 = tpu.memref_slice %arg3[%dma_start3A_4, %dma_start3A_5] : memref<100000x256xf32, #tpu.memory_space<hbm>> -> memref<100000x256xf32, #tpu.memory_space<hbm>>
    tpu.enqueue_indirect_dma source(%dma_start3A_6 : memref<100000x256xf32, #tpu.memory_space<hbm>>) target(%arg6 : memref<64x256xf32, #tpu.memory_space<vmem>>) offsets(%dma_start3A_3 : memref<64xi32, #tpu.memory_space<vmem>>) semaphore(%arg8 : memref<!tpu.dma_semaphore, #tpu.memory_space<semaphore_mem>>)
    %dma_start3A_7 = arith.constant 1 : i32
    %dma_start3A_8 = arith.constant 0 : i32
    %dma_start3A_9 = tpu.memref_slice %arg5[%dma_start3A_7, %dma_start3A_8] : memref<5x64xi32, #tpu.memory_space<vmem>> -> memref<1x64xi32, #tpu.memory_space<vmem>>
    %dma_start3A_10 = tpu.memref_squeeze %dma_start3A_9 : memref<1x64xi32, #tpu.memory_space<vmem>> -> memref<64xi32, #tpu.memory_space<vmem>>
    %dma_start3A_11 = arith.constant 0 : i32
    %dma_start3A_12 = arith.constant 0 : i32
    %dma_start3A_13 = tpu.memref_slice %arg3[%dma_start3A_11, %dma_start3A_12] : memref<100000x256xf32, #tpu.memory_space<hbm>> -> memref<100000x256xf32, #tpu.memory_space<hbm>>
    tpu.enqueue_indirect_dma source(%dma_start3A_13 : memref<100000x256xf32, #tpu.memory_space<hbm>>) target(%arg7 : memref<64x256xf32, #tpu.memory_space<vmem>>) offsets(%dma_start3A_10 : memref<64xi32, #tpu.memory_space<vmem>>) semaphore(%arg9 : memref<!tpu.dma_semaphore, #tpu.memory_space<semaphore_mem>>)
    %dma_wait3A = arith.constant 0 : i32
    %dma_wait3A_14 = arith.constant 0 : i32
    %dma_wait3A_15 = tpu.memref_slice %arg5[%dma_wait3A, %dma_wait3A_14] : memref<5x64xi32, #tpu.memory_space<vmem>> -> memref<1x64xi32, #tpu.memory_space<vmem>>
    %dma_wait3A_16 = tpu.memref_squeeze %dma_wait3A_15 : memref<1x64xi32, #tpu.memory_space<vmem>> -> memref<64xi32, #tpu.memory_space<vmem>>
    %dma_wait3A_17 = arith.constant 0 : i32
    %dma_wait3A_18 = arith.constant 0 : i32
    %dma_wait3A_19 = tpu.memref_slice %arg3[%dma_wait3A_17, %dma_wait3A_18] : memref<100000x256xf32, #tpu.memory_space<hbm>> -> memref<100000x256xf32, #tpu.memory_space<hbm>>
    tpu.wait_indirect_dma semaphore(%arg8 : memref<!tpu.dma_semaphore, #tpu.memory_space<semaphore_mem>>) src(%dma_wait3A_19 : memref<100000x256xf32, #tpu.memory_space<hbm>>) dst(%arg6 : memref<64x256xf32, #tpu.memory_space<vmem>>)
    %mul3A_20 = arith.constant 320 : i32
    %mul3A_21 = arith.muli %add3A, %mul3A_20 : i32
    %add3A_22 = arith.constant 0 : i32
    %add3A_23 = arith.addi %mul3A_21, %add3A_22 : i32
    "tpu.region"() ({
      %run_scoped3A = tpu.sem_alloc : memref<!tpu.dma_semaphore, #tpu.memory_space<semaphore_mem>>
      %dma_start3A_89 = arith.constant 0 : i32
      %dma_start3A_90 = tpu.memref_slice %arg4[%add3A_23, %dma_start3A_89] : memref<10240x256xf32, #tpu.memory_space<hbm>> -> memref<64x256xf32, #tpu.memory_space<hbm>>
      %dma_start3A_91 = arith.constant 0 : i32
      %dma_start3A_92 = tpu.memref_slice %arg4[%add3A_23, %dma_start3A_91] : memref<10240x256xf32, #tpu.memory_space<hbm>> -> memref<64x256xf32, #tpu.memory_space<hbm>>
      tpu.enqueue_dma source(%arg6 : memref<64x256xf32, #tpu.memory_space<vmem>>) target(%dma_start3A_92 : memref<64x256xf32, #tpu.memory_space<hbm>>) target_semaphore(%run_scoped3A : memref<!tpu.dma_semaphore, #tpu.memory_space<semaphore_mem>>)
      %dma_wait3A_93 = arith.constant 0 : i32
      %dma_wait3A_94 = tpu.memref_slice %arg4[%add3A_23, %dma_wait3A_93] : memref<10240x256xf32, #tpu.memory_space<hbm>> -> memref<64x256xf32, #tpu.memory_space<hbm>>
      %dma_wait3A_95 = arith.constant 0 : i32
      %dma_wait3A_96 = tpu.memref_slice %arg4[%add3A_23, %dma_wait3A_95] : memref<10240x256xf32, #tpu.memory_space<hbm>> -> memref<64x256xf32, #tpu.memory_space<hbm>>
      tpu.wait_dma2 semaphore(%run_scoped3A : memref<!tpu.dma_semaphore, #tpu.memory_space<semaphore_mem>>) src(%arg6 : memref<64x256xf32, #tpu.memory_space<vmem>>) dst(%dma_wait3A_96 : memref<64x256xf32, #tpu.memory_space<hbm>>)
      tpu.yield
    }) : () -> ()
    %dma_start3A_24 = arith.constant 2 : i32
    %dma_start3A_25 = arith.constant 0 : i32
    %dma_start3A_26 = tpu.memref_slice %arg5[%dma_start3A_24, %dma_start3A_25] : memref<5x64xi32, #tpu.memory_space<vmem>> -> memref<1x64xi32, #tpu.memory_space<vmem>>
    %dma_start3A_27 = tpu.memref_squeeze %dma_start3A_26 : memref<1x64xi32, #tpu.memory_space<vmem>> -> memref<64xi32, #tpu.memory_space<vmem>>
    %dma_start3A_28 = arith.constant 0 : i32
    %dma_start3A_29 = arith.constant 0 : i32
    %dma_start3A_30 = tpu.memref_slice %arg3[%dma_start3A_28, %dma_start3A_29] : memref<100000x256xf32, #tpu.memory_space<hbm>> -> memref<100000x256xf32, #tpu.memory_space<hbm>>
    tpu.enqueue_indirect_dma source(%dma_start3A_30 : memref<100000x256xf32, #tpu.memory_space<hbm>>) target(%arg6 : memref<64x256xf32, #tpu.memory_space<vmem>>) offsets(%dma_start3A_27 : memref<64xi32, #tpu.memory_space<vmem>>) semaphore(%arg8 : memref<!tpu.dma_semaphore, #tpu.memory_space<semaphore_mem>>)
    %dma_wait3A_31 = arith.constant 1 : i32
    %dma_wait3A_32 = arith.constant 0 : i32
    %dma_wait3A_33 = tpu.memref_slice %arg5[%dma_wait3A_31, %dma_wait3A_32] : memref<5x64xi32, #tpu.memory_space<vmem>> -> memref<1x64xi32, #tpu.memory_space<vmem>>
    %dma_wait3A_34 = tpu.memref_squeeze %dma_wait3A_33 : memref<1x64xi32, #tpu.memory_space<vmem>> -> memref<64xi32, #tpu.memory_space<vmem>>
    %dma_wait3A_35 = arith.constant 0 : i32
    %dma_wait3A_36 = arith.constant 0 : i32
    %dma_wait3A_37 = tpu.memref_slice %arg3[%dma_wait3A_35, %dma_wait3A_36] : memref<100000x256xf32, #tpu.memory_space<hbm>> -> memref<100000x256xf32, #tpu.memory_space<hbm>>
    tpu.wait_indirect_dma semaphore(%arg9 : memref<!tpu.dma_semaphore, #tpu.memory_space<semaphore_mem>>) src(%dma_wait3A_37 : memref<100000x256xf32, #tpu.memory_space<hbm>>) dst(%arg7 : memref<64x256xf32, #tpu.memory_space<vmem>>)
    %mul3A_38 = arith.constant 320 : i32
    %mul3A_39 = arith.muli %add3A, %mul3A_38 : i32
    %add3A_40 = arith.constant 64 : i32
    %add3A_41 = arith.addi %mul3A_39, %add3A_40 : i32
    "tpu.region"() ({
      %run_scoped3A = tpu.sem_alloc : memref<!tpu.dma_semaphore, #tpu.memory_space<semaphore_mem>>
      %dma_start3A_89 = arith.constant 0 : i32
      %dma_start3A_90 = tpu.memref_slice %arg4[%add3A_41, %dma_start3A_89] : memref<10240x256xf32, #tpu.memory_space<hbm>> -> memref<64x256xf32, #tpu.memory_space<hbm>>
      %dma_start3A_91 = arith.constant 0 : i32
      %dma_start3A_92 = tpu.memref_slice %arg4[%add3A_41, %dma_start3A_91] : memref<10240x256xf32, #tpu.memory_space<hbm>> -> memref<64x256xf32, #tpu.memory_space<hbm>>
      tpu.enqueue_dma source(%arg7 : memref<64x256xf32, #tpu.memory_space<vmem>>) target(%dma_start3A_92 : memref<64x256xf32, #tpu.memory_space<hbm>>) target_semaphore(%run_scoped3A : memref<!tpu.dma_semaphore, #tpu.memory_space<semaphore_mem>>)
      %dma_wait3A_93 = arith.constant 0 : i32
      %dma_wait3A_94 = tpu.memref_slice %arg4[%add3A_41, %dma_wait3A_93] : memref<10240x256xf32, #tpu.memory_space<hbm>> -> memref<64x256xf32, #tpu.memory_space<hbm>>
      %dma_wait3A_95 = arith.constant 0 : i32
      %dma_wait3A_96 = tpu.memref_slice %arg4[%add3A_41, %dma_wait3A_95] : memref<10240x256xf32, #tpu.memory_space<hbm>> -> memref<64x256xf32, #tpu.memory_space<hbm>>
      tpu.wait_dma2 semaphore(%run_scoped3A : memref<!tpu.dma_semaphore, #tpu.memory_space<semaphore_mem>>) src(%arg7 : memref<64x256xf32, #tpu.memory_space<vmem>>) dst(%dma_wait3A_96 : memref<64x256xf32, #tpu.memory_space<hbm>>)
      tpu.yield
    }) : () -> ()
    %dma_start3A_42 = arith.constant 3 : i32
    %dma_start3A_43 = arith.constant 0 : i32
    %dma_start3A_44 = tpu.memref_slice %arg5[%dma_start3A_42, %dma_start3A_43] : memref<5x64xi32, #tpu.memory_space<vmem>> -> memref<1x64xi32, #tpu.memory_space<vmem>>
    %dma_start3A_45 = tpu.memref_squeeze %dma_start3A_44 : memref<1x64xi32, #tpu.memory_space<vmem>> -> memref<64xi32, #tpu.memory_space<vmem>>
    %dma_start3A_46 = arith.constant 0 : i32
    %dma_start3A_47 = arith.constant 0 : i32
    %dma_start3A_48 = tpu.memref_slice %arg3[%dma_start3A_46, %dma_start3A_47] : memref<100000x256xf32, #tpu.memory_space<hbm>> -> memref<100000x256xf32, #tpu.memory_space<hbm>>
    tpu.enqueue_indirect_dma source(%dma_start3A_48 : memref<100000x256xf32, #tpu.memory_space<hbm>>) target(%arg7 : memref<64x256xf32, #tpu.memory_space<vmem>>) offsets(%dma_start3A_45 : memref<64xi32, #tpu.memory_space<vmem>>) semaphore(%arg9 : memref<!tpu.dma_semaphore, #tpu.memory_space<semaphore_mem>>)
    %dma_wait3A_49 = arith.constant 2 : i32
    %dma_wait3A_50 = arith.constant 0 : i32
    %dma_wait3A_51 = tpu.memref_slice %arg5[%dma_wait3A_49, %dma_wait3A_50] : memref<5x64xi32, #tpu.memory_space<vmem>> -> memref<1x64xi32, #tpu.memory_space<vmem>>
    %dma_wait3A_52 = tpu.memref_squeeze %dma_wait3A_51 : memref<1x64xi32, #tpu.memory_space<vmem>> -> memref<64xi32, #tpu.memory_space<vmem>>
    %dma_wait3A_53 = arith.constant 0 : i32
    %dma_wait3A_54 = arith.constant 0 : i32
    %dma_wait3A_55 = tpu.memref_slice %arg3[%dma_wait3A_53, %dma_wait3A_54] : memref<100000x256xf32, #tpu.memory_space<hbm>> -> memref<100000x256xf32, #tpu.memory_space<hbm>>
    tpu.wait_indirect_dma semaphore(%arg8 : memref<!tpu.dma_semaphore, #tpu.memory_space<semaphore_mem>>) src(%dma_wait3A_55 : memref<100000x256xf32, #tpu.memory_space<hbm>>) dst(%arg6 : memref<64x256xf32, #tpu.memory_space<vmem>>)
    %mul3A_56 = arith.constant 320 : i32
    %mul3A_57 = arith.muli %add3A, %mul3A_56 : i32
    %add3A_58 = arith.constant 128 : i32
    %add3A_59 = arith.addi %mul3A_57, %add3A_58 : i32
    "tpu.region"() ({
      %run_scoped3A = tpu.sem_alloc : memref<!tpu.dma_semaphore, #tpu.memory_space<semaphore_mem>>
      %dma_start3A_89 = arith.constant 0 : i32
      %dma_start3A_90 = tpu.memref_slice %arg4[%add3A_59, %dma_start3A_89] : memref<10240x256xf32, #tpu.memory_space<hbm>> -> memref<64x256xf32, #tpu.memory_space<hbm>>
      %dma_start3A_91 = arith.constant 0 : i32
      %dma_start3A_92 = tpu.memref_slice %arg4[%add3A_59, %dma_start3A_91] : memref<10240x256xf32, #tpu.memory_space<hbm>> -> memref<64x256xf32, #tpu.memory_space<hbm>>
      tpu.enqueue_dma source(%arg6 : memref<64x256xf32, #tpu.memory_space<vmem>>) target(%dma_start3A_92 : memref<64x256xf32, #tpu.memory_space<hbm>>) target_semaphore(%run_scoped3A : memref<!tpu.dma_semaphore, #tpu.memory_space<semaphore_mem>>)
      %dma_wait3A_93 = arith.constant 0 : i32
      %dma_wait3A_94 = tpu.memref_slice %arg4[%add3A_59, %dma_wait3A_93] : memref<10240x256xf32, #tpu.memory_space<hbm>> -> memref<64x256xf32, #tpu.memory_space<hbm>>
      %dma_wait3A_95 = arith.constant 0 : i32
      %dma_wait3A_96 = tpu.memref_slice %arg4[%add3A_59, %dma_wait3A_95] : memref<10240x256xf32, #tpu.memory_space<hbm>> -> memref<64x256xf32, #tpu.memory_space<hbm>>
      tpu.wait_dma2 semaphore(%run_scoped3A : memref<!tpu.dma_semaphore, #tpu.memory_space<semaphore_mem>>) src(%arg6 : memref<64x256xf32, #tpu.memory_space<vmem>>) dst(%dma_wait3A_96 : memref<64x256xf32, #tpu.memory_space<hbm>>)
      tpu.yield
    }) : () -> ()
    %dma_start3A_60 = arith.constant 4 : i32
    %dma_start3A_61 = arith.constant 0 : i32
    %dma_start3A_62 = tpu.memref_slice %arg5[%dma_start3A_60, %dma_start3A_61] : memref<5x64xi32, #tpu.memory_space<vmem>> -> memref<1x64xi32, #tpu.memory_space<vmem>>
    %dma_start3A_63 = tpu.memref_squeeze %dma_start3A_62 : memref<1x64xi32, #tpu.memory_space<vmem>> -> memref<64xi32, #tpu.memory_space<vmem>>
    %dma_start3A_64 = arith.constant 0 : i32
    %dma_start3A_65 = arith.constant 0 : i32
    %dma_start3A_66 = tpu.memref_slice %arg3[%dma_start3A_64, %dma_start3A_65] : memref<100000x256xf32, #tpu.memory_space<hbm>> -> memref<100000x256xf32, #tpu.memory_space<hbm>>
    tpu.enqueue_indirect_dma source(%dma_start3A_66 : memref<100000x256xf32, #tpu.memory_space<hbm>>) target(%arg6 : memref<64x256xf32, #tpu.memory_space<vmem>>) offsets(%dma_start3A_63 : memref<64xi32, #tpu.memory_space<vmem>>) semaphore(%arg8 : memref<!tpu.dma_semaphore, #tpu.memory_space<semaphore_mem>>)
    %dma_wait3A_67 = arith.constant 3 : i32
    %dma_wait3A_68 = arith.constant 0 : i32
    %dma_wait3A_69 = tpu.memref_slice %arg5[%dma_wait3A_67, %dma_wait3A_68] : memref<5x64xi32, #tpu.memory_space<vmem>> -> memref<1x64xi32, #tpu.memory_space<vmem>>
    %dma_wait3A_70 = tpu.memref_squeeze %dma_wait3A_69 : memref<1x64xi32, #tpu.memory_space<vmem>> -> memref<64xi32, #tpu.memory_space<vmem>>
    %dma_wait3A_71 = arith.constant 0 : i32
    %dma_wait3A_72 = arith.constant 0 : i32
    %dma_wait3A_73 = tpu.memref_slice %arg3[%dma_wait3A_71, %dma_wait3A_72] : memref<100000x256xf32, #tpu.memory_space<hbm>> -> memref<100000x256xf32, #tpu.memory_space<hbm>>
    tpu.wait_indirect_dma semaphore(%arg9 : memref<!tpu.dma_semaphore, #tpu.memory_space<semaphore_mem>>) src(%dma_wait3A_73 : memref<100000x256xf32, #tpu.memory_space<hbm>>) dst(%arg7 : memref<64x256xf32, #tpu.memory_space<vmem>>)
    %mul3A_74 = arith.constant 320 : i32
    %mul3A_75 = arith.muli %add3A, %mul3A_74 : i32
    %add3A_76 = arith.constant 192 : i32
    %add3A_77 = arith.addi %mul3A_75, %add3A_76 : i32
    "tpu.region"() ({
      %run_scoped3A = tpu.sem_alloc : memref<!tpu.dma_semaphore, #tpu.memory_space<semaphore_mem>>
      %dma_start3A_89 = arith.constant 0 : i32
      %dma_start3A_90 = tpu.memref_slice %arg4[%add3A_77, %dma_start3A_89] : memref<10240x256xf32, #tpu.memory_space<hbm>> -> memref<64x256xf32, #tpu.memory_space<hbm>>
      %dma_start3A_91 = arith.constant 0 : i32
      %dma_start3A_92 = tpu.memref_slice %arg4[%add3A_77, %dma_start3A_91] : memref<10240x256xf32, #tpu.memory_space<hbm>> -> memref<64x256xf32, #tpu.memory_space<hbm>>
      tpu.enqueue_dma source(%arg7 : memref<64x256xf32, #tpu.memory_space<vmem>>) target(%dma_start3A_92 : memref<64x256xf32, #tpu.memory_space<hbm>>) target_semaphore(%run_scoped3A : memref<!tpu.dma_semaphore, #tpu.memory_space<semaphore_mem>>)
      %dma_wait3A_93 = arith.constant 0 : i32
      %dma_wait3A_94 = tpu.memref_slice %arg4[%add3A_77, %dma_wait3A_93] : memref<10240x256xf32, #tpu.memory_space<hbm>> -> memref<64x256xf32, #tpu.memory_space<hbm>>
      %dma_wait3A_95 = arith.constant 0 : i32
      %dma_wait3A_96 = tpu.memref_slice %arg4[%add3A_77, %dma_wait3A_95] : memref<10240x256xf32, #tpu.memory_space<hbm>> -> memref<64x256xf32, #tpu.memory_space<hbm>>
      tpu.wait_dma2 semaphore(%run_scoped3A : memref<!tpu.dma_semaphore, #tpu.memory_space<semaphore_mem>>) src(%arg7 : memref<64x256xf32, #tpu.memory_space<vmem>>) dst(%dma_wait3A_96 : memref<64x256xf32, #tpu.memory_space<hbm>>)
      tpu.yield
    }) : () -> ()
    %dma_wait3A_78 = arith.constant 4 : i32
    %dma_wait3A_79 = arith.constant 0 : i32
    %dma_wait3A_80 = tpu.memref_slice %arg5[%dma_wait3A_78, %dma_wait3A_79] : memref<5x64xi32, #tpu.memory_space<vmem>> -> memref<1x64xi32, #tpu.memory_space<vmem>>
    %dma_wait3A_81 = tpu.memref_squeeze %dma_wait3A_80 : memref<1x64xi32, #tpu.memory_space<vmem>> -> memref<64xi32, #tpu.memory_space<vmem>>
    %dma_wait3A_82 = arith.constant 0 : i32
    %dma_wait3A_83 = arith.constant 0 : i32
    %dma_wait3A_84 = tpu.memref_slice %arg3[%dma_wait3A_82, %dma_wait3A_83] : memref<100000x256xf32, #tpu.memory_space<hbm>> -> memref<100000x256xf32, #tpu.memory_space<hbm>>
    tpu.wait_indirect_dma semaphore(%arg8 : memref<!tpu.dma_semaphore, #tpu.memory_space<semaphore_mem>>) src(%dma_wait3A_84 : memref<100000x256xf32, #tpu.memory_space<hbm>>) dst(%arg6 : memref<64x256xf32, #tpu.memory_space<vmem>>)
    %mul3A_85 = arith.constant 320 : i32
    %mul3A_86 = arith.muli %add3A, %mul3A_85 : i32
    %add3A_87 = arith.constant 256 : i32
    %add3A_88 = arith.addi %mul3A_86, %add3A_87 : i32
    "tpu.region"() ({
      %run_scoped3A = tpu.sem_alloc : memref<!tpu.dma_semaphore, #tpu.memory_space<semaphore_mem>>
      %dma_start3A_89 = arith.constant 0 : i32
      %dma_start3A_90 = tpu.memref_slice %arg4[%add3A_88, %dma_start3A_89] : memref<10240x256xf32, #tpu.memory_space<hbm>> -> memref<64x256xf32, #tpu.memory_space<hbm>>
      %dma_start3A_91 = arith.constant 0 : i32
      %dma_start3A_92 = tpu.memref_slice %arg4[%add3A_88, %dma_start3A_91] : memref<10240x256xf32, #tpu.memory_space<hbm>> -> memref<64x256xf32, #tpu.memory_space<hbm>>
      tpu.enqueue_dma source(%arg6 : memref<64x256xf32, #tpu.memory_space<vmem>>) target(%dma_start3A_92 : memref<64x256xf32, #tpu.memory_space<hbm>>) target_semaphore(%run_scoped3A : memref<!tpu.dma_semaphore, #tpu.memory_space<semaphore_mem>>)
      %dma_wait3A_93 = arith.constant 0 : i32
      %dma_wait3A_94 = tpu.memref_slice %arg4[%add3A_88, %dma_wait3A_93] : memref<10240x256xf32, #tpu.memory_space<hbm>> -> memref<64x256xf32, #tpu.memory_space<hbm>>
      %dma_wait3A_95 = arith.constant 0 : i32
      %dma_wait3A_96 = tpu.memref_slice %arg4[%add3A_88, %dma_wait3A_95] : memref<10240x256xf32, #tpu.memory_space<hbm>> -> memref<64x256xf32, #tpu.memory_space<hbm>>
      tpu.wait_dma2 semaphore(%run_scoped3A : memref<!tpu.dma_semaphore, #tpu.memory_space<semaphore_mem>>) src(%arg6 : memref<64x256xf32, #tpu.memory_space<vmem>>) dst(%dma_wait3A_96 : memref<64x256xf32, #tpu.memory_space<hbm>>)
      tpu.yield
    }) : () -> ()
    return
  }
}

#map = affine_map<(d0, d1) -> (0, 0, 0)>
#map1 = affine_map<(d0, d1) -> (0, 0)>
module attributes {stable_mosaic.version = 14 : i64} {
  func.func @sc_deg(%arg0: i32, %arg1: i32, %arg2: memref<32x10x512xi32, #tpu.memory_space<hbm>>, %arg3: memref<10240x16xf32, #tpu.memory_space<hbm>>, %arg4: memref<512x16xf32, #tpu.memory_space<hbm>>, %arg5: memref<2x10240x16xf32, #tpu.memory_space<hbm>>, %arg6: memref<10x512xi32, #tpu.memory_space<vmem>>, %arg7: memref<512x16xf32, #tpu.memory_space<vmem>>, %arg8: memref<10240x16xf32, #tpu.memory_space<vmem_shared>>, %arg9: memref<!tpu.dma_semaphore, #tpu.memory_space<semaphore_mem>>) attributes {dimension_semantics = [#tpu.dimension_semantics<core_parallel>, #tpu.dimension_semantics<subcore_parallel>], iteration_bounds = array<i64: 2, 16>, scalar_prefetch = 0 : i64, scratch_operands = 4 : i64, tpu.core_type = #tpu.core_type<sc_vector_subcore>, window_params = [{transform_indices = #map}, {transform_indices = #map1}, {transform_indices = #map1}, {transform_indices = #map}]} {
    %mul3A = arith.constant 2 : i32
    %mul3A_0 = arith.muli %arg1, %mul3A : i32
    %add3A = arith.addi %mul3A_0, %arg0 : i32
    %mul3A_1 = arith.constant 640 : i32
    %mul3A_2 = arith.muli %arg1, %mul3A_1 : i32
    %mul3A_3 = arith.constant 640 : i32
    %mul3A_4 = arith.muli %arg1, %mul3A_3 : i32
    "tpu.region"() ({
      %run_scoped3A = tpu.sem_alloc : memref<!tpu.dma_semaphore, #tpu.memory_space<semaphore_mem>>
      %dma_start3A_148 = arith.constant 0 : i32
      %dma_start3A_149 = tpu.memref_slice %arg8[%mul3A_4, %dma_start3A_148] : memref<10240x16xf32, #tpu.memory_space<vmem_shared>> -> memref<640x16xf32, #tpu.memory_space<vmem_shared>>
      %dma_start3A_150 = arith.constant 0 : i32
      %dma_start3A_151 = tpu.memref_slice %arg3[%mul3A_2, %dma_start3A_150] : memref<10240x16xf32, #tpu.memory_space<hbm>> -> memref<640x16xf32, #tpu.memory_space<hbm>>
      tpu.enqueue_dma source(%dma_start3A_151 : memref<640x16xf32, #tpu.memory_space<hbm>>) target(%dma_start3A_149 : memref<640x16xf32, #tpu.memory_space<vmem_shared>>) target_semaphore(%run_scoped3A : memref<!tpu.dma_semaphore, #tpu.memory_space<semaphore_mem>>)
      %dma_wait3A_152 = arith.constant 0 : i32
      %dma_wait3A_153 = tpu.memref_slice %arg8[%mul3A_4, %dma_wait3A_152] : memref<10240x16xf32, #tpu.memory_space<vmem_shared>> -> memref<640x16xf32, #tpu.memory_space<vmem_shared>>
      %dma_wait3A_154 = arith.constant 0 : i32
      %dma_wait3A_155 = tpu.memref_slice %arg3[%mul3A_2, %dma_wait3A_154] : memref<10240x16xf32, #tpu.memory_space<hbm>> -> memref<640x16xf32, #tpu.memory_space<hbm>>
      tpu.wait_dma2 semaphore(%run_scoped3A : memref<!tpu.dma_semaphore, #tpu.memory_space<semaphore_mem>>) src(%dma_wait3A_155 : memref<640x16xf32, #tpu.memory_space<hbm>>) dst(%dma_wait3A_153 : memref<640x16xf32, #tpu.memory_space<vmem_shared>>)
      tpu.yield
    }) : () -> ()
    "tpu.region"() ({
      %run_scoped3A = tpu.sem_alloc : memref<!tpu.dma_semaphore, #tpu.memory_space<semaphore_mem>>
      tpu.enqueue_dma source(%arg4 : memref<512x16xf32, #tpu.memory_space<hbm>>) target(%arg7 : memref<512x16xf32, #tpu.memory_space<vmem>>) target_semaphore(%run_scoped3A : memref<!tpu.dma_semaphore, #tpu.memory_space<semaphore_mem>>)
      tpu.wait_dma2 semaphore(%run_scoped3A : memref<!tpu.dma_semaphore, #tpu.memory_space<semaphore_mem>>) src(%arg4 : memref<512x16xf32, #tpu.memory_space<hbm>>) dst(%arg7 : memref<512x16xf32, #tpu.memory_space<vmem>>)
      tpu.yield
    }) : () -> ()
    "tpu.region"() ({
      %run_scoped3A = tpu.sem_alloc : memref<!tpu.dma_semaphore, #tpu.memory_space<semaphore_mem>>
      %dma_start3A_148 = arith.constant 0 : i32
      %dma_start3A_149 = arith.constant 0 : i32
      %dma_start3A_150 = tpu.memref_slice %arg2[%add3A, %dma_start3A_148, %dma_start3A_149] : memref<32x10x512xi32, #tpu.memory_space<hbm>> -> memref<1x10x512xi32, #tpu.memory_space<hbm>>
      %dma_start3A_151 = tpu.memref_squeeze %dma_start3A_150 : memref<1x10x512xi32, #tpu.memory_space<hbm>> -> memref<10x512xi32, #tpu.memory_space<hbm>>
      %dma_start3A_152 = arith.constant 0 : i32
      %dma_start3A_153 = arith.constant 0 : i32
      %dma_start3A_154 = tpu.memref_slice %arg2[%add3A, %dma_start3A_152, %dma_start3A_153] : memref<32x10x512xi32, #tpu.memory_space<hbm>> -> memref<1x10x512xi32, #tpu.memory_space<hbm>>
      %dma_start3A_155 = tpu.memref_squeeze %dma_start3A_154 : memref<1x10x512xi32, #tpu.memory_space<hbm>> -> memref<10x512xi32, #tpu.memory_space<hbm>>
      tpu.enqueue_dma source(%dma_start3A_155 : memref<10x512xi32, #tpu.memory_space<hbm>>) target(%arg6 : memref<10x512xi32, #tpu.memory_space<vmem>>) target_semaphore(%run_scoped3A : memref<!tpu.dma_semaphore, #tpu.memory_space<semaphore_mem>>)
      %dma_wait3A_156 = arith.constant 0 : i32
      %dma_wait3A_157 = arith.constant 0 : i32
      %dma_wait3A_158 = tpu.memref_slice %arg2[%add3A, %dma_wait3A_156, %dma_wait3A_157] : memref<32x10x512xi32, #tpu.memory_space<hbm>> -> memref<1x10x512xi32, #tpu.memory_space<hbm>>
      %dma_wait3A_159 = tpu.memref_squeeze %dma_wait3A_158 : memref<1x10x512xi32, #tpu.memory_space<hbm>> -> memref<10x512xi32, #tpu.memory_space<hbm>>
      %dma_wait3A_160 = arith.constant 0 : i32
      %dma_wait3A_161 = arith.constant 0 : i32
      %dma_wait3A_162 = tpu.memref_slice %arg2[%add3A, %dma_wait3A_160, %dma_wait3A_161] : memref<32x10x512xi32, #tpu.memory_space<hbm>> -> memref<1x10x512xi32, #tpu.memory_space<hbm>>
      %dma_wait3A_163 = tpu.memref_squeeze %dma_wait3A_162 : memref<1x10x512xi32, #tpu.memory_space<hbm>> -> memref<10x512xi32, #tpu.memory_space<hbm>>
      tpu.wait_dma2 semaphore(%run_scoped3A : memref<!tpu.dma_semaphore, #tpu.memory_space<semaphore_mem>>) src(%dma_wait3A_163 : memref<10x512xi32, #tpu.memory_space<hbm>>) dst(%arg6 : memref<10x512xi32, #tpu.memory_space<vmem>>)
      tpu.yield
    }) : () -> ()
    %barrier3A = arith.constant 0 : index
    tpu.barrier barrier_id(%barrier3A)
    %dma_start3A = arith.constant 0 : i32
    %dma_start3A_5 = arith.constant 0 : i32
    %dma_start3A_6 = tpu.memref_slice %arg6[%dma_start3A, %dma_start3A_5] : memref<10x512xi32, #tpu.memory_space<vmem>> -> memref<1x512xi32, #tpu.memory_space<vmem>>
    %dma_start3A_7 = tpu.memref_squeeze %dma_start3A_6 : memref<1x512xi32, #tpu.memory_space<vmem>> -> memref<512xi32, #tpu.memory_space<vmem>>
    %dma_start3A_8 = arith.constant 0 : i32
    %dma_start3A_9 = arith.constant 0 : i32
    %dma_start3A_10 = tpu.memref_slice %arg8[%dma_start3A_8, %dma_start3A_9] : memref<10240x16xf32, #tpu.memory_space<vmem_shared>> -> memref<10240x16xf32, #tpu.memory_space<vmem_shared>>
    tpu.enqueue_indirect_dma source(%arg7 : memref<512x16xf32, #tpu.memory_space<vmem>>) target(%dma_start3A_10 : memref<10240x16xf32, #tpu.memory_space<vmem_shared>>) offsets(%dma_start3A_7 : memref<512xi32, #tpu.memory_space<vmem>>) semaphore(%arg9 : memref<!tpu.dma_semaphore, #tpu.memory_space<semaphore_mem>>) {add = true}
    %dma_start3A_11 = arith.constant 1 : i32
    %dma_start3A_12 = arith.constant 0 : i32
    %dma_start3A_13 = tpu.memref_slice %arg6[%dma_start3A_11, %dma_start3A_12] : memref<10x512xi32, #tpu.memory_space<vmem>> -> memref<1x512xi32, #tpu.memory_space<vmem>>
    %dma_start3A_14 = tpu.memref_squeeze %dma_start3A_13 : memref<1x512xi32, #tpu.memory_space<vmem>> -> memref<512xi32, #tpu.memory_space<vmem>>
    %dma_start3A_15 = arith.constant 0 : i32
    %dma_start3A_16 = arith.constant 0 : i32
    %dma_start3A_17 = tpu.memref_slice %arg8[%dma_start3A_15, %dma_start3A_16] : memref<10240x16xf32, #tpu.memory_space<vmem_shared>> -> memref<10240x16xf32, #tpu.memory_space<vmem_shared>>
    tpu.enqueue_indirect_dma source(%arg7 : memref<512x16xf32, #tpu.memory_space<vmem>>) target(%dma_start3A_17 : memref<10240x16xf32, #tpu.memory_space<vmem_shared>>) offsets(%dma_start3A_14 : memref<512xi32, #tpu.memory_space<vmem>>) semaphore(%arg9 : memref<!tpu.dma_semaphore, #tpu.memory_space<semaphore_mem>>) {add = true}
    %dma_start3A_18 = arith.constant 2 : i32
    %dma_start3A_19 = arith.constant 0 : i32
    %dma_start3A_20 = tpu.memref_slice %arg6[%dma_start3A_18, %dma_start3A_19] : memref<10x512xi32, #tpu.memory_space<vmem>> -> memref<1x512xi32, #tpu.memory_space<vmem>>
    %dma_start3A_21 = tpu.memref_squeeze %dma_start3A_20 : memref<1x512xi32, #tpu.memory_space<vmem>> -> memref<512xi32, #tpu.memory_space<vmem>>
    %dma_start3A_22 = arith.constant 0 : i32
    %dma_start3A_23 = arith.constant 0 : i32
    %dma_start3A_24 = tpu.memref_slice %arg8[%dma_start3A_22, %dma_start3A_23] : memref<10240x16xf32, #tpu.memory_space<vmem_shared>> -> memref<10240x16xf32, #tpu.memory_space<vmem_shared>>
    tpu.enqueue_indirect_dma source(%arg7 : memref<512x16xf32, #tpu.memory_space<vmem>>) target(%dma_start3A_24 : memref<10240x16xf32, #tpu.memory_space<vmem_shared>>) offsets(%dma_start3A_21 : memref<512xi32, #tpu.memory_space<vmem>>) semaphore(%arg9 : memref<!tpu.dma_semaphore, #tpu.memory_space<semaphore_mem>>) {add = true}
    %dma_start3A_25 = arith.constant 3 : i32
    %dma_start3A_26 = arith.constant 0 : i32
    %dma_start3A_27 = tpu.memref_slice %arg6[%dma_start3A_25, %dma_start3A_26] : memref<10x512xi32, #tpu.memory_space<vmem>> -> memref<1x512xi32, #tpu.memory_space<vmem>>
    %dma_start3A_28 = tpu.memref_squeeze %dma_start3A_27 : memref<1x512xi32, #tpu.memory_space<vmem>> -> memref<512xi32, #tpu.memory_space<vmem>>
    %dma_start3A_29 = arith.constant 0 : i32
    %dma_start3A_30 = arith.constant 0 : i32
    %dma_start3A_31 = tpu.memref_slice %arg8[%dma_start3A_29, %dma_start3A_30] : memref<10240x16xf32, #tpu.memory_space<vmem_shared>> -> memref<10240x16xf32, #tpu.memory_space<vmem_shared>>
    tpu.enqueue_indirect_dma source(%arg7 : memref<512x16xf32, #tpu.memory_space<vmem>>) target(%dma_start3A_31 : memref<10240x16xf32, #tpu.memory_space<vmem_shared>>) offsets(%dma_start3A_28 : memref<512xi32, #tpu.memory_space<vmem>>) semaphore(%arg9 : memref<!tpu.dma_semaphore, #tpu.memory_space<semaphore_mem>>) {add = true}
    %dma_start3A_32 = arith.constant 4 : i32
    %dma_start3A_33 = arith.constant 0 : i32
    %dma_start3A_34 = tpu.memref_slice %arg6[%dma_start3A_32, %dma_start3A_33] : memref<10x512xi32, #tpu.memory_space<vmem>> -> memref<1x512xi32, #tpu.memory_space<vmem>>
    %dma_start3A_35 = tpu.memref_squeeze %dma_start3A_34 : memref<1x512xi32, #tpu.memory_space<vmem>> -> memref<512xi32, #tpu.memory_space<vmem>>
    %dma_start3A_36 = arith.constant 0 : i32
    %dma_start3A_37 = arith.constant 0 : i32
    %dma_start3A_38 = tpu.memref_slice %arg8[%dma_start3A_36, %dma_start3A_37] : memref<10240x16xf32, #tpu.memory_space<vmem_shared>> -> memref<10240x16xf32, #tpu.memory_space<vmem_shared>>
    tpu.enqueue_indirect_dma source(%arg7 : memref<512x16xf32, #tpu.memory_space<vmem>>) target(%dma_start3A_38 : memref<10240x16xf32, #tpu.memory_space<vmem_shared>>) offsets(%dma_start3A_35 : memref<512xi32, #tpu.memory_space<vmem>>) semaphore(%arg9 : memref<!tpu.dma_semaphore, #tpu.memory_space<semaphore_mem>>) {add = true}
    %dma_start3A_39 = arith.constant 5 : i32
    %dma_start3A_40 = arith.constant 0 : i32
    %dma_start3A_41 = tpu.memref_slice %arg6[%dma_start3A_39, %dma_start3A_40] : memref<10x512xi32, #tpu.memory_space<vmem>> -> memref<1x512xi32, #tpu.memory_space<vmem>>
    %dma_start3A_42 = tpu.memref_squeeze %dma_start3A_41 : memref<1x512xi32, #tpu.memory_space<vmem>> -> memref<512xi32, #tpu.memory_space<vmem>>
    %dma_start3A_43 = arith.constant 0 : i32
    %dma_start3A_44 = arith.constant 0 : i32
    %dma_start3A_45 = tpu.memref_slice %arg8[%dma_start3A_43, %dma_start3A_44] : memref<10240x16xf32, #tpu.memory_space<vmem_shared>> -> memref<10240x16xf32, #tpu.memory_space<vmem_shared>>
    tpu.enqueue_indirect_dma source(%arg7 : memref<512x16xf32, #tpu.memory_space<vmem>>) target(%dma_start3A_45 : memref<10240x16xf32, #tpu.memory_space<vmem_shared>>) offsets(%dma_start3A_42 : memref<512xi32, #tpu.memory_space<vmem>>) semaphore(%arg9 : memref<!tpu.dma_semaphore, #tpu.memory_space<semaphore_mem>>) {add = true}
    %dma_start3A_46 = arith.constant 6 : i32
    %dma_start3A_47 = arith.constant 0 : i32
    %dma_start3A_48 = tpu.memref_slice %arg6[%dma_start3A_46, %dma_start3A_47] : memref<10x512xi32, #tpu.memory_space<vmem>> -> memref<1x512xi32, #tpu.memory_space<vmem>>
    %dma_start3A_49 = tpu.memref_squeeze %dma_start3A_48 : memref<1x512xi32, #tpu.memory_space<vmem>> -> memref<512xi32, #tpu.memory_space<vmem>>
    %dma_start3A_50 = arith.constant 0 : i32
    %dma_start3A_51 = arith.constant 0 : i32
    %dma_start3A_52 = tpu.memref_slice %arg8[%dma_start3A_50, %dma_start3A_51] : memref<10240x16xf32, #tpu.memory_space<vmem_shared>> -> memref<10240x16xf32, #tpu.memory_space<vmem_shared>>
    tpu.enqueue_indirect_dma source(%arg7 : memref<512x16xf32, #tpu.memory_space<vmem>>) target(%dma_start3A_52 : memref<10240x16xf32, #tpu.memory_space<vmem_shared>>) offsets(%dma_start3A_49 : memref<512xi32, #tpu.memory_space<vmem>>) semaphore(%arg9 : memref<!tpu.dma_semaphore, #tpu.memory_space<semaphore_mem>>) {add = true}
    %dma_start3A_53 = arith.constant 7 : i32
    %dma_start3A_54 = arith.constant 0 : i32
    %dma_start3A_55 = tpu.memref_slice %arg6[%dma_start3A_53, %dma_start3A_54] : memref<10x512xi32, #tpu.memory_space<vmem>> -> memref<1x512xi32, #tpu.memory_space<vmem>>
    %dma_start3A_56 = tpu.memref_squeeze %dma_start3A_55 : memref<1x512xi32, #tpu.memory_space<vmem>> -> memref<512xi32, #tpu.memory_space<vmem>>
    %dma_start3A_57 = arith.constant 0 : i32
    %dma_start3A_58 = arith.constant 0 : i32
    %dma_start3A_59 = tpu.memref_slice %arg8[%dma_start3A_57, %dma_start3A_58] : memref<10240x16xf32, #tpu.memory_space<vmem_shared>> -> memref<10240x16xf32, #tpu.memory_space<vmem_shared>>
    tpu.enqueue_indirect_dma source(%arg7 : memref<512x16xf32, #tpu.memory_space<vmem>>) target(%dma_start3A_59 : memref<10240x16xf32, #tpu.memory_space<vmem_shared>>) offsets(%dma_start3A_56 : memref<512xi32, #tpu.memory_space<vmem>>) semaphore(%arg9 : memref<!tpu.dma_semaphore, #tpu.memory_space<semaphore_mem>>) {add = true}
    %dma_start3A_60 = arith.constant 8 : i32
    %dma_start3A_61 = arith.constant 0 : i32
    %dma_start3A_62 = tpu.memref_slice %arg6[%dma_start3A_60, %dma_start3A_61] : memref<10x512xi32, #tpu.memory_space<vmem>> -> memref<1x512xi32, #tpu.memory_space<vmem>>
    %dma_start3A_63 = tpu.memref_squeeze %dma_start3A_62 : memref<1x512xi32, #tpu.memory_space<vmem>> -> memref<512xi32, #tpu.memory_space<vmem>>
    %dma_start3A_64 = arith.constant 0 : i32
    %dma_start3A_65 = arith.constant 0 : i32
    %dma_start3A_66 = tpu.memref_slice %arg8[%dma_start3A_64, %dma_start3A_65] : memref<10240x16xf32, #tpu.memory_space<vmem_shared>> -> memref<10240x16xf32, #tpu.memory_space<vmem_shared>>
    tpu.enqueue_indirect_dma source(%arg7 : memref<512x16xf32, #tpu.memory_space<vmem>>) target(%dma_start3A_66 : memref<10240x16xf32, #tpu.memory_space<vmem_shared>>) offsets(%dma_start3A_63 : memref<512xi32, #tpu.memory_space<vmem>>) semaphore(%arg9 : memref<!tpu.dma_semaphore, #tpu.memory_space<semaphore_mem>>) {add = true}
    %dma_start3A_67 = arith.constant 9 : i32
    %dma_start3A_68 = arith.constant 0 : i32
    %dma_start3A_69 = tpu.memref_slice %arg6[%dma_start3A_67, %dma_start3A_68] : memref<10x512xi32, #tpu.memory_space<vmem>> -> memref<1x512xi32, #tpu.memory_space<vmem>>
    %dma_start3A_70 = tpu.memref_squeeze %dma_start3A_69 : memref<1x512xi32, #tpu.memory_space<vmem>> -> memref<512xi32, #tpu.memory_space<vmem>>
    %dma_start3A_71 = arith.constant 0 : i32
    %dma_start3A_72 = arith.constant 0 : i32
    %dma_start3A_73 = tpu.memref_slice %arg8[%dma_start3A_71, %dma_start3A_72] : memref<10240x16xf32, #tpu.memory_space<vmem_shared>> -> memref<10240x16xf32, #tpu.memory_space<vmem_shared>>
    tpu.enqueue_indirect_dma source(%arg7 : memref<512x16xf32, #tpu.memory_space<vmem>>) target(%dma_start3A_73 : memref<10240x16xf32, #tpu.memory_space<vmem_shared>>) offsets(%dma_start3A_70 : memref<512xi32, #tpu.memory_space<vmem>>) semaphore(%arg9 : memref<!tpu.dma_semaphore, #tpu.memory_space<semaphore_mem>>) {add = true}
    %dma_wait3A = arith.constant 0 : i32
    %dma_wait3A_74 = arith.constant 0 : i32
    %dma_wait3A_75 = tpu.memref_slice %arg6[%dma_wait3A, %dma_wait3A_74] : memref<10x512xi32, #tpu.memory_space<vmem>> -> memref<1x512xi32, #tpu.memory_space<vmem>>
    %dma_wait3A_76 = tpu.memref_squeeze %dma_wait3A_75 : memref<1x512xi32, #tpu.memory_space<vmem>> -> memref<512xi32, #tpu.memory_space<vmem>>
    %dma_wait3A_77 = arith.constant 0 : i32
    %dma_wait3A_78 = arith.constant 0 : i32
    %dma_wait3A_79 = tpu.memref_slice %arg8[%dma_wait3A_77, %dma_wait3A_78] : memref<10240x16xf32, #tpu.memory_space<vmem_shared>> -> memref<10240x16xf32, #tpu.memory_space<vmem_shared>>
    tpu.wait_indirect_dma semaphore(%arg9 : memref<!tpu.dma_semaphore, #tpu.memory_space<semaphore_mem>>) src(%arg7 : memref<512x16xf32, #tpu.memory_space<vmem>>) dst(%dma_wait3A_79 : memref<10240x16xf32, #tpu.memory_space<vmem_shared>>)
    %dma_wait3A_80 = arith.constant 0 : i32
    %dma_wait3A_81 = arith.constant 0 : i32
    %dma_wait3A_82 = tpu.memref_slice %arg6[%dma_wait3A_80, %dma_wait3A_81] : memref<10x512xi32, #tpu.memory_space<vmem>> -> memref<1x512xi32, #tpu.memory_space<vmem>>
    %dma_wait3A_83 = tpu.memref_squeeze %dma_wait3A_82 : memref<1x512xi32, #tpu.memory_space<vmem>> -> memref<512xi32, #tpu.memory_space<vmem>>
    %dma_wait3A_84 = arith.constant 0 : i32
    %dma_wait3A_85 = arith.constant 0 : i32
    %dma_wait3A_86 = tpu.memref_slice %arg8[%dma_wait3A_84, %dma_wait3A_85] : memref<10240x16xf32, #tpu.memory_space<vmem_shared>> -> memref<10240x16xf32, #tpu.memory_space<vmem_shared>>
    tpu.wait_indirect_dma semaphore(%arg9 : memref<!tpu.dma_semaphore, #tpu.memory_space<semaphore_mem>>) src(%arg7 : memref<512x16xf32, #tpu.memory_space<vmem>>) dst(%dma_wait3A_86 : memref<10240x16xf32, #tpu.memory_space<vmem_shared>>)
    %dma_wait3A_87 = arith.constant 0 : i32
    %dma_wait3A_88 = arith.constant 0 : i32
    %dma_wait3A_89 = tpu.memref_slice %arg6[%dma_wait3A_87, %dma_wait3A_88] : memref<10x512xi32, #tpu.memory_space<vmem>> -> memref<1x512xi32, #tpu.memory_space<vmem>>
    %dma_wait3A_90 = tpu.memref_squeeze %dma_wait3A_89 : memref<1x512xi32, #tpu.memory_space<vmem>> -> memref<512xi32, #tpu.memory_space<vmem>>
    %dma_wait3A_91 = arith.constant 0 : i32
    %dma_wait3A_92 = arith.constant 0 : i32
    %dma_wait3A_93 = tpu.memref_slice %arg8[%dma_wait3A_91, %dma_wait3A_92] : memref<10240x16xf32, #tpu.memory_space<vmem_shared>> -> memref<10240x16xf32, #tpu.memory_space<vmem_shared>>
    tpu.wait_indirect_dma semaphore(%arg9 : memref<!tpu.dma_semaphore, #tpu.memory_space<semaphore_mem>>) src(%arg7 : memref<512x16xf32, #tpu.memory_space<vmem>>) dst(%dma_wait3A_93 : memref<10240x16xf32, #tpu.memory_space<vmem_shared>>)
    %dma_wait3A_94 = arith.constant 0 : i32
    %dma_wait3A_95 = arith.constant 0 : i32
    %dma_wait3A_96 = tpu.memref_slice %arg6[%dma_wait3A_94, %dma_wait3A_95] : memref<10x512xi32, #tpu.memory_space<vmem>> -> memref<1x512xi32, #tpu.memory_space<vmem>>
    %dma_wait3A_97 = tpu.memref_squeeze %dma_wait3A_96 : memref<1x512xi32, #tpu.memory_space<vmem>> -> memref<512xi32, #tpu.memory_space<vmem>>
    %dma_wait3A_98 = arith.constant 0 : i32
    %dma_wait3A_99 = arith.constant 0 : i32
    %dma_wait3A_100 = tpu.memref_slice %arg8[%dma_wait3A_98, %dma_wait3A_99] : memref<10240x16xf32, #tpu.memory_space<vmem_shared>> -> memref<10240x16xf32, #tpu.memory_space<vmem_shared>>
    tpu.wait_indirect_dma semaphore(%arg9 : memref<!tpu.dma_semaphore, #tpu.memory_space<semaphore_mem>>) src(%arg7 : memref<512x16xf32, #tpu.memory_space<vmem>>) dst(%dma_wait3A_100 : memref<10240x16xf32, #tpu.memory_space<vmem_shared>>)
    %dma_wait3A_101 = arith.constant 0 : i32
    %dma_wait3A_102 = arith.constant 0 : i32
    %dma_wait3A_103 = tpu.memref_slice %arg6[%dma_wait3A_101, %dma_wait3A_102] : memref<10x512xi32, #tpu.memory_space<vmem>> -> memref<1x512xi32, #tpu.memory_space<vmem>>
    %dma_wait3A_104 = tpu.memref_squeeze %dma_wait3A_103 : memref<1x512xi32, #tpu.memory_space<vmem>> -> memref<512xi32, #tpu.memory_space<vmem>>
    %dma_wait3A_105 = arith.constant 0 : i32
    %dma_wait3A_106 = arith.constant 0 : i32
    %dma_wait3A_107 = tpu.memref_slice %arg8[%dma_wait3A_105, %dma_wait3A_106] : memref<10240x16xf32, #tpu.memory_space<vmem_shared>> -> memref<10240x16xf32, #tpu.memory_space<vmem_shared>>
    tpu.wait_indirect_dma semaphore(%arg9 : memref<!tpu.dma_semaphore, #tpu.memory_space<semaphore_mem>>) src(%arg7 : memref<512x16xf32, #tpu.memory_space<vmem>>) dst(%dma_wait3A_107 : memref<10240x16xf32, #tpu.memory_space<vmem_shared>>)
    %dma_wait3A_108 = arith.constant 0 : i32
    %dma_wait3A_109 = arith.constant 0 : i32
    %dma_wait3A_110 = tpu.memref_slice %arg6[%dma_wait3A_108, %dma_wait3A_109] : memref<10x512xi32, #tpu.memory_space<vmem>> -> memref<1x512xi32, #tpu.memory_space<vmem>>
    %dma_wait3A_111 = tpu.memref_squeeze %dma_wait3A_110 : memref<1x512xi32, #tpu.memory_space<vmem>> -> memref<512xi32, #tpu.memory_space<vmem>>
    %dma_wait3A_112 = arith.constant 0 : i32
    %dma_wait3A_113 = arith.constant 0 : i32
    %dma_wait3A_114 = tpu.memref_slice %arg8[%dma_wait3A_112, %dma_wait3A_113] : memref<10240x16xf32, #tpu.memory_space<vmem_shared>> -> memref<10240x16xf32, #tpu.memory_space<vmem_shared>>
    tpu.wait_indirect_dma semaphore(%arg9 : memref<!tpu.dma_semaphore, #tpu.memory_space<semaphore_mem>>) src(%arg7 : memref<512x16xf32, #tpu.memory_space<vmem>>) dst(%dma_wait3A_114 : memref<10240x16xf32, #tpu.memory_space<vmem_shared>>)
    %dma_wait3A_115 = arith.constant 0 : i32
    %dma_wait3A_116 = arith.constant 0 : i32
    %dma_wait3A_117 = tpu.memref_slice %arg6[%dma_wait3A_115, %dma_wait3A_116] : memref<10x512xi32, #tpu.memory_space<vmem>> -> memref<1x512xi32, #tpu.memory_space<vmem>>
    %dma_wait3A_118 = tpu.memref_squeeze %dma_wait3A_117 : memref<1x512xi32, #tpu.memory_space<vmem>> -> memref<512xi32, #tpu.memory_space<vmem>>
    %dma_wait3A_119 = arith.constant 0 : i32
    %dma_wait3A_120 = arith.constant 0 : i32
    %dma_wait3A_121 = tpu.memref_slice %arg8[%dma_wait3A_119, %dma_wait3A_120] : memref<10240x16xf32, #tpu.memory_space<vmem_shared>> -> memref<10240x16xf32, #tpu.memory_space<vmem_shared>>
    tpu.wait_indirect_dma semaphore(%arg9 : memref<!tpu.dma_semaphore, #tpu.memory_space<semaphore_mem>>) src(%arg7 : memref<512x16xf32, #tpu.memory_space<vmem>>) dst(%dma_wait3A_121 : memref<10240x16xf32, #tpu.memory_space<vmem_shared>>)
    %dma_wait3A_122 = arith.constant 0 : i32
    %dma_wait3A_123 = arith.constant 0 : i32
    %dma_wait3A_124 = tpu.memref_slice %arg6[%dma_wait3A_122, %dma_wait3A_123] : memref<10x512xi32, #tpu.memory_space<vmem>> -> memref<1x512xi32, #tpu.memory_space<vmem>>
    %dma_wait3A_125 = tpu.memref_squeeze %dma_wait3A_124 : memref<1x512xi32, #tpu.memory_space<vmem>> -> memref<512xi32, #tpu.memory_space<vmem>>
    %dma_wait3A_126 = arith.constant 0 : i32
    %dma_wait3A_127 = arith.constant 0 : i32
    %dma_wait3A_128 = tpu.memref_slice %arg8[%dma_wait3A_126, %dma_wait3A_127] : memref<10240x16xf32, #tpu.memory_space<vmem_shared>> -> memref<10240x16xf32, #tpu.memory_space<vmem_shared>>
    tpu.wait_indirect_dma semaphore(%arg9 : memref<!tpu.dma_semaphore, #tpu.memory_space<semaphore_mem>>) src(%arg7 : memref<512x16xf32, #tpu.memory_space<vmem>>) dst(%dma_wait3A_128 : memref<10240x16xf32, #tpu.memory_space<vmem_shared>>)
    %dma_wait3A_129 = arith.constant 0 : i32
    %dma_wait3A_130 = arith.constant 0 : i32
    %dma_wait3A_131 = tpu.memref_slice %arg6[%dma_wait3A_129, %dma_wait3A_130] : memref<10x512xi32, #tpu.memory_space<vmem>> -> memref<1x512xi32, #tpu.memory_space<vmem>>
    %dma_wait3A_132 = tpu.memref_squeeze %dma_wait3A_131 : memref<1x512xi32, #tpu.memory_space<vmem>> -> memref<512xi32, #tpu.memory_space<vmem>>
    %dma_wait3A_133 = arith.constant 0 : i32
    %dma_wait3A_134 = arith.constant 0 : i32
    %dma_wait3A_135 = tpu.memref_slice %arg8[%dma_wait3A_133, %dma_wait3A_134] : memref<10240x16xf32, #tpu.memory_space<vmem_shared>> -> memref<10240x16xf32, #tpu.memory_space<vmem_shared>>
    tpu.wait_indirect_dma semaphore(%arg9 : memref<!tpu.dma_semaphore, #tpu.memory_space<semaphore_mem>>) src(%arg7 : memref<512x16xf32, #tpu.memory_space<vmem>>) dst(%dma_wait3A_135 : memref<10240x16xf32, #tpu.memory_space<vmem_shared>>)
    %dma_wait3A_136 = arith.constant 0 : i32
    %dma_wait3A_137 = arith.constant 0 : i32
    %dma_wait3A_138 = tpu.memref_slice %arg6[%dma_wait3A_136, %dma_wait3A_137] : memref<10x512xi32, #tpu.memory_space<vmem>> -> memref<1x512xi32, #tpu.memory_space<vmem>>
    %dma_wait3A_139 = tpu.memref_squeeze %dma_wait3A_138 : memref<1x512xi32, #tpu.memory_space<vmem>> -> memref<512xi32, #tpu.memory_space<vmem>>
    %dma_wait3A_140 = arith.constant 0 : i32
    %dma_wait3A_141 = arith.constant 0 : i32
    %dma_wait3A_142 = tpu.memref_slice %arg8[%dma_wait3A_140, %dma_wait3A_141] : memref<10240x16xf32, #tpu.memory_space<vmem_shared>> -> memref<10240x16xf32, #tpu.memory_space<vmem_shared>>
    tpu.wait_indirect_dma semaphore(%arg9 : memref<!tpu.dma_semaphore, #tpu.memory_space<semaphore_mem>>) src(%arg7 : memref<512x16xf32, #tpu.memory_space<vmem>>) dst(%dma_wait3A_142 : memref<10240x16xf32, #tpu.memory_space<vmem_shared>>)
    %barrier3A_143 = arith.constant 0 : index
    tpu.barrier barrier_id(%barrier3A_143)
    %mul3A_144 = arith.constant 640 : i32
    %mul3A_145 = arith.muli %arg1, %mul3A_144 : i32
    %mul3A_146 = arith.constant 640 : i32
    %mul3A_147 = arith.muli %arg1, %mul3A_146 : i32
    "tpu.region"() ({
      %run_scoped3A = tpu.sem_alloc : memref<!tpu.dma_semaphore, #tpu.memory_space<semaphore_mem>>
      %dma_start3A_148 = arith.constant 0 : i32
      %dma_start3A_149 = tpu.memref_slice %arg5[%arg0, %mul3A_147, %dma_start3A_148] : memref<2x10240x16xf32, #tpu.memory_space<hbm>> -> memref<1x640x16xf32, #tpu.memory_space<hbm>>
      %dma_start3A_150 = tpu.memref_squeeze %dma_start3A_149 : memref<1x640x16xf32, #tpu.memory_space<hbm>> -> memref<640x16xf32, #tpu.memory_space<hbm>>
      %dma_start3A_151 = arith.constant 0 : i32
      %dma_start3A_152 = tpu.memref_slice %arg8[%mul3A_145, %dma_start3A_151] : memref<10240x16xf32, #tpu.memory_space<vmem_shared>> -> memref<640x16xf32, #tpu.memory_space<vmem_shared>>
      tpu.enqueue_dma source(%dma_start3A_152 : memref<640x16xf32, #tpu.memory_space<vmem_shared>>) target(%dma_start3A_150 : memref<640x16xf32, #tpu.memory_space<hbm>>) target_semaphore(%run_scoped3A : memref<!tpu.dma_semaphore, #tpu.memory_space<semaphore_mem>>)
      %dma_wait3A_153 = arith.constant 0 : i32
      %dma_wait3A_154 = tpu.memref_slice %arg5[%arg0, %mul3A_147, %dma_wait3A_153] : memref<2x10240x16xf32, #tpu.memory_space<hbm>> -> memref<1x640x16xf32, #tpu.memory_space<hbm>>
      %dma_wait3A_155 = tpu.memref_squeeze %dma_wait3A_154 : memref<1x640x16xf32, #tpu.memory_space<hbm>> -> memref<640x16xf32, #tpu.memory_space<hbm>>
      %dma_wait3A_156 = arith.constant 0 : i32
      %dma_wait3A_157 = tpu.memref_slice %arg8[%mul3A_145, %dma_wait3A_156] : memref<10240x16xf32, #tpu.memory_space<vmem_shared>> -> memref<640x16xf32, #tpu.memory_space<vmem_shared>>
      tpu.wait_dma2 semaphore(%run_scoped3A : memref<!tpu.dma_semaphore, #tpu.memory_space<semaphore_mem>>) src(%dma_wait3A_157 : memref<640x16xf32, #tpu.memory_space<vmem_shared>>) dst(%dma_wait3A_155 : memref<640x16xf32, #tpu.memory_space<hbm>>)
      tpu.yield
    }) : () -> ()
    return
  }
}

#map = affine_map<(d0, d1) -> (0, 0, 0)>
#map1 = affine_map<(d0, d1) -> (0, 0)>
module attributes {stable_mosaic.version = 14 : i64} {
  func.func @sc_agg32(%arg0: i32, %arg1: i32, %arg2: memref<32x10x512xi32, #tpu.memory_space<hbm>>, %arg3: memref<32x10x512xi32, #tpu.memory_space<hbm>>, %arg4: memref<10240x32xf32, #tpu.memory_space<hbm>>, %arg5: memref<10240x32xf32, #tpu.memory_space<hbm>>, %arg6: memref<2x10240x32xf32, #tpu.memory_space<hbm>>, %arg7: memref<10x512xi32, #tpu.memory_space<vmem>>, %arg8: memref<10x512xi32, #tpu.memory_space<vmem>>, %arg9: memref<512x32xf32, #tpu.memory_space<vmem>>, %arg10: memref<512x32xf32, #tpu.memory_space<vmem>>, %arg11: memref<10240x32xf32, #tpu.memory_space<vmem_shared>>, %arg12: memref<!tpu.dma_semaphore, #tpu.memory_space<semaphore_mem>>, %arg13: memref<!tpu.dma_semaphore, #tpu.memory_space<semaphore_mem>>) attributes {dimension_semantics = [#tpu.dimension_semantics<core_parallel>, #tpu.dimension_semantics<subcore_parallel>], iteration_bounds = array<i64: 2, 16>, scalar_prefetch = 0 : i64, scratch_operands = 7 : i64, tpu.core_type = #tpu.core_type<sc_vector_subcore>, window_params = [{transform_indices = #map}, {transform_indices = #map}, {transform_indices = #map1}, {transform_indices = #map1}, {transform_indices = #map}]} {
    %mul3A = arith.constant 2 : i32
    %mul3A_0 = arith.muli %arg1, %mul3A : i32
    %add3A = arith.addi %mul3A_0, %arg0 : i32
    %mul3A_1 = arith.constant 640 : i32
    %mul3A_2 = arith.muli %arg1, %mul3A_1 : i32
    %mul3A_3 = arith.constant 640 : i32
    %mul3A_4 = arith.muli %arg1, %mul3A_3 : i32
    "tpu.region"() ({
      %run_scoped3A = tpu.sem_alloc : memref<!tpu.dma_semaphore, #tpu.memory_space<semaphore_mem>>
      %dma_start3A_27 = arith.constant 0 : i32
      %dma_start3A_28 = tpu.memref_slice %arg11[%mul3A_4, %dma_start3A_27] : memref<10240x32xf32, #tpu.memory_space<vmem_shared>> -> memref<640x32xf32, #tpu.memory_space<vmem_shared>>
      %dma_start3A_29 = arith.constant 0 : i32
      %dma_start3A_30 = tpu.memref_slice %arg5[%mul3A_2, %dma_start3A_29] : memref<10240x32xf32, #tpu.memory_space<hbm>> -> memref<640x32xf32, #tpu.memory_space<hbm>>
      tpu.enqueue_dma source(%dma_start3A_30 : memref<640x32xf32, #tpu.memory_space<hbm>>) target(%dma_start3A_28 : memref<640x32xf32, #tpu.memory_space<vmem_shared>>) target_semaphore(%run_scoped3A : memref<!tpu.dma_semaphore, #tpu.memory_space<semaphore_mem>>)
      %dma_wait3A_31 = arith.constant 0 : i32
      %dma_wait3A_32 = tpu.memref_slice %arg11[%mul3A_4, %dma_wait3A_31] : memref<10240x32xf32, #tpu.memory_space<vmem_shared>> -> memref<640x32xf32, #tpu.memory_space<vmem_shared>>
      %dma_wait3A_33 = arith.constant 0 : i32
      %dma_wait3A_34 = tpu.memref_slice %arg5[%mul3A_2, %dma_wait3A_33] : memref<10240x32xf32, #tpu.memory_space<hbm>> -> memref<640x32xf32, #tpu.memory_space<hbm>>
      tpu.wait_dma2 semaphore(%run_scoped3A : memref<!tpu.dma_semaphore, #tpu.memory_space<semaphore_mem>>) src(%dma_wait3A_34 : memref<640x32xf32, #tpu.memory_space<hbm>>) dst(%dma_wait3A_32 : memref<640x32xf32, #tpu.memory_space<vmem_shared>>)
      tpu.yield
    }) : () -> ()
    "tpu.region"() ({
      %run_scoped3A = tpu.sem_alloc : memref<!tpu.dma_semaphore, #tpu.memory_space<semaphore_mem>>
      %dma_start3A_27 = arith.constant 0 : i32
      %dma_start3A_28 = arith.constant 0 : i32
      %dma_start3A_29 = tpu.memref_slice %arg2[%add3A, %dma_start3A_27, %dma_start3A_28] : memref<32x10x512xi32, #tpu.memory_space<hbm>> -> memref<1x10x512xi32, #tpu.memory_space<hbm>>
      %dma_start3A_30 = tpu.memref_squeeze %dma_start3A_29 : memref<1x10x512xi32, #tpu.memory_space<hbm>> -> memref<10x512xi32, #tpu.memory_space<hbm>>
      %dma_start3A_31 = arith.constant 0 : i32
      %dma_start3A_32 = arith.constant 0 : i32
      %dma_start3A_33 = tpu.memref_slice %arg2[%add3A, %dma_start3A_31, %dma_start3A_32] : memref<32x10x512xi32, #tpu.memory_space<hbm>> -> memref<1x10x512xi32, #tpu.memory_space<hbm>>
      %dma_start3A_34 = tpu.memref_squeeze %dma_start3A_33 : memref<1x10x512xi32, #tpu.memory_space<hbm>> -> memref<10x512xi32, #tpu.memory_space<hbm>>
      tpu.enqueue_dma source(%dma_start3A_34 : memref<10x512xi32, #tpu.memory_space<hbm>>) target(%arg7 : memref<10x512xi32, #tpu.memory_space<vmem>>) target_semaphore(%run_scoped3A : memref<!tpu.dma_semaphore, #tpu.memory_space<semaphore_mem>>)
      %dma_wait3A_35 = arith.constant 0 : i32
      %dma_wait3A_36 = arith.constant 0 : i32
      %dma_wait3A_37 = tpu.memref_slice %arg2[%add3A, %dma_wait3A_35, %dma_wait3A_36] : memref<32x10x512xi32, #tpu.memory_space<hbm>> -> memref<1x10x512xi32, #tpu.memory_space<hbm>>
      %dma_wait3A_38 = tpu.memref_squeeze %dma_wait3A_37 : memref<1x10x512xi32, #tpu.memory_space<hbm>> -> memref<10x512xi32, #tpu.memory_space<hbm>>
      %dma_wait3A_39 = arith.constant 0 : i32
      %dma_wait3A_40 = arith.constant 0 : i32
      %dma_wait3A_41 = tpu.memref_slice %arg2[%add3A, %dma_wait3A_39, %dma_wait3A_40] : memref<32x10x512xi32, #tpu.memory_space<hbm>> -> memref<1x10x512xi32, #tpu.memory_space<hbm>>
      %dma_wait3A_42 = tpu.memref_squeeze %dma_wait3A_41 : memref<1x10x512xi32, #tpu.memory_space<hbm>> -> memref<10x512xi32, #tpu.memory_space<hbm>>
      tpu.wait_dma2 semaphore(%run_scoped3A : memref<!tpu.dma_semaphore, #tpu.memory_space<semaphore_mem>>) src(%dma_wait3A_42 : memref<10x512xi32, #tpu.memory_space<hbm>>) dst(%arg7 : memref<10x512xi32, #tpu.memory_space<vmem>>)
      tpu.yield
    }) : () -> ()
    "tpu.region"() ({
      %run_scoped3A = tpu.sem_alloc : memref<!tpu.dma_semaphore, #tpu.memory_space<semaphore_mem>>
      %dma_start3A_27 = arith.constant 0 : i32
      %dma_start3A_28 = arith.constant 0 : i32
      %dma_start3A_29 = tpu.memref_slice %arg3[%add3A, %dma_start3A_27, %dma_start3A_28] : memref<32x10x512xi32, #tpu.memory_space<hbm>> -> memref<1x10x512xi32, #tpu.memory_space<hbm>>
      %dma_start3A_30 = tpu.memref_squeeze %dma_start3A_29 : memref<1x10x512xi32, #tpu.memory_space<hbm>> -> memref<10x512xi32, #tpu.memory_space<hbm>>
      %dma_start3A_31 = arith.constant 0 : i32
      %dma_start3A_32 = arith.constant 0 : i32
      %dma_start3A_33 = tpu.memref_slice %arg3[%add3A, %dma_start3A_31, %dma_start3A_32] : memref<32x10x512xi32, #tpu.memory_space<hbm>> -> memref<1x10x512xi32, #tpu.memory_space<hbm>>
      %dma_start3A_34 = tpu.memref_squeeze %dma_start3A_33 : memref<1x10x512xi32, #tpu.memory_space<hbm>> -> memref<10x512xi32, #tpu.memory_space<hbm>>
      tpu.enqueue_dma source(%dma_start3A_34 : memref<10x512xi32, #tpu.memory_space<hbm>>) target(%arg8 : memref<10x512xi32, #tpu.memory_space<vmem>>) target_semaphore(%run_scoped3A : memref<!tpu.dma_semaphore, #tpu.memory_space<semaphore_mem>>)
      %dma_wait3A_35 = arith.constant 0 : i32
      %dma_wait3A_36 = arith.constant 0 : i32
      %dma_wait3A_37 = tpu.memref_slice %arg3[%add3A, %dma_wait3A_35, %dma_wait3A_36] : memref<32x10x512xi32, #tpu.memory_space<hbm>> -> memref<1x10x512xi32, #tpu.memory_space<hbm>>
      %dma_wait3A_38 = tpu.memref_squeeze %dma_wait3A_37 : memref<1x10x512xi32, #tpu.memory_space<hbm>> -> memref<10x512xi32, #tpu.memory_space<hbm>>
      %dma_wait3A_39 = arith.constant 0 : i32
      %dma_wait3A_40 = arith.constant 0 : i32
      %dma_wait3A_41 = tpu.memref_slice %arg3[%add3A, %dma_wait3A_39, %dma_wait3A_40] : memref<32x10x512xi32, #tpu.memory_space<hbm>> -> memref<1x10x512xi32, #tpu.memory_space<hbm>>
      %dma_wait3A_42 = tpu.memref_squeeze %dma_wait3A_41 : memref<1x10x512xi32, #tpu.memory_space<hbm>> -> memref<10x512xi32, #tpu.memory_space<hbm>>
      tpu.wait_dma2 semaphore(%run_scoped3A : memref<!tpu.dma_semaphore, #tpu.memory_space<semaphore_mem>>) src(%dma_wait3A_42 : memref<10x512xi32, #tpu.memory_space<hbm>>) dst(%arg8 : memref<10x512xi32, #tpu.memory_space<vmem>>)
      tpu.yield
    }) : () -> ()
    %barrier3A = arith.constant 0 : index
    tpu.barrier barrier_id(%barrier3A)
    %dma_start3A = arith.constant 0 : i32
    %dma_start3A_5 = arith.constant 0 : i32
    %dma_start3A_6 = tpu.memref_slice %arg7[%dma_start3A, %dma_start3A_5] : memref<10x512xi32, #tpu.memory_space<vmem>> -> memref<1x512xi32, #tpu.memory_space<vmem>>
    %dma_start3A_7 = tpu.memref_squeeze %dma_start3A_6 : memref<1x512xi32, #tpu.memory_space<vmem>> -> memref<512xi32, #tpu.memory_space<vmem>>
    %dma_start3A_8 = arith.constant 0 : i32
    %dma_start3A_9 = arith.constant 0 : i32
    %dma_start3A_10 = tpu.memref_slice %arg4[%dma_start3A_8, %dma_start3A_9] : memref<10240x32xf32, #tpu.memory_space<hbm>> -> memref<10240x32xf32, #tpu.memory_space<hbm>>
    tpu.enqueue_indirect_dma source(%dma_start3A_10 : memref<10240x32xf32, #tpu.memory_space<hbm>>) target(%arg9 : memref<512x32xf32, #tpu.memory_space<vmem>>) offsets(%dma_start3A_7 : memref<512xi32, #tpu.memory_space<vmem>>) semaphore(%arg12 : memref<!tpu.dma_semaphore, #tpu.memory_space<semaphore_mem>>)
    %scan3A = arith.constant 0 : i32
    %scan3A_11 = arith.constant 0 : i32
    %scan3A_12 = arith.constant 5 : i32
    %scan3A_13 = arith.addi %scan3A_11, %scan3A_12 : i32
    %scan3A_14 = arith.constant 1 : i32
    scf.for %scan3A_27 = %scan3A_11 to %scan3A_13 step %scan3A_14  : i32 {
      %mul3A_28 = arith.constant 2 : i32
      %mul3A_29 = arith.muli %mul3A_28, %scan3A_27 : i32
      %add3A_30 = arith.constant 1 : i32
      %add3A_31 = arith.addi %mul3A_29, %add3A_30 : i32
      %add3A_32 = arith.constant 2 : i32
      %add3A_33 = arith.addi %mul3A_29, %add3A_32 : i32
      %min3A = arith.constant 9 : i32
      %min3A_34 = arith.minsi %add3A_33, %min3A : i32
      %dma_start3A_35 = arith.constant 0 : i32
      %dma_start3A_36 = tpu.memref_slice %arg7[%add3A_31, %dma_start3A_35] : memref<10x512xi32, #tpu.memory_space<vmem>> -> memref<1x512xi32, #tpu.memory_space<vmem>>
      %dma_start3A_37 = tpu.memref_squeeze %dma_start3A_36 : memref<1x512xi32, #tpu.memory_space<vmem>> -> memref<512xi32, #tpu.memory_space<vmem>>
      %dma_start3A_38 = arith.constant 0 : i32
      %dma_start3A_39 = arith.constant 0 : i32
      %dma_start3A_40 = tpu.memref_slice %arg4[%dma_start3A_38, %dma_start3A_39] : memref<10240x32xf32, #tpu.memory_space<hbm>> -> memref<10240x32xf32, #tpu.memory_space<hbm>>
      tpu.enqueue_indirect_dma source(%dma_start3A_40 : memref<10240x32xf32, #tpu.memory_space<hbm>>) target(%arg10 : memref<512x32xf32, #tpu.memory_space<vmem>>) offsets(%dma_start3A_37 : memref<512xi32, #tpu.memory_space<vmem>>) semaphore(%arg13 : memref<!tpu.dma_semaphore, #tpu.memory_space<semaphore_mem>>)
      %dma_wait3A_41 = arith.constant 0 : i32
      %dma_wait3A_42 = arith.constant 0 : i32
      %dma_wait3A_43 = tpu.memref_slice %arg7[%dma_wait3A_41, %dma_wait3A_42] : memref<10x512xi32, #tpu.memory_space<vmem>> -> memref<1x512xi32, #tpu.memory_space<vmem>>
      %dma_wait3A_44 = tpu.memref_squeeze %dma_wait3A_43 : memref<1x512xi32, #tpu.memory_space<vmem>> -> memref<512xi32, #tpu.memory_space<vmem>>
      %dma_wait3A_45 = arith.constant 0 : i32
      %dma_wait3A_46 = arith.constant 0 : i32
      %dma_wait3A_47 = tpu.memref_slice %arg4[%dma_wait3A_45, %dma_wait3A_46] : memref<10240x32xf32, #tpu.memory_space<hbm>> -> memref<10240x32xf32, #tpu.memory_space<hbm>>
      tpu.wait_indirect_dma semaphore(%arg12 : memref<!tpu.dma_semaphore, #tpu.memory_space<semaphore_mem>>) src(%dma_wait3A_47 : memref<10240x32xf32, #tpu.memory_space<hbm>>) dst(%arg9 : memref<512x32xf32, #tpu.memory_space<vmem>>)
      "tpu.region"() ({
        %run_scoped3A = tpu.sem_alloc : memref<!tpu.dma_semaphore, #tpu.memory_space<semaphore_mem>>
        %dma_start3A_61 = arith.constant 0 : i32
        %dma_start3A_62 = tpu.memref_slice %arg8[%mul3A_29, %dma_start3A_61] : memref<10x512xi32, #tpu.memory_space<vmem>> -> memref<1x512xi32, #tpu.memory_space<vmem>>
        %dma_start3A_63 = tpu.memref_squeeze %dma_start3A_62 : memref<1x512xi32, #tpu.memory_space<vmem>> -> memref<512xi32, #tpu.memory_space<vmem>>
        %dma_start3A_64 = arith.constant 0 : i32
        %dma_start3A_65 = arith.constant 0 : i32
        %dma_start3A_66 = tpu.memref_slice %arg11[%dma_start3A_64, %dma_start3A_65] : memref<10240x32xf32, #tpu.memory_space<vmem_shared>> -> memref<10240x32xf32, #tpu.memory_space<vmem_shared>>
        tpu.enqueue_indirect_dma source(%arg9 : memref<512x32xf32, #tpu.memory_space<vmem>>) target(%dma_start3A_66 : memref<10240x32xf32, #tpu.memory_space<vmem_shared>>) offsets(%dma_start3A_63 : memref<512xi32, #tpu.memory_space<vmem>>) semaphore(%run_scoped3A : memref<!tpu.dma_semaphore, #tpu.memory_space<semaphore_mem>>) {add = true}
        %dma_wait3A_67 = arith.constant 0 : i32
        %dma_wait3A_68 = tpu.memref_slice %arg8[%mul3A_29, %dma_wait3A_67] : memref<10x512xi32, #tpu.memory_space<vmem>> -> memref<1x512xi32, #tpu.memory_space<vmem>>
        %dma_wait3A_69 = tpu.memref_squeeze %dma_wait3A_68 : memref<1x512xi32, #tpu.memory_space<vmem>> -> memref<512xi32, #tpu.memory_space<vmem>>
        %dma_wait3A_70 = arith.constant 0 : i32
        %dma_wait3A_71 = arith.constant 0 : i32
        %dma_wait3A_72 = tpu.memref_slice %arg11[%dma_wait3A_70, %dma_wait3A_71] : memref<10240x32xf32, #tpu.memory_space<vmem_shared>> -> memref<10240x32xf32, #tpu.memory_space<vmem_shared>>
        tpu.wait_indirect_dma semaphore(%run_scoped3A : memref<!tpu.dma_semaphore, #tpu.memory_space<semaphore_mem>>) src(%arg9 : memref<512x32xf32, #tpu.memory_space<vmem>>) dst(%dma_wait3A_72 : memref<10240x32xf32, #tpu.memory_space<vmem_shared>>)
        tpu.yield
      }) : () -> ()
      %dma_start3A_48 = arith.constant 0 : i32
      %dma_start3A_49 = tpu.memref_slice %arg7[%min3A_34, %dma_start3A_48] : memref<10x512xi32, #tpu.memory_space<vmem>> -> memref<1x512xi32, #tpu.memory_space<vmem>>
      %dma_start3A_50 = tpu.memref_squeeze %dma_start3A_49 : memref<1x512xi32, #tpu.memory_space<vmem>> -> memref<512xi32, #tpu.memory_space<vmem>>
      %dma_start3A_51 = arith.constant 0 : i32
      %dma_start3A_52 = arith.constant 0 : i32
      %dma_start3A_53 = tpu.memref_slice %arg4[%dma_start3A_51, %dma_start3A_52] : memref<10240x32xf32, #tpu.memory_space<hbm>> -> memref<10240x32xf32, #tpu.memory_space<hbm>>
      tpu.enqueue_indirect_dma source(%dma_start3A_53 : memref<10240x32xf32, #tpu.memory_space<hbm>>) target(%arg9 : memref<512x32xf32, #tpu.memory_space<vmem>>) offsets(%dma_start3A_50 : memref<512xi32, #tpu.memory_space<vmem>>) semaphore(%arg12 : memref<!tpu.dma_semaphore, #tpu.memory_space<semaphore_mem>>)
      %dma_wait3A_54 = arith.constant 0 : i32
      %dma_wait3A_55 = arith.constant 0 : i32
      %dma_wait3A_56 = tpu.memref_slice %arg7[%dma_wait3A_54, %dma_wait3A_55] : memref<10x512xi32, #tpu.memory_space<vmem>> -> memref<1x512xi32, #tpu.memory_space<vmem>>
      %dma_wait3A_57 = tpu.memref_squeeze %dma_wait3A_56 : memref<1x512xi32, #tpu.memory_space<vmem>> -> memref<512xi32, #tpu.memory_space<vmem>>
      %dma_wait3A_58 = arith.constant 0 : i32
      %dma_wait3A_59 = arith.constant 0 : i32
      %dma_wait3A_60 = tpu.memref_slice %arg4[%dma_wait3A_58, %dma_wait3A_59] : memref<10240x32xf32, #tpu.memory_space<hbm>> -> memref<10240x32xf32, #tpu.memory_space<hbm>>
      tpu.wait_indirect_dma semaphore(%arg13 : memref<!tpu.dma_semaphore, #tpu.memory_space<semaphore_mem>>) src(%dma_wait3A_60 : memref<10240x32xf32, #tpu.memory_space<hbm>>) dst(%arg10 : memref<512x32xf32, #tpu.memory_space<vmem>>)
      "tpu.region"() ({
        %run_scoped3A = tpu.sem_alloc : memref<!tpu.dma_semaphore, #tpu.memory_space<semaphore_mem>>
        %dma_start3A_61 = arith.constant 0 : i32
        %dma_start3A_62 = tpu.memref_slice %arg8[%add3A_31, %dma_start3A_61] : memref<10x512xi32, #tpu.memory_space<vmem>> -> memref<1x512xi32, #tpu.memory_space<vmem>>
        %dma_start3A_63 = tpu.memref_squeeze %dma_start3A_62 : memref<1x512xi32, #tpu.memory_space<vmem>> -> memref<512xi32, #tpu.memory_space<vmem>>
        %dma_start3A_64 = arith.constant 0 : i32
        %dma_start3A_65 = arith.constant 0 : i32
        %dma_start3A_66 = tpu.memref_slice %arg11[%dma_start3A_64, %dma_start3A_65] : memref<10240x32xf32, #tpu.memory_space<vmem_shared>> -> memref<10240x32xf32, #tpu.memory_space<vmem_shared>>
        tpu.enqueue_indirect_dma source(%arg10 : memref<512x32xf32, #tpu.memory_space<vmem>>) target(%dma_start3A_66 : memref<10240x32xf32, #tpu.memory_space<vmem_shared>>) offsets(%dma_start3A_63 : memref<512xi32, #tpu.memory_space<vmem>>) semaphore(%run_scoped3A : memref<!tpu.dma_semaphore, #tpu.memory_space<semaphore_mem>>) {add = true}
        %dma_wait3A_67 = arith.constant 0 : i32
        %dma_wait3A_68 = tpu.memref_slice %arg8[%add3A_31, %dma_wait3A_67] : memref<10x512xi32, #tpu.memory_space<vmem>> -> memref<1x512xi32, #tpu.memory_space<vmem>>
        %dma_wait3A_69 = tpu.memref_squeeze %dma_wait3A_68 : memref<1x512xi32, #tpu.memory_space<vmem>> -> memref<512xi32, #tpu.memory_space<vmem>>
        %dma_wait3A_70 = arith.constant 0 : i32
        %dma_wait3A_71 = arith.constant 0 : i32
        %dma_wait3A_72 = tpu.memref_slice %arg11[%dma_wait3A_70, %dma_wait3A_71] : memref<10240x32xf32, #tpu.memory_space<vmem_shared>> -> memref<10240x32xf32, #tpu.memory_space<vmem_shared>>
        tpu.wait_indirect_dma semaphore(%run_scoped3A : memref<!tpu.dma_semaphore, #tpu.memory_space<semaphore_mem>>) src(%arg10 : memref<512x32xf32, #tpu.memory_space<vmem>>) dst(%dma_wait3A_72 : memref<10240x32xf32, #tpu.memory_space<vmem_shared>>)
        tpu.yield
      }) : () -> ()
    }
    %scan3A_15 = arith.constant 5 : i32
    %dma_wait3A = arith.constant 0 : i32
    %dma_wait3A_16 = arith.constant 0 : i32
    %dma_wait3A_17 = tpu.memref_slice %arg7[%dma_wait3A, %dma_wait3A_16] : memref<10x512xi32, #tpu.memory_space<vmem>> -> memref<1x512xi32, #tpu.memory_space<vmem>>
    %dma_wait3A_18 = tpu.memref_squeeze %dma_wait3A_17 : memref<1x512xi32, #tpu.memory_space<vmem>> -> memref<512xi32, #tpu.memory_space<vmem>>
    %dma_wait3A_19 = arith.constant 0 : i32
    %dma_wait3A_20 = arith.constant 0 : i32
    %dma_wait3A_21 = tpu.memref_slice %arg4[%dma_wait3A_19, %dma_wait3A_20] : memref<10240x32xf32, #tpu.memory_space<hbm>> -> memref<10240x32xf32, #tpu.memory_space<hbm>>
    tpu.wait_indirect_dma semaphore(%arg12 : memref<!tpu.dma_semaphore, #tpu.memory_space<semaphore_mem>>) src(%dma_wait3A_21 : memref<10240x32xf32, #tpu.memory_space<hbm>>) dst(%arg9 : memref<512x32xf32, #tpu.memory_space<vmem>>)
    %barrier3A_22 = arith.constant 0 : index
    tpu.barrier barrier_id(%barrier3A_22)
    %mul3A_23 = arith.constant 640 : i32
    %mul3A_24 = arith.muli %arg1, %mul3A_23 : i32
    %mul3A_25 = arith.constant 640 : i32
    %mul3A_26 = arith.muli %arg1, %mul3A_25 : i32
    "tpu.region"() ({
      %run_scoped3A = tpu.sem_alloc : memref<!tpu.dma_semaphore, #tpu.memory_space<semaphore_mem>>
      %dma_start3A_27 = arith.constant 0 : i32
      %dma_start3A_28 = tpu.memref_slice %arg6[%arg0, %mul3A_26, %dma_start3A_27] : memref<2x10240x32xf32, #tpu.memory_space<hbm>> -> memref<1x640x32xf32, #tpu.memory_space<hbm>>
      %dma_start3A_29 = tpu.memref_squeeze %dma_start3A_28 : memref<1x640x32xf32, #tpu.memory_space<hbm>> -> memref<640x32xf32, #tpu.memory_space<hbm>>
      %dma_start3A_30 = arith.constant 0 : i32
      %dma_start3A_31 = tpu.memref_slice %arg11[%mul3A_24, %dma_start3A_30] : memref<10240x32xf32, #tpu.memory_space<vmem_shared>> -> memref<640x32xf32, #tpu.memory_space<vmem_shared>>
      tpu.enqueue_dma source(%dma_start3A_31 : memref<640x32xf32, #tpu.memory_space<vmem_shared>>) target(%dma_start3A_29 : memref<640x32xf32, #tpu.memory_space<hbm>>) target_semaphore(%run_scoped3A : memref<!tpu.dma_semaphore, #tpu.memory_space<semaphore_mem>>)
      %dma_wait3A_32 = arith.constant 0 : i32
      %dma_wait3A_33 = tpu.memref_slice %arg6[%arg0, %mul3A_26, %dma_wait3A_32] : memref<2x10240x32xf32, #tpu.memory_space<hbm>> -> memref<1x640x32xf32, #tpu.memory_space<hbm>>
      %dma_wait3A_34 = tpu.memref_squeeze %dma_wait3A_33 : memref<1x640x32xf32, #tpu.memory_space<hbm>> -> memref<640x32xf32, #tpu.memory_space<hbm>>
      %dma_wait3A_35 = arith.constant 0 : i32
      %dma_wait3A_36 = tpu.memref_slice %arg11[%mul3A_24, %dma_wait3A_35] : memref<10240x32xf32, #tpu.memory_space<vmem_shared>> -> memref<640x32xf32, #tpu.memory_space<vmem_shared>>
      tpu.wait_dma2 semaphore(%run_scoped3A : memref<!tpu.dma_semaphore, #tpu.memory_space<semaphore_mem>>) src(%dma_wait3A_36 : memref<640x32xf32, #tpu.memory_space<vmem_shared>>) dst(%dma_wait3A_34 : memref<640x32xf32, #tpu.memory_space<hbm>>)
      tpu.yield
    }) : () -> ()
    return
  }
}

#map = affine_map<(d0, d1) -> (0, 0, 0)>
#map1 = affine_map<(d0, d1) -> (0, 0)>
module attributes {stable_mosaic.version = 14 : i64} {
  func.func @sc_agg64(%arg0: i32, %arg1: i32, %arg2: memref<32x10x512xi32, #tpu.memory_space<hbm>>, %arg3: memref<32x10x512xi32, #tpu.memory_space<hbm>>, %arg4: memref<10240x64xf32, #tpu.memory_space<hbm>>, %arg5: memref<10240x64xf32, #tpu.memory_space<hbm>>, %arg6: memref<2x10240x64xf32, #tpu.memory_space<hbm>>, %arg7: memref<10x512xi32, #tpu.memory_space<vmem>>, %arg8: memref<10x512xi32, #tpu.memory_space<vmem>>, %arg9: memref<512x64xf32, #tpu.memory_space<vmem>>, %arg10: memref<512x64xf32, #tpu.memory_space<vmem>>, %arg11: memref<10240x64xf32, #tpu.memory_space<vmem_shared>>, %arg12: memref<!tpu.dma_semaphore, #tpu.memory_space<semaphore_mem>>, %arg13: memref<!tpu.dma_semaphore, #tpu.memory_space<semaphore_mem>>) attributes {dimension_semantics = [#tpu.dimension_semantics<core_parallel>, #tpu.dimension_semantics<subcore_parallel>], iteration_bounds = array<i64: 2, 16>, scalar_prefetch = 0 : i64, scratch_operands = 7 : i64, tpu.core_type = #tpu.core_type<sc_vector_subcore>, window_params = [{transform_indices = #map}, {transform_indices = #map}, {transform_indices = #map1}, {transform_indices = #map1}, {transform_indices = #map}]} {
    %mul3A = arith.constant 2 : i32
    %mul3A_0 = arith.muli %arg1, %mul3A : i32
    %add3A = arith.addi %mul3A_0, %arg0 : i32
    %mul3A_1 = arith.constant 640 : i32
    %mul3A_2 = arith.muli %arg1, %mul3A_1 : i32
    %mul3A_3 = arith.constant 640 : i32
    %mul3A_4 = arith.muli %arg1, %mul3A_3 : i32
    "tpu.region"() ({
      %run_scoped3A = tpu.sem_alloc : memref<!tpu.dma_semaphore, #tpu.memory_space<semaphore_mem>>
      %dma_start3A_27 = arith.constant 0 : i32
      %dma_start3A_28 = tpu.memref_slice %arg11[%mul3A_4, %dma_start3A_27] : memref<10240x64xf32, #tpu.memory_space<vmem_shared>> -> memref<640x64xf32, #tpu.memory_space<vmem_shared>>
      %dma_start3A_29 = arith.constant 0 : i32
      %dma_start3A_30 = tpu.memref_slice %arg5[%mul3A_2, %dma_start3A_29] : memref<10240x64xf32, #tpu.memory_space<hbm>> -> memref<640x64xf32, #tpu.memory_space<hbm>>
      tpu.enqueue_dma source(%dma_start3A_30 : memref<640x64xf32, #tpu.memory_space<hbm>>) target(%dma_start3A_28 : memref<640x64xf32, #tpu.memory_space<vmem_shared>>) target_semaphore(%run_scoped3A : memref<!tpu.dma_semaphore, #tpu.memory_space<semaphore_mem>>)
      %dma_wait3A_31 = arith.constant 0 : i32
      %dma_wait3A_32 = tpu.memref_slice %arg11[%mul3A_4, %dma_wait3A_31] : memref<10240x64xf32, #tpu.memory_space<vmem_shared>> -> memref<640x64xf32, #tpu.memory_space<vmem_shared>>
      %dma_wait3A_33 = arith.constant 0 : i32
      %dma_wait3A_34 = tpu.memref_slice %arg5[%mul3A_2, %dma_wait3A_33] : memref<10240x64xf32, #tpu.memory_space<hbm>> -> memref<640x64xf32, #tpu.memory_space<hbm>>
      tpu.wait_dma2 semaphore(%run_scoped3A : memref<!tpu.dma_semaphore, #tpu.memory_space<semaphore_mem>>) src(%dma_wait3A_34 : memref<640x64xf32, #tpu.memory_space<hbm>>) dst(%dma_wait3A_32 : memref<640x64xf32, #tpu.memory_space<vmem_shared>>)
      tpu.yield
    }) : () -> ()
    "tpu.region"() ({
      %run_scoped3A = tpu.sem_alloc : memref<!tpu.dma_semaphore, #tpu.memory_space<semaphore_mem>>
      %dma_start3A_27 = arith.constant 0 : i32
      %dma_start3A_28 = arith.constant 0 : i32
      %dma_start3A_29 = tpu.memref_slice %arg2[%add3A, %dma_start3A_27, %dma_start3A_28] : memref<32x10x512xi32, #tpu.memory_space<hbm>> -> memref<1x10x512xi32, #tpu.memory_space<hbm>>
      %dma_start3A_30 = tpu.memref_squeeze %dma_start3A_29 : memref<1x10x512xi32, #tpu.memory_space<hbm>> -> memref<10x512xi32, #tpu.memory_space<hbm>>
      %dma_start3A_31 = arith.constant 0 : i32
      %dma_start3A_32 = arith.constant 0 : i32
      %dma_start3A_33 = tpu.memref_slice %arg2[%add3A, %dma_start3A_31, %dma_start3A_32] : memref<32x10x512xi32, #tpu.memory_space<hbm>> -> memref<1x10x512xi32, #tpu.memory_space<hbm>>
      %dma_start3A_34 = tpu.memref_squeeze %dma_start3A_33 : memref<1x10x512xi32, #tpu.memory_space<hbm>> -> memref<10x512xi32, #tpu.memory_space<hbm>>
      tpu.enqueue_dma source(%dma_start3A_34 : memref<10x512xi32, #tpu.memory_space<hbm>>) target(%arg7 : memref<10x512xi32, #tpu.memory_space<vmem>>) target_semaphore(%run_scoped3A : memref<!tpu.dma_semaphore, #tpu.memory_space<semaphore_mem>>)
      %dma_wait3A_35 = arith.constant 0 : i32
      %dma_wait3A_36 = arith.constant 0 : i32
      %dma_wait3A_37 = tpu.memref_slice %arg2[%add3A, %dma_wait3A_35, %dma_wait3A_36] : memref<32x10x512xi32, #tpu.memory_space<hbm>> -> memref<1x10x512xi32, #tpu.memory_space<hbm>>
      %dma_wait3A_38 = tpu.memref_squeeze %dma_wait3A_37 : memref<1x10x512xi32, #tpu.memory_space<hbm>> -> memref<10x512xi32, #tpu.memory_space<hbm>>
      %dma_wait3A_39 = arith.constant 0 : i32
      %dma_wait3A_40 = arith.constant 0 : i32
      %dma_wait3A_41 = tpu.memref_slice %arg2[%add3A, %dma_wait3A_39, %dma_wait3A_40] : memref<32x10x512xi32, #tpu.memory_space<hbm>> -> memref<1x10x512xi32, #tpu.memory_space<hbm>>
      %dma_wait3A_42 = tpu.memref_squeeze %dma_wait3A_41 : memref<1x10x512xi32, #tpu.memory_space<hbm>> -> memref<10x512xi32, #tpu.memory_space<hbm>>
      tpu.wait_dma2 semaphore(%run_scoped3A : memref<!tpu.dma_semaphore, #tpu.memory_space<semaphore_mem>>) src(%dma_wait3A_42 : memref<10x512xi32, #tpu.memory_space<hbm>>) dst(%arg7 : memref<10x512xi32, #tpu.memory_space<vmem>>)
      tpu.yield
    }) : () -> ()
    "tpu.region"() ({
      %run_scoped3A = tpu.sem_alloc : memref<!tpu.dma_semaphore, #tpu.memory_space<semaphore_mem>>
      %dma_start3A_27 = arith.constant 0 : i32
      %dma_start3A_28 = arith.constant 0 : i32
      %dma_start3A_29 = tpu.memref_slice %arg3[%add3A, %dma_start3A_27, %dma_start3A_28] : memref<32x10x512xi32, #tpu.memory_space<hbm>> -> memref<1x10x512xi32, #tpu.memory_space<hbm>>
      %dma_start3A_30 = tpu.memref_squeeze %dma_start3A_29 : memref<1x10x512xi32, #tpu.memory_space<hbm>> -> memref<10x512xi32, #tpu.memory_space<hbm>>
      %dma_start3A_31 = arith.constant 0 : i32
      %dma_start3A_32 = arith.constant 0 : i32
      %dma_start3A_33 = tpu.memref_slice %arg3[%add3A, %dma_start3A_31, %dma_start3A_32] : memref<32x10x512xi32, #tpu.memory_space<hbm>> -> memref<1x10x512xi32, #tpu.memory_space<hbm>>
      %dma_start3A_34 = tpu.memref_squeeze %dma_start3A_33 : memref<1x10x512xi32, #tpu.memory_space<hbm>> -> memref<10x512xi32, #tpu.memory_space<hbm>>
      tpu.enqueue_dma source(%dma_start3A_34 : memref<10x512xi32, #tpu.memory_space<hbm>>) target(%arg8 : memref<10x512xi32, #tpu.memory_space<vmem>>) target_semaphore(%run_scoped3A : memref<!tpu.dma_semaphore, #tpu.memory_space<semaphore_mem>>)
      %dma_wait3A_35 = arith.constant 0 : i32
      %dma_wait3A_36 = arith.constant 0 : i32
      %dma_wait3A_37 = tpu.memref_slice %arg3[%add3A, %dma_wait3A_35, %dma_wait3A_36] : memref<32x10x512xi32, #tpu.memory_space<hbm>> -> memref<1x10x512xi32, #tpu.memory_space<hbm>>
      %dma_wait3A_38 = tpu.memref_squeeze %dma_wait3A_37 : memref<1x10x512xi32, #tpu.memory_space<hbm>> -> memref<10x512xi32, #tpu.memory_space<hbm>>
      %dma_wait3A_39 = arith.constant 0 : i32
      %dma_wait3A_40 = arith.constant 0 : i32
      %dma_wait3A_41 = tpu.memref_slice %arg3[%add3A, %dma_wait3A_39, %dma_wait3A_40] : memref<32x10x512xi32, #tpu.memory_space<hbm>> -> memref<1x10x512xi32, #tpu.memory_space<hbm>>
      %dma_wait3A_42 = tpu.memref_squeeze %dma_wait3A_41 : memref<1x10x512xi32, #tpu.memory_space<hbm>> -> memref<10x512xi32, #tpu.memory_space<hbm>>
      tpu.wait_dma2 semaphore(%run_scoped3A : memref<!tpu.dma_semaphore, #tpu.memory_space<semaphore_mem>>) src(%dma_wait3A_42 : memref<10x512xi32, #tpu.memory_space<hbm>>) dst(%arg8 : memref<10x512xi32, #tpu.memory_space<vmem>>)
      tpu.yield
    }) : () -> ()
    %barrier3A = arith.constant 0 : index
    tpu.barrier barrier_id(%barrier3A)
    %dma_start3A = arith.constant 0 : i32
    %dma_start3A_5 = arith.constant 0 : i32
    %dma_start3A_6 = tpu.memref_slice %arg7[%dma_start3A, %dma_start3A_5] : memref<10x512xi32, #tpu.memory_space<vmem>> -> memref<1x512xi32, #tpu.memory_space<vmem>>
    %dma_start3A_7 = tpu.memref_squeeze %dma_start3A_6 : memref<1x512xi32, #tpu.memory_space<vmem>> -> memref<512xi32, #tpu.memory_space<vmem>>
    %dma_start3A_8 = arith.constant 0 : i32
    %dma_start3A_9 = arith.constant 0 : i32
    %dma_start3A_10 = tpu.memref_slice %arg4[%dma_start3A_8, %dma_start3A_9] : memref<10240x64xf32, #tpu.memory_space<hbm>> -> memref<10240x64xf32, #tpu.memory_space<hbm>>
    tpu.enqueue_indirect_dma source(%dma_start3A_10 : memref<10240x64xf32, #tpu.memory_space<hbm>>) target(%arg9 : memref<512x64xf32, #tpu.memory_space<vmem>>) offsets(%dma_start3A_7 : memref<512xi32, #tpu.memory_space<vmem>>) semaphore(%arg12 : memref<!tpu.dma_semaphore, #tpu.memory_space<semaphore_mem>>)
    %scan3A = arith.constant 0 : i32
    %scan3A_11 = arith.constant 0 : i32
    %scan3A_12 = arith.constant 5 : i32
    %scan3A_13 = arith.addi %scan3A_11, %scan3A_12 : i32
    %scan3A_14 = arith.constant 1 : i32
    scf.for %scan3A_27 = %scan3A_11 to %scan3A_13 step %scan3A_14  : i32 {
      %mul3A_28 = arith.constant 2 : i32
      %mul3A_29 = arith.muli %mul3A_28, %scan3A_27 : i32
      %add3A_30 = arith.constant 1 : i32
      %add3A_31 = arith.addi %mul3A_29, %add3A_30 : i32
      %add3A_32 = arith.constant 2 : i32
      %add3A_33 = arith.addi %mul3A_29, %add3A_32 : i32
      %min3A = arith.constant 9 : i32
      %min3A_34 = arith.minsi %add3A_33, %min3A : i32
      %dma_start3A_35 = arith.constant 0 : i32
      %dma_start3A_36 = tpu.memref_slice %arg7[%add3A_31, %dma_start3A_35] : memref<10x512xi32, #tpu.memory_space<vmem>> -> memref<1x512xi32, #tpu.memory_space<vmem>>
      %dma_start3A_37 = tpu.memref_squeeze %dma_start3A_36 : memref<1x512xi32, #tpu.memory_space<vmem>> -> memref<512xi32, #tpu.memory_space<vmem>>
      %dma_start3A_38 = arith.constant 0 : i32
      %dma_start3A_39 = arith.constant 0 : i32
      %dma_start3A_40 = tpu.memref_slice %arg4[%dma_start3A_38, %dma_start3A_39] : memref<10240x64xf32, #tpu.memory_space<hbm>> -> memref<10240x64xf32, #tpu.memory_space<hbm>>
      tpu.enqueue_indirect_dma source(%dma_start3A_40 : memref<10240x64xf32, #tpu.memory_space<hbm>>) target(%arg10 : memref<512x64xf32, #tpu.memory_space<vmem>>) offsets(%dma_start3A_37 : memref<512xi32, #tpu.memory_space<vmem>>) semaphore(%arg13 : memref<!tpu.dma_semaphore, #tpu.memory_space<semaphore_mem>>)
      %dma_wait3A_41 = arith.constant 0 : i32
      %dma_wait3A_42 = arith.constant 0 : i32
      %dma_wait3A_43 = tpu.memref_slice %arg7[%dma_wait3A_41, %dma_wait3A_42] : memref<10x512xi32, #tpu.memory_space<vmem>> -> memref<1x512xi32, #tpu.memory_space<vmem>>
      %dma_wait3A_44 = tpu.memref_squeeze %dma_wait3A_43 : memref<1x512xi32, #tpu.memory_space<vmem>> -> memref<512xi32, #tpu.memory_space<vmem>>
      %dma_wait3A_45 = arith.constant 0 : i32
      %dma_wait3A_46 = arith.constant 0 : i32
      %dma_wait3A_47 = tpu.memref_slice %arg4[%dma_wait3A_45, %dma_wait3A_46] : memref<10240x64xf32, #tpu.memory_space<hbm>> -> memref<10240x64xf32, #tpu.memory_space<hbm>>
      tpu.wait_indirect_dma semaphore(%arg12 : memref<!tpu.dma_semaphore, #tpu.memory_space<semaphore_mem>>) src(%dma_wait3A_47 : memref<10240x64xf32, #tpu.memory_space<hbm>>) dst(%arg9 : memref<512x64xf32, #tpu.memory_space<vmem>>)
      "tpu.region"() ({
        %run_scoped3A = tpu.sem_alloc : memref<!tpu.dma_semaphore, #tpu.memory_space<semaphore_mem>>
        %dma_start3A_61 = arith.constant 0 : i32
        %dma_start3A_62 = tpu.memref_slice %arg8[%mul3A_29, %dma_start3A_61] : memref<10x512xi32, #tpu.memory_space<vmem>> -> memref<1x512xi32, #tpu.memory_space<vmem>>
        %dma_start3A_63 = tpu.memref_squeeze %dma_start3A_62 : memref<1x512xi32, #tpu.memory_space<vmem>> -> memref<512xi32, #tpu.memory_space<vmem>>
        %dma_start3A_64 = arith.constant 0 : i32
        %dma_start3A_65 = arith.constant 0 : i32
        %dma_start3A_66 = tpu.memref_slice %arg11[%dma_start3A_64, %dma_start3A_65] : memref<10240x64xf32, #tpu.memory_space<vmem_shared>> -> memref<10240x64xf32, #tpu.memory_space<vmem_shared>>
        tpu.enqueue_indirect_dma source(%arg9 : memref<512x64xf32, #tpu.memory_space<vmem>>) target(%dma_start3A_66 : memref<10240x64xf32, #tpu.memory_space<vmem_shared>>) offsets(%dma_start3A_63 : memref<512xi32, #tpu.memory_space<vmem>>) semaphore(%run_scoped3A : memref<!tpu.dma_semaphore, #tpu.memory_space<semaphore_mem>>) {add = true}
        %dma_wait3A_67 = arith.constant 0 : i32
        %dma_wait3A_68 = tpu.memref_slice %arg8[%mul3A_29, %dma_wait3A_67] : memref<10x512xi32, #tpu.memory_space<vmem>> -> memref<1x512xi32, #tpu.memory_space<vmem>>
        %dma_wait3A_69 = tpu.memref_squeeze %dma_wait3A_68 : memref<1x512xi32, #tpu.memory_space<vmem>> -> memref<512xi32, #tpu.memory_space<vmem>>
        %dma_wait3A_70 = arith.constant 0 : i32
        %dma_wait3A_71 = arith.constant 0 : i32
        %dma_wait3A_72 = tpu.memref_slice %arg11[%dma_wait3A_70, %dma_wait3A_71] : memref<10240x64xf32, #tpu.memory_space<vmem_shared>> -> memref<10240x64xf32, #tpu.memory_space<vmem_shared>>
        tpu.wait_indirect_dma semaphore(%run_scoped3A : memref<!tpu.dma_semaphore, #tpu.memory_space<semaphore_mem>>) src(%arg9 : memref<512x64xf32, #tpu.memory_space<vmem>>) dst(%dma_wait3A_72 : memref<10240x64xf32, #tpu.memory_space<vmem_shared>>)
        tpu.yield
      }) : () -> ()
      %dma_start3A_48 = arith.constant 0 : i32
      %dma_start3A_49 = tpu.memref_slice %arg7[%min3A_34, %dma_start3A_48] : memref<10x512xi32, #tpu.memory_space<vmem>> -> memref<1x512xi32, #tpu.memory_space<vmem>>
      %dma_start3A_50 = tpu.memref_squeeze %dma_start3A_49 : memref<1x512xi32, #tpu.memory_space<vmem>> -> memref<512xi32, #tpu.memory_space<vmem>>
      %dma_start3A_51 = arith.constant 0 : i32
      %dma_start3A_52 = arith.constant 0 : i32
      %dma_start3A_53 = tpu.memref_slice %arg4[%dma_start3A_51, %dma_start3A_52] : memref<10240x64xf32, #tpu.memory_space<hbm>> -> memref<10240x64xf32, #tpu.memory_space<hbm>>
      tpu.enqueue_indirect_dma source(%dma_start3A_53 : memref<10240x64xf32, #tpu.memory_space<hbm>>) target(%arg9 : memref<512x64xf32, #tpu.memory_space<vmem>>) offsets(%dma_start3A_50 : memref<512xi32, #tpu.memory_space<vmem>>) semaphore(%arg12 : memref<!tpu.dma_semaphore, #tpu.memory_space<semaphore_mem>>)
      %dma_wait3A_54 = arith.constant 0 : i32
      %dma_wait3A_55 = arith.constant 0 : i32
      %dma_wait3A_56 = tpu.memref_slice %arg7[%dma_wait3A_54, %dma_wait3A_55] : memref<10x512xi32, #tpu.memory_space<vmem>> -> memref<1x512xi32, #tpu.memory_space<vmem>>
      %dma_wait3A_57 = tpu.memref_squeeze %dma_wait3A_56 : memref<1x512xi32, #tpu.memory_space<vmem>> -> memref<512xi32, #tpu.memory_space<vmem>>
      %dma_wait3A_58 = arith.constant 0 : i32
      %dma_wait3A_59 = arith.constant 0 : i32
      %dma_wait3A_60 = tpu.memref_slice %arg4[%dma_wait3A_58, %dma_wait3A_59] : memref<10240x64xf32, #tpu.memory_space<hbm>> -> memref<10240x64xf32, #tpu.memory_space<hbm>>
      tpu.wait_indirect_dma semaphore(%arg13 : memref<!tpu.dma_semaphore, #tpu.memory_space<semaphore_mem>>) src(%dma_wait3A_60 : memref<10240x64xf32, #tpu.memory_space<hbm>>) dst(%arg10 : memref<512x64xf32, #tpu.memory_space<vmem>>)
      "tpu.region"() ({
        %run_scoped3A = tpu.sem_alloc : memref<!tpu.dma_semaphore, #tpu.memory_space<semaphore_mem>>
        %dma_start3A_61 = arith.constant 0 : i32
        %dma_start3A_62 = tpu.memref_slice %arg8[%add3A_31, %dma_start3A_61] : memref<10x512xi32, #tpu.memory_space<vmem>> -> memref<1x512xi32, #tpu.memory_space<vmem>>
        %dma_start3A_63 = tpu.memref_squeeze %dma_start3A_62 : memref<1x512xi32, #tpu.memory_space<vmem>> -> memref<512xi32, #tpu.memory_space<vmem>>
        %dma_start3A_64 = arith.constant 0 : i32
        %dma_start3A_65 = arith.constant 0 : i32
        %dma_start3A_66 = tpu.memref_slice %arg11[%dma_start3A_64, %dma_start3A_65] : memref<10240x64xf32, #tpu.memory_space<vmem_shared>> -> memref<10240x64xf32, #tpu.memory_space<vmem_shared>>
        tpu.enqueue_indirect_dma source(%arg10 : memref<512x64xf32, #tpu.memory_space<vmem>>) target(%dma_start3A_66 : memref<10240x64xf32, #tpu.memory_space<vmem_shared>>) offsets(%dma_start3A_63 : memref<512xi32, #tpu.memory_space<vmem>>) semaphore(%run_scoped3A : memref<!tpu.dma_semaphore, #tpu.memory_space<semaphore_mem>>) {add = true}
        %dma_wait3A_67 = arith.constant 0 : i32
        %dma_wait3A_68 = tpu.memref_slice %arg8[%add3A_31, %dma_wait3A_67] : memref<10x512xi32, #tpu.memory_space<vmem>> -> memref<1x512xi32, #tpu.memory_space<vmem>>
        %dma_wait3A_69 = tpu.memref_squeeze %dma_wait3A_68 : memref<1x512xi32, #tpu.memory_space<vmem>> -> memref<512xi32, #tpu.memory_space<vmem>>
        %dma_wait3A_70 = arith.constant 0 : i32
        %dma_wait3A_71 = arith.constant 0 : i32
        %dma_wait3A_72 = tpu.memref_slice %arg11[%dma_wait3A_70, %dma_wait3A_71] : memref<10240x64xf32, #tpu.memory_space<vmem_shared>> -> memref<10240x64xf32, #tpu.memory_space<vmem_shared>>
        tpu.wait_indirect_dma semaphore(%run_scoped3A : memref<!tpu.dma_semaphore, #tpu.memory_space<semaphore_mem>>) src(%arg10 : memref<512x64xf32, #tpu.memory_space<vmem>>) dst(%dma_wait3A_72 : memref<10240x64xf32, #tpu.memory_space<vmem_shared>>)
        tpu.yield
      }) : () -> ()
    }
    %scan3A_15 = arith.constant 5 : i32
    %dma_wait3A = arith.constant 0 : i32
    %dma_wait3A_16 = arith.constant 0 : i32
    %dma_wait3A_17 = tpu.memref_slice %arg7[%dma_wait3A, %dma_wait3A_16] : memref<10x512xi32, #tpu.memory_space<vmem>> -> memref<1x512xi32, #tpu.memory_space<vmem>>
    %dma_wait3A_18 = tpu.memref_squeeze %dma_wait3A_17 : memref<1x512xi32, #tpu.memory_space<vmem>> -> memref<512xi32, #tpu.memory_space<vmem>>
    %dma_wait3A_19 = arith.constant 0 : i32
    %dma_wait3A_20 = arith.constant 0 : i32
    %dma_wait3A_21 = tpu.memref_slice %arg4[%dma_wait3A_19, %dma_wait3A_20] : memref<10240x64xf32, #tpu.memory_space<hbm>> -> memref<10240x64xf32, #tpu.memory_space<hbm>>
    tpu.wait_indirect_dma semaphore(%arg12 : memref<!tpu.dma_semaphore, #tpu.memory_space<semaphore_mem>>) src(%dma_wait3A_21 : memref<10240x64xf32, #tpu.memory_space<hbm>>) dst(%arg9 : memref<512x64xf32, #tpu.memory_space<vmem>>)
    %barrier3A_22 = arith.constant 0 : index
    tpu.barrier barrier_id(%barrier3A_22)
    %mul3A_23 = arith.constant 640 : i32
    %mul3A_24 = arith.muli %arg1, %mul3A_23 : i32
    %mul3A_25 = arith.constant 640 : i32
    %mul3A_26 = arith.muli %arg1, %mul3A_25 : i32
    "tpu.region"() ({
      %run_scoped3A = tpu.sem_alloc : memref<!tpu.dma_semaphore, #tpu.memory_space<semaphore_mem>>
      %dma_start3A_27 = arith.constant 0 : i32
      %dma_start3A_28 = tpu.memref_slice %arg6[%arg0, %mul3A_26, %dma_start3A_27] : memref<2x10240x64xf32, #tpu.memory_space<hbm>> -> memref<1x640x64xf32, #tpu.memory_space<hbm>>
      %dma_start3A_29 = tpu.memref_squeeze %dma_start3A_28 : memref<1x640x64xf32, #tpu.memory_space<hbm>> -> memref<640x64xf32, #tpu.memory_space<hbm>>
      %dma_start3A_30 = arith.constant 0 : i32
      %dma_start3A_31 = tpu.memref_slice %arg11[%mul3A_24, %dma_start3A_30] : memref<10240x64xf32, #tpu.memory_space<vmem_shared>> -> memref<640x64xf32, #tpu.memory_space<vmem_shared>>
      tpu.enqueue_dma source(%dma_start3A_31 : memref<640x64xf32, #tpu.memory_space<vmem_shared>>) target(%dma_start3A_29 : memref<640x64xf32, #tpu.memory_space<hbm>>) target_semaphore(%run_scoped3A : memref<!tpu.dma_semaphore, #tpu.memory_space<semaphore_mem>>)
      %dma_wait3A_32 = arith.constant 0 : i32
      %dma_wait3A_33 = tpu.memref_slice %arg6[%arg0, %mul3A_26, %dma_wait3A_32] : memref<2x10240x64xf32, #tpu.memory_space<hbm>> -> memref<1x640x64xf32, #tpu.memory_space<hbm>>
      %dma_wait3A_34 = tpu.memref_squeeze %dma_wait3A_33 : memref<1x640x64xf32, #tpu.memory_space<hbm>> -> memref<640x64xf32, #tpu.memory_space<hbm>>
      %dma_wait3A_35 = arith.constant 0 : i32
      %dma_wait3A_36 = tpu.memref_slice %arg11[%mul3A_24, %dma_wait3A_35] : memref<10240x64xf32, #tpu.memory_space<vmem_shared>> -> memref<640x64xf32, #tpu.memory_space<vmem_shared>>
      tpu.wait_dma2 semaphore(%run_scoped3A : memref<!tpu.dma_semaphore, #tpu.memory_space<semaphore_mem>>) src(%dma_wait3A_36 : memref<640x64xf32, #tpu.memory_space<vmem_shared>>) dst(%dma_wait3A_34 : memref<640x64xf32, #tpu.memory_space<hbm>>)
      tpu.yield
    }) : () -> ()
    return
  }
}

module attributes {stable_mosaic.version = 14 : i64} {
  func.func @_tc1_body(%arg0: i32, %arg1: memref<1024x256xf32, #tpu.memory_space<vmem>>, %arg2: memref<2x1024x16xf32, #tpu.memory_space<vmem>>, %arg3: memref<256x64xf32, #tpu.memory_space<vmem>>, %arg4: memref<1024x64xf32, #tpu.memory_space<vmem>>, %arg5: memref<1024x1xf32, #tpu.memory_space<vmem>>) attributes {dimension_semantics = [#tpu.dimension_semantics<arbitrary>], iteration_bounds = array<i64: 10>, scalar_prefetch = 0 : i64, scratch_operands = 0 : i64, tpu.core_type = #tpu.core_type<tc>, window_params = [{transform_indices = @transform_0, window_bounds = array<i64: 1024, 256>}, {transform_indices = @transform_1, window_bounds = array<i64: 2, 1024, 16>}, {pipeline_mode = #tpu.pipeline_mode<synchronous>, transform_indices = @transform_2, window_bounds = array<i64: 256, 64>}, {transform_indices = @transform_3, window_bounds = array<i64: 1024, 64>}, {transform_indices = @transform_4, window_bounds = array<i64: 1024, 1>}]} {
    %get3A = arith.constant 0 : index
    %get3A_0 = arith.constant 0 : index
    %get3A_1 = arith.constant 0 : index
    %get3A_2 = vector.load %arg2[%get3A, %get3A_0, %get3A_1] : memref<2x1024x16xf32, #tpu.memory_space<vmem>>, vector<1x1024x1xf32>
    %get3A_3 = vector.shape_cast %get3A_2 : vector<1x1024x1xf32> to vector<1024x1xf32>
    %get3A_4 = arith.constant 1 : index
    %get3A_5 = arith.constant 0 : index
    %get3A_6 = arith.constant 0 : index
    %get3A_7 = vector.load %arg2[%get3A_4, %get3A_5, %get3A_6] : memref<2x1024x16xf32, #tpu.memory_space<vmem>>, vector<1x1024x1xf32>
    %get3A_8 = vector.shape_cast %get3A_7 : vector<1x1024x1xf32> to vector<1024x1xf32>
    %add3A = arith.addf %get3A_3, %get3A_8 : vector<1024x1xf32>
    %add3A_9 = arith.constant 1.000000e+00 : f32
    %add3A_10 = vector.broadcast %add3A_9 : f32 to vector<1024x1xf32>
    %add3A_11 = arith.addf %add3A, %add3A_10 : vector<1024x1xf32>
    %rsqrt3A = math.rsqrt %add3A_11 : vector<1024x1xf32>
    %get3A_12 = arith.constant 0 : index
    %get3A_13 = arith.constant 0 : index
    %get3A_14 = vector.load %arg1[%get3A_12, %get3A_13] : memref<1024x256xf32, #tpu.memory_space<vmem>>, vector<1024x256xf32>
    %get3A_15 = arith.constant 0 : index
    %get3A_16 = arith.constant 0 : index
    %get3A_17 = vector.load %arg3[%get3A_15, %get3A_16] : memref<256x64xf32, #tpu.memory_space<vmem>>, vector<256x64xf32>
    %dot_general3A = arith.constant dense<0.000000e+00> : vector<1024x64xf32>
    %dot_general3A_18 = tpu.matmul %get3A_14, %get3A_17, %dot_general3A {dimension_numbers = #tpu.dot_dimension_numbers<[1], [0], [0], [1], [0, 0, 1, 1], [], []>, transpose_lhs_hint = false} : vector<1024x256xf32>, vector<256x64xf32>, vector<1024x64xf32> -> vector<1024x64xf32>
    %mul3A = vector.broadcast %rsqrt3A : vector<1024x1xf32> to vector<1024x64xf32>
    %mul3A_19 = arith.mulf %dot_general3A_18, %mul3A : vector<1024x64xf32>
    %swap3A = arith.constant 0 : index
    %swap3A_20 = arith.constant 0 : index
    %swap3A_21 = vector.load %arg4[%swap3A, %swap3A_20] : memref<1024x64xf32, #tpu.memory_space<vmem>>, vector<1024x64xf32>
    tpu.vector_store %arg4[%swap3A, %swap3A_20], %mul3A_19 {strides = array<i32>} : memref<1024x64xf32, #tpu.memory_space<vmem>>, vector<1024x64xf32>,
    %swap3A_22 = arith.constant 0 : index
    %swap3A_23 = arith.constant 0 : index
    %swap3A_24 = vector.load %arg5[%swap3A_22, %swap3A_23] : memref<1024x1xf32, #tpu.memory_space<vmem>>, vector<1024x1xf32>
    tpu.vector_store %arg5[%swap3A_22, %swap3A_23], %rsqrt3A {strides = array<i32>} : memref<1024x1xf32, #tpu.memory_space<vmem>>, vector<1024x1xf32>,
    return
  }
  func.func @transform_0(%arg0: i32) -> (i32, i32) {
    %c0_i32 = arith.constant 0 : i32
    %c0_i32_0 = arith.constant 0 : i32
    return %arg0, %c0_i32 : i32, i32
  }
  func.func @transform_1(%arg0: i32) -> (i32, i32, i32) {
    %c0_i32 = arith.constant 0 : i32
    %c0_i32_0 = arith.constant 0 : i32
    %c0_i32_1 = arith.constant 0 : i32
    return %c0_i32, %arg0, %c0_i32_0 : i32, i32, i32
  }
  func.func @transform_2(%arg0: i32) -> (i32, i32) {
    %c0_i32 = arith.constant 0 : i32
    %c0_i32_0 = arith.constant 0 : i32
    %c0_i32_1 = arith.constant 0 : i32
    return %c0_i32, %c0_i32_0 : i32, i32
  }
  func.func @transform_3(%arg0: i32) -> (i32, i32) {
    %c0_i32 = arith.constant 0 : i32
    %c0_i32_0 = arith.constant 0 : i32
    return %arg0, %c0_i32 : i32, i32
  }
  func.func @transform_4(%arg0: i32) -> (i32, i32) {
    %c0_i32 = arith.constant 0 : i32
    %c0_i32_0 = arith.constant 0 : i32
    return %arg0, %c0_i32 : i32, i32
  }
}

module attributes {stable_mosaic.version = 14 : i64} {
  func.func @_tc2_body(%arg0: i32, %arg1: memref<1024x64xf32, #tpu.memory_space<vmem>>, %arg2: memref<2x1024x64xf32, #tpu.memory_space<vmem>>, %arg3: memref<1024x1xf32, #tpu.memory_space<vmem>>, %arg4: memref<1x64xf32, #tpu.memory_space<vmem>>, %arg5: memref<64x32xf32, #tpu.memory_space<vmem>>, %arg6: memref<1024x32xf32, #tpu.memory_space<vmem>>) attributes {dimension_semantics = [#tpu.dimension_semantics<arbitrary>], iteration_bounds = array<i64: 10>, scalar_prefetch = 0 : i64, scratch_operands = 0 : i64, tpu.core_type = #tpu.core_type<tc>, window_params = [{transform_indices = @transform_0, window_bounds = array<i64: 1024, 64>}, {transform_indices = @transform_1, window_bounds = array<i64: 2, 1024, 64>}, {transform_indices = @transform_2, window_bounds = array<i64: 1024, 1>}, {pipeline_mode = #tpu.pipeline_mode<synchronous>, transform_indices = @transform_3, window_bounds = array<i64: 1, 64>}, {pipeline_mode = #tpu.pipeline_mode<synchronous>, transform_indices = @transform_4, window_bounds = array<i64: 64, 32>}, {transform_indices = @transform_5, window_bounds = array<i64: 1024, 32>}]} {
    %get3A = arith.constant 0 : index
    %get3A_0 = arith.constant 0 : index
    %get3A_1 = vector.load %arg3[%get3A, %get3A_0] : memref<1024x1xf32, #tpu.memory_space<vmem>>, vector<1024x1xf32>
    %get3A_2 = arith.constant 0 : index
    %get3A_3 = arith.constant 0 : index
    %get3A_4 = arith.constant 0 : index
    %get3A_5 = vector.load %arg2[%get3A_2, %get3A_3, %get3A_4] : memref<2x1024x64xf32, #tpu.memory_space<vmem>>, vector<1x1024x64xf32>
    %get3A_6 = vector.shape_cast %get3A_5 : vector<1x1024x64xf32> to vector<1024x64xf32>
    %get3A_7 = arith.constant 1 : index
    %get3A_8 = arith.constant 0 : index
    %get3A_9 = arith.constant 0 : index
    %get3A_10 = vector.load %arg2[%get3A_7, %get3A_8, %get3A_9] : memref<2x1024x64xf32, #tpu.memory_space<vmem>>, vector<1x1024x64xf32>
    %get3A_11 = vector.shape_cast %get3A_10 : vector<1x1024x64xf32> to vector<1024x64xf32>
    %add3A = arith.addf %get3A_6, %get3A_11 : vector<1024x64xf32>
    %get3A_12 = arith.constant 0 : index
    %get3A_13 = arith.constant 0 : index
    %get3A_14 = vector.load %arg1[%get3A_12, %get3A_13] : memref<1024x64xf32, #tpu.memory_space<vmem>>, vector<1024x64xf32>
    %add3A_15 = arith.addf %add3A, %get3A_14 : vector<1024x64xf32>
    %mul3A = vector.broadcast %get3A_1 : vector<1024x1xf32> to vector<1024x64xf32>
    %mul3A_16 = arith.mulf %add3A_15, %mul3A : vector<1024x64xf32>
    %get3A_17 = arith.constant 0 : index
    %get3A_18 = arith.constant 0 : index
    %get3A_19 = vector.load %arg4[%get3A_17, %get3A_18] : memref<1x64xf32, #tpu.memory_space<vmem>>, vector<1x64xf32>
    %add3A_20 = vector.broadcast %get3A_19 : vector<1x64xf32> to vector<1024x64xf32>
    %add3A_21 = arith.addf %mul3A_16, %add3A_20 : vector<1024x64xf32>
    %max3A = arith.constant 0.000000e+00 : f32
    %max3A_22 = vector.broadcast %max3A : f32 to vector<1024x64xf32>
    %max3A_23 = arith.maximumf %add3A_21, %max3A_22 : vector<1024x64xf32>
    %get3A_24 = arith.constant 0 : index
    %get3A_25 = arith.constant 0 : index
    %get3A_26 = vector.load %arg5[%get3A_24, %get3A_25] : memref<64x32xf32, #tpu.memory_space<vmem>>, vector<64x32xf32>
    %dot_general3A = arith.constant dense<0.000000e+00> : vector<1024x32xf32>
    %dot_general3A_27 = tpu.matmul %max3A_23, %get3A_26, %dot_general3A {dimension_numbers = #tpu.dot_dimension_numbers<[1], [0], [0], [1], [0, 0, 1, 1], [], []>, transpose_lhs_hint = false} : vector<1024x64xf32>, vector<64x32xf32>, vector<1024x32xf32> -> vector<1024x32xf32>
    %mul3A_28 = vector.broadcast %get3A_1 : vector<1024x1xf32> to vector<1024x32xf32>
    %mul3A_29 = arith.mulf %dot_general3A_27, %mul3A_28 : vector<1024x32xf32>
    %swap3A = arith.constant 0 : index
    %swap3A_30 = arith.constant 0 : index
    %swap3A_31 = vector.load %arg6[%swap3A, %swap3A_30] : memref<1024x32xf32, #tpu.memory_space<vmem>>, vector<1024x32xf32>
    tpu.vector_store %arg6[%swap3A, %swap3A_30], %mul3A_29 {strides = array<i32>} : memref<1024x32xf32, #tpu.memory_space<vmem>>, vector<1024x32xf32>,
    return
  }
  func.func @transform_0(%arg0: i32) -> (i32, i32) {
    %c0_i32 = arith.constant 0 : i32
    %c0_i32_0 = arith.constant 0 : i32
    return %arg0, %c0_i32 : i32, i32
  }
  func.func @transform_1(%arg0: i32) -> (i32, i32, i32) {
    %c0_i32 = arith.constant 0 : i32
    %c0_i32_0 = arith.constant 0 : i32
    %c0_i32_1 = arith.constant 0 : i32
    return %c0_i32, %arg0, %c0_i32_0 : i32, i32, i32
  }
  func.func @transform_2(%arg0: i32) -> (i32, i32) {
    %c0_i32 = arith.constant 0 : i32
    %c0_i32_0 = arith.constant 0 : i32
    return %arg0, %c0_i32 : i32, i32
  }
  func.func @transform_3(%arg0: i32) -> (i32, i32) {
    %c0_i32 = arith.constant 0 : i32
    %c0_i32_0 = arith.constant 0 : i32
    %c0_i32_1 = arith.constant 0 : i32
    return %c0_i32, %c0_i32_0 : i32, i32
  }
  func.func @transform_4(%arg0: i32) -> (i32, i32) {
    %c0_i32 = arith.constant 0 : i32
    %c0_i32_0 = arith.constant 0 : i32
    %c0_i32_1 = arith.constant 0 : i32
    return %c0_i32, %c0_i32_0 : i32, i32
  }
  func.func @transform_5(%arg0: i32) -> (i32, i32) {
    %c0_i32 = arith.constant 0 : i32
    %c0_i32_0 = arith.constant 0 : i32
    return %arg0, %c0_i32 : i32, i32
  }
}

module attributes {stable_mosaic.version = 14 : i64} {
  func.func @_tc3_body(%arg0: memref<10240x32xf32, #tpu.memory_space<vmem>>, %arg1: memref<2x10240x32xf32, #tpu.memory_space<vmem>>, %arg2: memref<10240x1xf32, #tpu.memory_space<vmem>>, %arg3: memref<1x32xf32, #tpu.memory_space<vmem>>, %arg4: memref<32x1xf32, #tpu.memory_space<vmem>>, %arg5: memref<1x1xf32, #tpu.memory_space<vmem>>, %arg6: memref<32x2xf32, #tpu.memory_space<vmem>>, %arg7: memref<1x2xf32, #tpu.memory_space<vmem>>, %arg8: memref<1x2xf32, #tpu.memory_space<vmem>>) attributes {dimension_semantics = [], scalar_prefetch = 0 : i64, scratch_operands = 0 : i64, tpu.core_type = #tpu.core_type<tc>} {
    %get3A = arith.constant 0 : index
    %get3A_0 = arith.constant 0 : index
    %get3A_1 = arith.constant 0 : index
    %get3A_2 = vector.load %arg1[%get3A, %get3A_0, %get3A_1] : memref<2x10240x32xf32, #tpu.memory_space<vmem>>, vector<1x10240x32xf32>
    %get3A_3 = vector.shape_cast %get3A_2 : vector<1x10240x32xf32> to vector<10240x32xf32>
    %get3A_4 = arith.constant 1 : index
    %get3A_5 = arith.constant 0 : index
    %get3A_6 = arith.constant 0 : index
    %get3A_7 = vector.load %arg1[%get3A_4, %get3A_5, %get3A_6] : memref<2x10240x32xf32, #tpu.memory_space<vmem>>, vector<1x10240x32xf32>
    %get3A_8 = vector.shape_cast %get3A_7 : vector<1x10240x32xf32> to vector<10240x32xf32>
    %add3A = arith.addf %get3A_3, %get3A_8 : vector<10240x32xf32>
    %get3A_9 = arith.constant 0 : index
    %get3A_10 = arith.constant 0 : index
    %get3A_11 = vector.load %arg0[%get3A_9, %get3A_10] : memref<10240x32xf32, #tpu.memory_space<vmem>>, vector<10240x32xf32>
    %add3A_12 = arith.addf %add3A, %get3A_11 : vector<10240x32xf32>
    %get3A_13 = arith.constant 0 : index
    %get3A_14 = arith.constant 0 : index
    %get3A_15 = vector.load %arg2[%get3A_13, %get3A_14] : memref<10240x1xf32, #tpu.memory_space<vmem>>, vector<10240x1xf32>
    %mul3A = vector.broadcast %get3A_15 : vector<10240x1xf32> to vector<10240x32xf32>
    %mul3A_16 = arith.mulf %add3A_12, %mul3A : vector<10240x32xf32>
    %get3A_17 = arith.constant 0 : index
    %get3A_18 = arith.constant 0 : index
    %get3A_19 = vector.load %arg3[%get3A_17, %get3A_18] : memref<1x32xf32, #tpu.memory_space<vmem>>, vector<1x32xf32>
    %add3A_20 = vector.broadcast %get3A_19 : vector<1x32xf32> to vector<10240x32xf32>
    %add3A_21 = arith.addf %mul3A_16, %add3A_20 : vector<10240x32xf32>
    %get3A_22 = arith.constant 0 : index
    %get3A_23 = arith.constant 0 : index
    %get3A_24 = vector.load %arg4[%get3A_22, %get3A_23] : memref<32x1xf32, #tpu.memory_space<vmem>>, vector<32x1xf32>
    %dot_general3A = arith.constant dense<0.000000e+00> : vector<10240x1xf32>
    %dot_general3A_25 = tpu.matmul %add3A_21, %get3A_24, %dot_general3A {dimension_numbers = #tpu.dot_dimension_numbers<[1], [0], [0], [1], [0, 0, 1, 1], [], []>, transpose_lhs_hint = false} : vector<10240x32xf32>, vector<32x1xf32>, vector<10240x1xf32> -> vector<10240x1xf32>
    %get3A_26 = arith.constant 0 : index
    %get3A_27 = arith.constant 0 : index
    %get3A_28 = vector.load %arg5[%get3A_26, %get3A_27] : memref<1x1xf32, #tpu.memory_space<vmem>>, vector<1x1xf32>
    %add3A_29 = vector.broadcast %get3A_28 : vector<1x1xf32> to vector<10240x1xf32>
    %add3A_30 = arith.addf %dot_general3A_25, %add3A_29 : vector<10240x1xf32>
    %neg3A = arith.constant 0.000000e+00 : f32
    %neg3A_31 = vector.broadcast %neg3A : f32 to vector<10240x1xf32>
    %neg3A_32 = arith.subf %neg3A_31, %add3A_30 : vector<10240x1xf32>
    %exp3A = math.exp %neg3A_32 : vector<10240x1xf32>
    %add3A_33 = arith.constant 1.000000e+00 : f32
    %add3A_34 = vector.broadcast %add3A_33 : f32 to vector<10240x1xf32>
    %add3A_35 = arith.addf %add3A_34, %exp3A : vector<10240x1xf32>
    %div3A = arith.constant 1.000000e+00 : f32
    %div3A_36 = vector.broadcast %div3A : f32 to vector<10240x1xf32>
    %div3A_37 = arith.divf %div3A_36, %add3A_35 : vector<10240x1xf32>
    %iota3A = tpu.iota {dimensions = array<i32: 0>} : vector<10240x1xi32>
    %lt3A = arith.constant 10000 : i32
    %lt3A_38 = vector.broadcast %lt3A : i32 to vector<10240x1xi32>
    %lt3A_39 = arith.cmpi slt, %iota3A, %lt3A_38 : vector<10240x1xi32>
    %jit3A = arith.constant -1.000000e+30 : f32
    %broadcast_in_dim3A = vector.broadcast %jit3A : f32 to vector<10240x1xf32>
    %select_n3A = arith.select %lt3A_39, %div3A_37, %broadcast_in_dim3A : vector<10240x1xi1>, vector<10240x1xf32>
    %reduce_max3A = vector.shape_cast %select_n3A : vector<10240x1xf32> to vector<1x10240x1xf32>
    %reduce_max3A_40 = arith.constant dense<0xFF800000> : vector<1xf32>
    %reduce_max3A_41 = vector.multi_reduction <maximumf>, %reduce_max3A, %reduce_max3A_40 [1, 2] : vector<1x10240x1xf32> to vector<1xf32>
    %reduce_max3A_42 = vector.shape_cast %reduce_max3A_41 : vector<1xf32> to vector<1x1x1xf32>
    %reduce_max3A_43 = vector.extract %reduce_max3A_42[0, 0, 0] : f32 from vector<1x1x1xf32>
    %sub3A = vector.broadcast %reduce_max3A_43 : f32 to vector<10240x1xf32>
    %sub3A_44 = arith.subf %select_n3A, %sub3A : vector<10240x1xf32>
    %exp3A_45 = math.exp %sub3A_44 : vector<10240x1xf32>
    %jit3A_46 = arith.constant 0.000000e+00 : f32
    %broadcast_in_dim3A_47 = vector.broadcast %jit3A_46 : f32 to vector<10240x1xf32>
    %select_n3A_48 = arith.select %lt3A_39, %exp3A_45, %broadcast_in_dim3A_47 : vector<10240x1xi1>, vector<10240x1xf32>
    %mul3A_49 = vector.broadcast %select_n3A_48 : vector<10240x1xf32> to vector<10240x32xf32>
    %mul3A_50 = arith.mulf %mul3A_49, %add3A_21 : vector<10240x32xf32>
    %reduce_sum3A = arith.constant dense<0.000000e+00> : vector<32xf32>
    %reduce_sum3A_51 = vector.multi_reduction <add>, %mul3A_50, %reduce_sum3A [0] : vector<10240x32xf32> to vector<32xf32>
    %broadcast_in_dim3A_52 = vector.shape_cast %reduce_sum3A_51 : vector<32xf32> to vector<1x32xf32>
    %reduce_sum3A_53 = vector.shape_cast %select_n3A_48 : vector<10240x1xf32> to vector<1x10240x1xf32>
    %reduce_sum3A_54 = arith.constant dense<0.000000e+00> : vector<1xf32>
    %reduce_sum3A_55 = vector.multi_reduction <add>, %reduce_sum3A_53, %reduce_sum3A_54 [1, 2] : vector<1x10240x1xf32> to vector<1xf32>
    %reduce_sum3A_56 = vector.shape_cast %reduce_sum3A_55 : vector<1xf32> to vector<1x1x1xf32>
    %reduce_sum3A_57 = vector.extract %reduce_sum3A_56[0, 0, 0] : f32 from vector<1x1x1xf32>
    %div3A_58 = vector.broadcast %reduce_sum3A_57 : f32 to vector<1x32xf32>
    %div3A_59 = arith.divf %broadcast_in_dim3A_52, %div3A_58 : vector<1x32xf32>
    %get3A_60 = arith.constant 0 : index
    %get3A_61 = arith.constant 0 : index
    %get3A_62 = vector.load %arg6[%get3A_60, %get3A_61] : memref<32x2xf32, #tpu.memory_space<vmem>>, vector<32x2xf32>
    %dot_general3A_63 = arith.constant dense<0.000000e+00> : vector<1x2xf32>
    %dot_general3A_64 = tpu.matmul %div3A_59, %get3A_62, %dot_general3A_63 {dimension_numbers = #tpu.dot_dimension_numbers<[1], [0], [0], [1], [0, 0, 1, 1], [], []>, transpose_lhs_hint = false} : vector<1x32xf32>, vector<32x2xf32>, vector<1x2xf32> -> vector<1x2xf32>
    %get3A_65 = arith.constant 0 : index
    %get3A_66 = arith.constant 0 : index
    %get3A_67 = vector.load %arg7[%get3A_65, %get3A_66] : memref<1x2xf32, #tpu.memory_space<vmem>>, vector<1x2xf32>
    %add3A_68 = arith.addf %dot_general3A_64, %get3A_67 : vector<1x2xf32>
    %swap3A = arith.constant 0 : index
    %swap3A_69 = arith.constant 0 : index
    %swap3A_70 = vector.load %arg8[%swap3A, %swap3A_69] : memref<1x2xf32, #tpu.memory_space<vmem>>, vector<1x2xf32>
    tpu.vector_store %arg8[%swap3A, %swap3A_69], %add3A_68 {strides = array<i32>} : memref<1x2xf32, #tpu.memory_space<vmem>>, vector<1x2xf32>,
    return
  }
}

</mosaic_0001>

<sc_bundles>
// kernel: sc_agg32.3.cloned.1.call-start
scs
__scs_entry_jumppad:
0x0: {  	(pc) =	sbr.rel $0x88, $3  }
0x1: {  	(tag) =	ssettag $0x0;
	lr =	simm.s32 $0x1  }
0x2: {  	[smem:$0x3F96] =	sst lr;
	_ =	strace $0xD0000000  }
0x3: {  	_ = 	snop  }
0x4: {  	_ = 	snop  }
0x5: {  	_ = 	snop  }
0x6: {  	_ = 	snop  }
0x7: {  	_ = 	snop  }
__scs_overlays_trampoline_lowered:
0x8: {  	[smem:$0x3FA5] =	sst s0  }
0x9: {  	[smem:$0x3FA6] =	sst s1  }
0xa: {  	[smem:$0x3FA7] =	sst s2  }
0xb: {  	[smem:$0x3FA8] =	sst s3  }
0xc: {  	[smem:$0x3FA9] =	sst s4  }
0xd: {  	[smem:$0x3FAA] =	sst s5  }
0xe: {  	[smem:$0x3FAB] =	sst s6  }
0xf: {  	[smem:$0x3FAC] =	sst s7  }
0x10: {  	[smem:$0x3FAD] =	sst s8  }
0x11: {  	[smem:$0x3FAE] =	sst s9;
	s0 =	simm.s32 @!p0 $0x0  }
0x12: {  	s1 =	sld [smem:$0x3F94];
	s0 =	simm.s32 @p0 $0x1  }
0x13: {  	[smem:$0x3FAF] =	sst s0;
	s0 =	simm.s32 @!p1 $0x0  }
0x14: {  	s2 =	sld [smem:$0x3F93];
	s0 =	simm.s32 @p1 $0x1  }
0x15: {  	[smem:$0x3FB0] =	sst s0;
	s0 =	simm.s32 @!p2 $0x0  }
0x16: {  	s3 =	sld [smem:$0x3FDB];
	s0 =	simm.s32 @p2 $0x1  }
0x17: {  	s4 =	simm.s32 $0x1BF5;
	[smem:$0x3FB2] =	sst s0  }
0x18: {  	s0 =	sld [smem:$0x3F95];
	_ =	swait.ge [sflag:s4], $0x0  }
0x19: {  	s7 =	sld [smem:$0x3F96]  }
0x1a: {  	s8 =	sadd.s32 $0xFFFFE003, lr  }
0x1b: {  	s9 =	sadd.s32 $0xFFFFFEF7, lr;
	s5 =	simm.s32 $0xFFFFFFFF;
	p2 =	slt.u32 s8, $0xFFFFF086  }
0x1c: {  	p1 =	slt.u32 s9, $0xF7A;
	s5 =	simm.s32 @!p2 $0x0  }
0x1d: {  	s5 =	simm.s32 @p1 $0x1;
	p0 =	seq.s32 s7, s2  }
0x1e: {  	s7 =	smul.u32 @!p0 $0xF7A, s2;
	p2 =	seq.s32 @!p0 s5, $0x0  }
0x1f: {  	s9 =	smul.u32 $0xF7A, s1;
	s8 =	simm.s32 @!p0 $0x1BF5;
	p2 =	por !p2, p0  }
0x20: {  	[sflag:s8] =	ssyncset.s32 @!p0 $0xFFFFF086;
	s6 =	sadd.s32 @!p0 s3, s7;
	s7 =	simm.s32 @!p0 $0x108  }
0x21: {  	s3 =	sadd.s32 s3, s9;
	s6 =	sadd.s32 @!p0 $0x88, s6;
	s7 =	simm.s32 @p2 $0x1082  }
0x22: {  	[simem:s7], [sflag:s8] =	dma.local @!p0 [hbm:s6], $0xF7A  }
0x23: {  	s9 =	sor.u32 $0xD0000000, s2;
	s6 =	simm.s32 $0x108;
	_ =	swait.ge @!p0 [sflag:s8], $0x0  }
0x24: {  	s3 =	sadd.s32 $0x88, s3;
	s6 =	simm.s32 @!p1 $0x1082;
	[sflag:s4] =	ssyncset.s32 $0xFFFFF086  }
0x25: {  	[simem:s6], [sflag:s4] =	dma.local [hbm:s3], $0xF7A  }
0x26: {  	[smem:$0x3F96] =	sst s1;
	(tag) =	ssettag s2;
	_ =	strace s9  }
0x27: {  	s1 =	sld [smem:$0x3FA6]  }
0x28: {  	s2 =	sld [smem:$0x3FA7]  }
0x29: {  	s4 =	sld [smem:$0x3FA9]  }
0x2a: {  	p0 =	seq.s32 s5, $0x0;
	s5 =	sld [smem:$0x3FAA]  }
0x2b: {  	s6 =	sld [smem:$0x3FAB]  }
0x2c: {  	s7 =	sld [smem:$0x3FAC]  }
0x2d: {  	s3 =	simm.s32 $0x108;
	s8 =	sld [smem:$0x3FAD]  }
0x2e: {  	s3 =	simm.s32 @!p0 $0x1082;
	s9 =	sld [smem:$0x3FAE]  }
0x2f: {  	lr =	sadd.s32 s0, s3;
	s0 =	sld [smem:$0x3FA5]  }
0x30: {  	s3 =	sld [smem:$0x3FA8]  }
0x31: {  	[smem:$0x3FB1] =	sst s10  }
0x32: {  	s10 =	sld [smem:$0x3FAF];
	_ =	sdelay $0x3  }
0x33: {  	p0 =	seq.s32 s10, $0x1;
	s10 =	sld [smem:$0x3FB1];
	_ =	sdelay $0x3  }
0x34: {  	[smem:$0x3FB1] =	sst s10  }
0x35: {  	s10 =	sld [smem:$0x3FB0];
	_ =	sdelay $0x3  }
0x36: {  	p1 =	seq.s32 s10, $0x1;
	s10 =	sld [smem:$0x3FB1];
	_ =	sdelay $0x3  }
0x37: {  	[smem:$0x3FB1] =	sst s10  }
0x38: {  	s10 =	sld [smem:$0x3FB2]  }
0x39: {  	_ = 	snop;
	(pc) =	sbr.ind lr, $3  }
0x3a: {  	_ = 	snop  }
0x3b: {  	_ = 	snop  }
0x3c: {  	p2 =	seq.s32 s10, $0x1;
	s10 =	sld [smem:$0x3FB1]  }
0x3d: {  	_ =	shalt  }
0x3e: {  	_ =	shalt  }
0x3f: {  	_ =	shalt  }
0x40: {  	_ =	shalt  }
0x41: {  	_ =	shalt  }
0x42: {  	_ =	shalt  }
0x43: {  	_ =	shalt  }
0x44: {  	_ =	shalt  }
0x45: {  	_ =	shalt  }
0x46: {  	_ =	shalt  }
0x47: {  	_ =	shalt  }
0x48: {  	_ =	shalt  }
0x49: {  	_ =	shalt  }
0x4a: {  	_ =	shalt  }
0x4b: {  	_ =	shalt  }
0x4c: {  	_ =	shalt  }
0x4d: {  	_ =	shalt  }
0x4e: {  	_ =	shalt  }
0x4f: {  	_ =	shalt  }
0x50: {  	_ =	shalt  }
0x51: {  	_ =	shalt  }
0x52: {  	_ =	shalt  }
0x53: {  	_ =	shalt  }
0x54: {  	_ =	shalt  }
0x55: {  	_ =	shalt  }
0x56: {  	_ =	shalt  }
0x57: {  	_ =	shalt  }
0x58: {  	_ =	shalt  }
0x59: {  	_ =	shalt  }
0x5a: {  	_ =	shalt  }
0x5b: {  	_ =	shalt  }
0x5c: {  	_ =	shalt  }
0x5d: {  	_ =	shalt  }
0x5e: {  	_ =	shalt  }
0x5f: {  	_ =	shalt  }
0x60: {  	_ =	shalt  }
0x61: {  	_ =	shalt  }
0x62: {  	_ =	shalt  }
0x63: {  	_ =	shalt  }
0x64: {  	_ =	shalt  }
0x65: {  	_ =	shalt  }
0x66: {  	_ =	shalt  }
0x67: {  	_ =	shalt  }
0x68: {  	_ =	shalt  }
0x69: {  	_ =	shalt  }
0x6a: {  	_ =	shalt  }
0x6b: {  	_ =	shalt  }
0x6c: {  	_ =	shalt  }
0x6d: {  	_ =	shalt  }
0x6e: {  	_ =	shalt  }
0x6f: {  	_ =	shalt  }
0x70: {  	_ =	shalt  }
0x71: {  	_ =	shalt  }
0x72: {  	_ =	shalt  }
0x73: {  	_ =	shalt  }
0x74: {  	_ =	shalt  }
0x75: {  	_ =	shalt  }
0x76: {  	_ =	shalt  }
0x77: {  	_ =	shalt  }
0x78: {  	_ =	shalt  }
0x79: {  	_ =	shalt  }
0x7a: {  	_ =	shalt  }
0x7b: {  	_ =	shalt  }
0x7c: {  	_ =	shalt  }
0x7d: {  	_ =	shalt  }
0x7e: {  	_ =	shalt  }
0x7f: {  	_ =	shalt  }
0x80: {  	_ =	shalt  }
0x81: {  	_ =	shalt  }
0x82: {  	_ =	shalt  }
0x83: {  	_ =	shalt  }
0x84: {  	_ =	shalt  }
0x85: {  	_ =	shalt  }
0x86: {  	_ =	shalt  }
0x87: {  	_ =	shalt  }
.Lfunc_end0:
.L_simem_size_0:
called_computation.3_lowered:
.L_overlay_start_0:
0x88: {  	s2 =	sld [smem:$0x3FD9]  }
0x89: {  	s3 =	sld [smem:$0x3FFE];
	_ =	sdelay $0x1  }
0x8a: {  	s1 =	srdreg.scid  }
0x8b: {  	s0 =	sand.u32 $0x1, s1  }
0x8c: {  	s16 =	sshll.u32 s0, $0xA;
	s2 =	sadd.s32 s3, s2  }
0x8d: {  	s2 =	sadd.s32 s2, s16  }
0x8e: {  	[smem:$0x3FBD] =	sst s2  }
0x8f: {  	_ = 	snop  }
0x90: {  	(tm) =	ssettm $0x1  }
0x91: {  	s17 =	sld [smem:$0x3FFB];
	_ =	sdelay $0x3  }
0x92: {  	_ =	strace s17  }
0x93: {  	s2 =	sld [smem:$0x3FFC];
	_ =	sdelay $0x3  }
0x94: {  	_ =	strace s2  }
0x95: {  	s2 =	sld [smem:$0x3FFD];
	_ =	sdelay $0x3  }
0x96: {  	_ =	strace s2  }
0x97: {  	_ =	strace $0x8FFFFFFF  }
0x98: {  	s18 =	sld [smem:$0x3FDB];
	_ =	sdelay $0x1  }
0x99: {  	s19 =	simm.s32 $_scs_section_size  }
0x9a: {  	s4 =	simm.s32 $_size__tile_overlayer_lowered;
	s5 =	simm.s32 $_tile_overlayer_lowered  }
0x9b: {  	s22 =	simm.s32 $0x1BFF;
	s21 =	sshll.u32 s5, $0x1;
	s2 =	sadd.s32 s19, s18  }
0x9c: {  	s6 =	simm.s32 $0x0;
	s20 =	sshll.u32 s4, $0x1;
	s4 =	sadd.s32 s21, s2  }
0x9d: {  	[timem:s6], [sflag:s22] =	dma.local [hbm:s4], s20  }
0x9e: {  	_ =	swait.ge [sflag:s22], s20  }
0x9f: {  	s3 =	ssub.s32 $0x0, s20;
	[sflag:s22] =	ssyncset.done $0x0  }
0xa0: {  	[sflag:s22] =	ssyncadd.s32 s3;
	_ =	sdelay $0x1  }
0xa1: {  	s23 =	simm.s32 $0x1B8B  }
0xa2: {  	_ =	swait.ge [sflag:s23], $0x1  }
0xa3: {  	[sflag:s23] =	ssyncset.done $0x0  }
0xa4: {  	s25 =	simm.s32 $0x1B8E;
	s24 =	sld [smem:$0x3FFE];
	[sflag:s23] =	ssyncadd.s32 $0xFFFFFFFF  }
0xa5: {  	s26 =	simm.s32 $execute0_lowered;
	[smem:$0x3FD2] =	sst s25  }
0xa6: {  	s4 =	sshll.u32 s26, $0x1;
	_ =	strace $0x8000004F;
	[dreg:$0x1] =	wrdreg $0xFFFFFFFF  }
0xa7: {  	s28 =	simm.s32 $_size_execute0_lowered;
	s2 =	sadd.s32 s2, s4;
	[dreg:$0x0] =	wrdreg $0x0  }
0xa8: {  	s4 =	sshll.u32 s28, $0x1;
	[dreg:$0x2] =	wrdreg s2  }
0xa9: {  	[dreg:$0x3] =	wrdreg s4  }
0xaa: {  	[dreg:$0x4] =	wrdreg $0xC0  }
0xab: {  	_ =	task [dreg:s6], $0x5FFFF  }
0xac: {  	[dreg:$0x1] =	wrdreg $0xFFFFFFFF  }
0xad: {  	[dreg:$0x0] =	wrdreg $0x60  }
0xae: {  	[dreg:$0x2] =	wrdreg s24  }
0xaf: {  	[dreg:$0x3] =	wrdreg $0xA8000  }
0xb0: {  	[dreg:$0x4] =	wrdreg $0x9  }
0xb1: {  	_ =	task.clear_ibuf [dreg:s6], $0x5FFFF;
	_ =	strace $0x9000004F  }
0xb2: {  	s29 =	simm.s32 $0x9;
	_ =	strace $0x80000051  }
0xb3: {  	_ =	swait.ge [sflag:s29], $0x1  }
0xb4: {  	[sflag:s29] =	ssyncadd.s32 $0xFFFFFFFF  }
0xb5: {  	_ =	strace $0x90000051  }
0xb6: {  	_ =	sfence  }
0xb7: {  	s30 =	sld [smem:$0x0];
	_ =	sdelay $0x2  }
0xb8: {  	s31 =	sshll.u32 s1, $0xD;
	s1 =	sshrl.u32 s1, $0x2  }
0xb9: {  	s3 =	sand.u32 $0x4000, s31;
	s1 =	sadd.s32 s1, s30  }
0xba: {  	s0 =	sor.u32 s3, s0;
	s1 =	sshll.u32 s1, $0x11  }
0xbb: {  	s0 =	sor.u32 s1, s0  }
0xbc: {  	s0 =	sadd.s32 $0x8F2B, s0  }
0xbd: {  	[sflag:s0] =	ssyncadd.remote.s32 $0x1  }
0xbe: {  	_ =	sfence.sel $0xFFFF  }
0xbf: {  	[dreg:$0x0] =	wrdreg $0xFFFFFFFF;
	(pc) =	sbr.abs _section_cstart, $3  }
0xc0: {  	[dreg:$0x1] =	wrdreg $0xFFFFFFFF  }
0xc1: {  	_ =	task.clear_ibuf [dreg:s6], $0x2FFFF;
	_ =	strace $0x9FFFFFFF  }
0xc2: {  	(tm) =	ssettm $0x7FFFFFFF  }
0xc3: {  	_ =	shalt  }
tec
execute0_lowered:
.L_overlay_start_1:
0x0: {  	(tag) =	ssettag $0x1  }
0x1: {  	s1 =	srdreg.scid  }
0x2: {  	s0 =	stileid.u32;
	s8 =	rddreg [dreg:$0x0]  }
0x3: {  	s1 =	sand.u32 $0x1, s1;
	s3 =	sshll.u32 s0, $0x1;
	s5 =	smul.u32 $0x5000, s0  }
0x4: {  	s2 =	rddreg [dreg:$0x1];
	s23 =	sshll.u32 s0, $0x6;
	s4 =	sor.u32 s1, s3  }
0x5: {  	s3 =	simm.s32 $0x0;
	s4 =	smul.u32 $0x280, s4;
	s6 =	sshrl.u32 s5, $0x3  }
0x6: {  	s7 =	smul.u32 $0x50000, s1;
	[smem:$0x7FF] =	sst s3;
	s6 =	sadd.s32 s6, s8  }
0x7: {  	_ =	strace $0x80000050;
	s4 =	sadd.s32 s4, s8;
	s6 =	sadd.s32 $0x15800, s6  }
0x8: {  	s7 =	sadd.s32 s5, s7;
	[dreg:$0x3] =	wrdreg s6;
	s22 =	sadd.s32 $0x6800, s4  }
0x9: {  	s5 =	sadd.s32 s5, s2;
	s7 =	sshrl.u32 s7, $0x3;
	[dreg:$0x4] =	wrdreg s22  }
0xa: {  	s7 =	sadd.s32 s7, s8;
	s9 =	sadd.s32 $0x1800, s4;
	s10 =	rddreg [dreg:$0x3]  }
0xb: {  	s4 =	sor.u32 $0x1C03, s23;
	[dreg:$0x5] =	wrdreg s9;
	s24 =	sadd.s32 $0x1F800, s7  }
0xc: {  	s6 =	sshrl.u32 s5, $0x3;
	s5 =	simm.s32 $0x3;
	[dreg:$0x6] =	wrdreg s24  }
0xd: {  	[spmem:s6], [sflag:s4] =	dma.local [hbm:s10], $0xA00  }
0xe: {  	_ =	swait.ge [sflag:s5], $0xA00  }
0xf: {  	[sflag:s5] =	ssyncset.done $0x0  }
0x10: {  	s25 =	rddreg [dreg:$0x4];
	[sflag:s5] =	ssyncadd.s32 $0xFFFFF600  }
0x11: {  	[tilespmem:s3], [sflag:$0x3] =	stream.linear.gather [hbm4b:s25+s3], $0x1400, $0x38;
	[tilespmem:$0xF800] =	vst v63  }
0x12: {  	_ =	swait.ge [sflag:s5], $0x1400  }
0x13: {  	[sflag:s5] =	ssyncset.done $0x0  }
0x14: {  	s7 =	simm.s32 $0x1400;
	s26 =	rddreg [dreg:$0x5];
	[sflag:s5] =	ssyncadd.s32 $0xFFFFEC00  }
0x15: {  	[tilespmem:s7], [sflag:$0x3] =	stream.linear.gather [hbm4b:s26+s3], $0x1400, $0x38;
	[tilespmem:$0xF800] =	vst v63  }
0x16: {  	_ =	swait.ge [sflag:s5], $0x1400  }
0x17: {  	[sflag:s5] =	ssyncset.done $0x0  }
0x18: {  	s8 =	sadd.s32 $0xB800, s8;
	[sflag:s5] =	ssyncadd.s32 $0xFFFFEC00  }
0x19: {  	s9 =	simm.s32 $0x200;
	s10 =	simm.s32 $0x2800;
	[bflag:$0x0] =	sbarrier.arrive $0xFFFF  }
0x1a: {  	[tilespmem:s10], [sflag:$0x1] =	stream.indirect.gather [hbm4b:s8+s9], $0x20, s3, s9, $0xb8;
	[tilespmem:$0xF800] =	vst v63  }
0x1b: {  	s11 =	simm.s32 $0x6800;
	s12 =	simm.s32 $0x1  }
0x1c: {  	[tilespmem:s11], [sflag:$0x2] =	stream.indirect.gather [hbm4b:s8+s9], $0x20, s9, s9, $0xb8;
	[tilespmem:$0xF800] =	vst v63  }
0x1d: {  	_ =	swait.ge [sflag:s12], $0x4000  }
0x1e: {  	[sflag:s12] =	ssyncset.done $0x0  }
0x1f: {  	[sflag:s12] =	ssyncadd.s32 $0xFFFFC000  }
0x20: {  	[spmem:s2] =	stream.indirect.scatter.add.f32 [tilespmem:s10], [sflag:$0x3], $0x20, s7, s9, $0xb8;
	[tilespmem:$0xF800] =	vst v63  }
0x21: {  	_ =	swait.ge [sflag:s5], $0x4000  }
0x22: {  	[sflag:s5] =	ssyncset.done $0x0  }
0x23: {  	s13 =	simm.s32 $0x400;
	s14 =	simm.s32 $0x2;
	[sflag:s5] =	ssyncadd.s32 $0xFFFFC000  }
0x24: {  	[tilespmem:s10], [sflag:$0x1] =	stream.indirect.gather [hbm4b:s8+s9], $0x20, s13, s9, $0xb8;
	[tilespmem:$0xF800] =	vst v63  }
0x25: {  	_ =	swait.ge [sflag:s14], $0x4000  }
0x26: {  	[sflag:s14] =	ssyncset.done $0x0  }
0x27: {  	s15 =	simm.s32 $0x1600;
	[sflag:s14] =	ssyncadd.s32 $0xFFFFC000  }
0x28: {  	[spmem:s2] =	stream.indirect.scatter.add.f32 [tilespmem:s11], [sflag:$0x3], $0x20, s15, s9, $0xb8;
	[tilespmem:$0xF800] =	vst v63  }
0x29: {  	_ =	swait.ge [sflag:s5], $0x4000  }
0x2a: {  	[sflag:s5] =	ssyncset.done $0x0  }
0x2b: {  	s16 =	simm.s32 $0x600;
	[sflag:s5] =	ssyncadd.s32 $0xFFFFC000  }
0x2c: {  	[tilespmem:s11], [sflag:$0x2] =	stream.indirect.gather [hbm4b:s8+s9], $0x20, s16, s9, $0xb8;
	[tilespmem:$0xF800] =	vst v63  }
0x2d: {  	_ =	swait.ge [sflag:s12], $0x4000  }
0x2e: {  	[sflag:s12] =	ssyncset.done $0x0  }
0x2f: {  	s17 =	simm.s32 $0x1800;
	[sflag:s12] =	ssyncadd.s32 $0xFFFFC000  }
0x30: {  	[spmem:s2] =	stream.indirect.scatter.add.f32 [tilespmem:s10], [sflag:$0x3], $0x20, s17, s9, $0xb8;
	[tilespmem:$0xF800] =	vst v63  }
0x31: {  	_ =	swait.ge [sflag:s5], $0x4000  }
0x32: {  	[sflag:s5] =	ssyncset.done $0x0  }
0x33: {  	s18 =	simm.s32 $0x800;
	[sflag:s5] =	ssyncadd.s32 $0xFFFFC000  }
0x34: {  	[tilespmem:s10], [sflag:$0x1] =	stream.indirect.gather [hbm4b:s8+s9], $0x20, s18, s9, $0xb8;
	[tilespmem:$0xF800] =	vst v63  }
0x35: {  	_ =	swait.ge [sflag:s14], $0x4000  }
0x36: {  	[sflag:s14] =	ssyncset.done $0x0  }
0x37: {  	s19 =	simm.s32 $0x1A00;
	[sflag:s14] =	ssyncadd.s32 $0xFFFFC000  }
0x38: {  	[spmem:s2] =	stream.indirect.scatter.add.f32 [tilespmem:s11], [sflag:$0x3], $0x20, s19, s9, $0xb8;
	[tilespmem:$0xF800] =	vst v63  }
0x39: {  	_ =	swait.ge [sflag:s5], $0x4000  }
0x3a: {  	[sflag:s5] =	ssyncset.done $0x0  }
0x3b: {  	s20 =	simm.s32 $0xA00;
	[sflag:s5] =	ssyncadd.s32 $0xFFFFC000  }
0x3c: {  	[tilespmem:s11], [sflag:$0x2] =	stream.indirect.gather [hbm4b:s8+s9], $0x20, s20, s9, $0xb8;
	[tilespmem:$0xF800] =	vst v63  }
0x3d: {  	_ =	swait.ge [sflag:s12], $0x4000  }
0x3e: {  	[sflag:s12] =	ssyncset.done $0x0  }
0x3f: {  	s21 =	simm.s32 $0x1C00;
	[sflag:s12] =	ssyncadd.s32 $0xFFFFC000  }
0x40: {  	[spmem:s2] =	stream.indirect.scatter.add.f32 [tilespmem:s10], [sflag:$0x3], $0x20, s21, s9, $0xb8;
	[tilespmem:$0xF800] =	vst v63  }
0x41: {  	_ =	swait.ge [sflag:s5], $0x4000  }
0x42: {  	[sflag:s5] =	ssyncset.done $0x0  }
0x43: {  	s22 =	simm.s32 $0xC00;
	[sflag:s5] =	ssyncadd.s32 $0xFFFFC000  }
0x44: {  	[tilespmem:s10], [sflag:$0x1] =	stream.indirect.gather [hbm4b:s8+s9], $0x20, s22, s9, $0xb8;
	[tilespmem:$0xF800] =	vst v63  }
0x45: {  	_ =	swait.ge [sflag:s14], $0x4000  }
0x46: {  	[sflag:s14] =	ssyncset.done $0x0  }
0x47: {  	s23 =	simm.s32 $0x1E00;
	[sflag:s14] =	ssyncadd.s32 $0xFFFFC000  }
0x48: {  	[spmem:s2] =	stream.indirect.scatter.add.f32 [tilespmem:s11], [sflag:$0x3], $0x20, s23, s9, $0xb8;
	[tilespmem:$0xF800] =	vst v63  }
0x49: {  	_ =	swait.ge [sflag:s5], $0x4000  }
0x4a: {  	[sflag:s5] =	ssyncset.done $0x0  }
0x4b: {  	s24 =	simm.s32 $0xE00;
	[sflag:s5] =	ssyncadd.s32 $0xFFFFC000  }
0x4c: {  	[tilespmem:s11], [sflag:$0x2] =	stream.indirect.gather [hbm4b:s8+s9], $0x20, s24, s9, $0xb8;
	[tilespmem:$0xF800] =	vst v63  }
0x4d: {  	_ =	swait.ge [sflag:s12], $0x4000  }
0x4e: {  	[sflag:s12] =	ssyncset.done $0x0  }
0x4f: {  	s25 =	simm.s32 $0x2000;
	[sflag:s12] =	ssyncadd.s32 $0xFFFFC000  }
0x50: {  	[spmem:s2] =	stream.indirect.scatter.add.f32 [tilespmem:s10], [sflag:$0x3], $0x20, s25, s9, $0xb8;
	[tilespmem:$0xF800] =	vst v63  }
0x51: {  	_ =	swait.ge [sflag:s5], $0x4000  }
0x52: {  	[sflag:s5] =	ssyncset.done $0x0  }
0x53: {  	s26 =	simm.s32 $0x1000;
	[sflag:s5] =	ssyncadd.s32 $0xFFFFC000  }
0x54: {  	[tilespmem:s10], [sflag:$0x1] =	stream.indirect.gather [hbm4b:s8+s9], $0x20, s26, s9, $0xb8;
	[tilespmem:$0xF800] =	vst v63  }
0x55: {  	_ =	swait.ge [sflag:s14], $0x4000  }
0x56: {  	[sflag:s14] =	ssyncset.done $0x0  }
0x57: {  	s28 =	simm.s32 $0x2200;
	[sflag:s14] =	ssyncadd.s32 $0xFFFFC000  }
0x58: {  	[spmem:s2] =	stream.indirect.scatter.add.f32 [tilespmem:s11], [sflag:$0x3], $0x20, s28, s9, $0xb8;
	[tilespmem:$0xF800] =	vst v63  }
0x59: {  	_ =	swait.ge [sflag:s5], $0x4000  }
0x5a: {  	[sflag:s5] =	ssyncset.done $0x0  }
0x5b: {  	s29 =	simm.s32 $0x1200;
	[sflag:s5] =	ssyncadd.s32 $0xFFFFC000  }
0x5c: {  	[tilespmem:s11], [sflag:$0x2] =	stream.indirect.gather [hbm4b:s8+s9], $0x20, s29, s9, $0xb8;
	[tilespmem:$0xF800] =	vst v63  }
0x5d: {  	_ =	swait.ge [sflag:s12], $0x4000  }
0x5e: {  	[sflag:s12] =	ssyncset.done $0x0  }
0x5f: {  	s30 =	simm.s32 $0x2400;
	[sflag:s12] =	ssyncadd.s32 $0xFFFFC000  }
0x60: {  	[spmem:s2] =	stream.indirect.scatter.add.f32 [tilespmem:s10], [sflag:$0x3], $0x20, s30, s9, $0xb8;
	[tilespmem:$0xF800] =	vst v63  }
0x61: {  	_ =	swait.ge [sflag:s5], $0x4000  }
0x62: {  	[sflag:s5] =	ssyncset.done $0x0  }
0x63: {  	[sflag:s5] =	ssyncadd.s32 $0xFFFFC000  }
0x64: {  	[tilespmem:s10], [sflag:$0x1] =	stream.indirect.gather [hbm4b:s8+s9], $0x20, s29, s9, $0xb8;
	[tilespmem:$0xF800] =	vst v63  }
0x65: {  	_ =	swait.ge [sflag:s14], $0x4000  }
0x66: {  	[sflag:s14] =	ssyncset.done $0x0  }
0x67: {  	s31 =	simm.s32 $0x2600;
	[sflag:s14] =	ssyncadd.s32 $0xFFFFC000  }
0x68: {  	[spmem:s2] =	stream.indirect.scatter.add.f32 [tilespmem:s11], [sflag:$0x3], $0x20, s31, s9, $0xb8;
	[tilespmem:$0xF800] =	vst v63  }
0x69: {  	_ =	swait.ge [sflag:s5], $0x4000  }
0x6a: {  	[sflag:s5] =	ssyncset.done $0x0  }
0x6b: {  	[sflag:s5] =	ssyncadd.s32 $0xFFFFC000  }
0x6c: {  	_ =	swait.ge [sflag:s12], $0x4000  }
0x6d: {  	[sflag:s12] =	ssyncset.done $0x0  }
0x6e: {  	[sflag:s12] =	ssyncadd.s32 $0xFFFFC000  }
0x6f: {  	[bflag:$0x0] =	sbarrier.arrive $0xFFFF  }
0x70: {  	s1 =	ssub.s32 $0x2, s1;
	s0 =	rddreg [dreg:$0x6]  }
0x71: {  	[dreg:$0x7] =	wrdreg s0;
	s0 =	sshrl.u32 s1, $0x1  }
0x72: {  	s0 =	ssub.s32 s1, s0  }
0x73: {  	s0 =	smax.u32 s0, $0x1  }
0x74: {  	p0 =	sne.s32 s0, $0x1  }
.Ltmp0:
0x75: {  	_ = 	snop;
	(pc) =	sbr.rel @!p0 .LBB2_2-.Ltmp0, $4  }
0x76: {  	_ = 	snop  }
0x77: {  	s1 =	rddreg [dreg:$0x7]  }
0x78: {  	[hbm:s1], [sflag:s4] =	dma.local [spmem:s6], $0xA00  }
0x79: {  	s1 =	sadd.s32 $0xFFFFFFFF, s0;
	_ =	swait.ge [sflag:s5], $0xA00  }
.LBB2_1:
0x7a: {  	[sflag:s5] =	ssyncset.done $0x0  }
0x7b: {  	s0 =	rddreg [dreg:$0x3];
	[sflag:s5] =	ssyncadd.s32 $0xFFFFF600  }
0x7c: {  	[spmem:s6], [sflag:s4] =	dma.local [hbm:s0], $0xA00  }
0x7d: {  	_ =	swait.ge [sflag:s5], $0xA00  }
0x7e: {  	[sflag:s5] =	ssyncset.done $0x0  }
0x7f: {  	s0 =	rddreg [dreg:$0x4];
	[sflag:s5] =	ssyncadd.s32 $0xFFFFF600  }
0x80: {  	[tilespmem:s3], [sflag:$0x3] =	stream.linear.gather [hbm4b:s0+s3], $0x1400, $0x38;
	[tilespmem:$0xF800] =	vst v63  }
0x81: {  	_ =	swait.ge [sflag:s5], $0x1400  }
0x82: {  	[sflag:s5] =	ssyncset.done $0x0  }
0x83: {  	s0 =	rddreg [dreg:$0x5];
	[sflag:s5] =	ssyncadd.s32 $0xFFFFEC00  }
0x84: {  	[tilespmem:s7], [sflag:$0x3] =	stream.linear.gather [hbm4b:s0+s3], $0x1400, $0x38;
	[tilespmem:$0xF800] =	vst v63  }
0x85: {  	_ =	swait.ge [sflag:s5], $0x1400  }
0x86: {  	[sflag:s5] =	ssyncset.done $0x0  }
0x87: {  	[sflag:s5] =	ssyncadd.s32 $0xFFFFEC00  }
0x88: {  	[bflag:$0x0] =	sbarrier.arrive $0xFFFF  }
0x89: {  	[tilespmem:s10], [sflag:$0x1] =	stream.indirect.gather [hbm4b:s8+s9], $0x20, s3, s9, $0xb8;
	[tilespmem:$0xF800] =	vst v63  }
0x8a: {  	_ = 	snop  }
0x8b: {  	[tilespmem:s11], [sflag:$0x2] =	stream.indirect.gather [hbm4b:s8+s9], $0x20, s9, s9, $0xb8;
	[tilespmem:$0xF800] =	vst v63  }
0x8c: {  	_ =	swait.ge [sflag:s12], $0x4000  }
0x8d: {  	[sflag:s12] =	ssyncset.done $0x0  }
0x8e: {  	[sflag:s12] =	ssyncadd.s32 $0xFFFFC000  }
0x8f: {  	[spmem:s2] =	stream.indirect.scatter.add.f32 [tilespmem:s10], [sflag:$0x3], $0x20, s7, s9, $0xb8;
	[tilespmem:$0xF800] =	vst v63  }
0x90: {  	_ =	swait.ge [sflag:s5], $0x4000  }
0x91: {  	[sflag:s5] =	ssyncset.done $0x0  }
0x92: {  	[sflag:s5] =	ssyncadd.s32 $0xFFFFC000  }
0x93: {  	[tilespmem:s10], [sflag:$0x1] =	stream.indirect.gather [hbm4b:s8+s9], $0x20, s13, s9, $0xb8;
	[tilespmem:$0xF800] =	vst v63  }
0x94: {  	_ =	swait.ge [sflag:s14], $0x4000  }
0x95: {  	[sflag:s14] =	ssyncset.done $0x0  }
0x96: {  	[sflag:s14] =	ssyncadd.s32 $0xFFFFC000  }
0x97: {  	[spmem:s2] =	stream.indirect.scatter.add.f32 [tilespmem:s11], [sflag:$0x3], $0x20, s15, s9, $0xb8;
	[tilespmem:$0xF800] =	vst v63  }
0x98: {  	_ =	swait.ge [sflag:s5], $0x4000  }
0x99: {  	[sflag:s5] =	ssyncset.done $0x0  }
0x9a: {  	[sflag:s5] =	ssyncadd.s32 $0xFFFFC000  }
0x9b: {  	[tilespmem:s11], [sflag:$0x2] =	stream.indirect.gather [hbm4b:s8+s9], $0x20, s16, s9, $0xb8;
	[tilespmem:$0xF800] =	vst v63  }
0x9c: {  	_ =	swait.ge [sflag:s12], $0x4000  }
0x9d: {  	[sflag:s12] =	ssyncset.done $0x0  }
0x9e: {  	[sflag:s12] =	ssyncadd.s32 $0xFFFFC000  }
0x9f: {  	[spmem:s2] =	stream.indirect.scatter.add.f32 [tilespmem:s10], [sflag:$0x3], $0x20, s17, s9, $0xb8;
	[tilespmem:$0xF800] =	vst v63  }
0xa0: {  	_ =	swait.ge [sflag:s5], $0x4000  }
0xa1: {  	[sflag:s5] =	ssyncset.done $0x0  }
0xa2: {  	[sflag:s5] =	ssyncadd.s32 $0xFFFFC000  }
0xa3: {  	[tilespmem:s10], [sflag:$0x1] =	stream.indirect.gather [hbm4b:s8+s9], $0x20, s18, s9, $0xb8;
	[tilespmem:$0xF800] =	vst v63  }
0xa4: {  	_ =	swait.ge [sflag:s14], $0x4000  }
0xa5: {  	[sflag:s14] =	ssyncset.done $0x0  }
0xa6: {  	[sflag:s14] =	ssyncadd.s32 $0xFFFFC000  }
0xa7: {  	[spmem:s2] =	stream.indirect.scatter.add.f32 [tilespmem:s11], [sflag:$0x3], $0x20, s19, s9, $0xb8;
	[tilespmem:$0xF800] =	vst v63  }
0xa8: {  	_ =	swait.ge [sflag:s5], $0x4000  }
0xa9: {  	[sflag:s5] =	ssyncset.done $0x0  }
0xaa: {  	[sflag:s5] =	ssyncadd.s32 $0xFFFFC000  }
0xab: {  	[tilespmem:s11], [sflag:$0x2] =	stream.indirect.gather [hbm4b:s8+s9], $0x20, s20, s9, $0xb8;
	[tilespmem:$0xF800] =	vst v63  }
0xac: {  	_ =	swait.ge [sflag:s12], $0x4000  }
0xad: {  	[sflag:s12] =	ssyncset.done $0x0  }
0xae: {  	[sflag:s12] =	ssyncadd.s32 $0xFFFFC000  }
0xaf: {  	[spmem:s2] =	stream.indirect.scatter.add.f32 [tilespmem:s10], [sflag:$0x3], $0x20, s21, s9, $0xb8;
	[tilespmem:$0xF800] =	vst v63  }
0xb0: {  	_ =	swait.ge [sflag:s5], $0x4000  }
0xb1: {  	[sflag:s5] =	ssyncset.done $0x0  }
0xb2: {  	[sflag:s5] =	ssyncadd.s32 $0xFFFFC000  }
0xb3: {  	[tilespmem:s10], [sflag:$0x1] =	stream.indirect.gather [hbm4b:s8+s9], $0x20, s22, s9, $0xb8;
	[tilespmem:$0xF800] =	vst v63  }
0xb4: {  	_ =	swait.ge [sflag:s14], $0x4000  }
0xb5: {  	[sflag:s14] =	ssyncset.done $0x0  }
0xb6: {  	[sflag:s14] =	ssyncadd.s32 $0xFFFFC000  }
0xb7: {  	[spmem:s2] =	stream.indirect.scatter.add.f32 [tilespmem:s11], [sflag:$0x3], $0x20, s23, s9, $0xb8;
	[tilespmem:$0xF800] =	vst v63  }
0xb8: {  	_ =	swait.ge [sflag:s5], $0x4000  }
0xb9: {  	[sflag:s5] =	ssyncset.done $0x0  }
0xba: {  	[sflag:s5] =	ssyncadd.s32 $0xFFFFC000  }
0xbb: {  	[tilespmem:s11], [sflag:$0x2] =	stream.indirect.gather [hbm4b:s8+s9], $0x20, s24, s9, $0xb8;
	[tilespmem:$0xF800] =	vst v63  }
0xbc: {  	_ =	swait.ge [sflag:s12], $0x4000  }
0xbd: {  	[sflag:s12] =	ssyncset.done $0x0  }
0xbe: {  	[sflag:s12] =	ssyncadd.s32 $0xFFFFC000  }
0xbf: {  	[spmem:s2] =	stream.indirect.scatter.add.f32 [tilespmem:s10], [sflag:$0x3], $0x20, s25, s9, $0xb8;
	[tilespmem:$0xF800] =	vst v63  }
0xc0: {  	_ =	swait.ge [sflag:s5], $0x4000  }
0xc1: {  	[sflag:s5] =	ssyncset.done $0x0  }
0xc2: {  	[sflag:s5] =	ssyncadd.s32 $0xFFFFC000  }
0xc3: {  	[tilespmem:s10], [sflag:$0x1] =	stream.indirect.gather [hbm4b:s8+s9], $0x20, s26, s9, $0xb8;
	[tilespmem:$0xF800] =	vst v63  }
0xc4: {  	_ =	swait.ge [sflag:s14], $0x4000  }
0xc5: {  	[sflag:s14] =	ssyncset.done $0x0  }
0xc6: {  	[sflag:s14] =	ssyncadd.s32 $0xFFFFC000  }
0xc7: {  	[spmem:s2] =	stream.indirect.scatter.add.f32 [tilespmem:s11], [sflag:$0x3], $0x20, s28, s9, $0xb8;
	[tilespmem:$0xF800] =	vst v63  }
0xc8: {  	_ =	swait.ge [sflag:s5], $0x4000  }
0xc9: {  	[sflag:s5] =	ssyncset.done $0x0  }
0xca: {  	[sflag:s5] =	ssyncadd.s32 $0xFFFFC000  }
0xcb: {  	[tilespmem:s11], [sflag:$0x2] =	stream.indirect.gather [hbm4b:s8+s9], $0x20, s29, s9, $0xb8;
	[tilespmem:$0xF800] =	vst v63  }
0xcc: {  	_ =	swait.ge [sflag:s12], $0x4000  }
0xcd: {  	[sflag:s12] =	ssyncset.done $0x0  }
0xce: {  	[sflag:s12] =	ssyncadd.s32 $0xFFFFC000  }
0xcf: {  	[spmem:s2] =	stream.indirect.scatter.add.f32 [tilespmem:s10], [sflag:$0x3], $0x20, s30, s9, $0xb8;
	[tilespmem:$0xF800] =	vst v63  }
0xd0: {  	_ =	swait.ge [sflag:s5], $0x4000  }
0xd1: {  	[sflag:s5] =	ssyncset.done $0x0  }
0xd2: {  	[sflag:s5] =	ssyncadd.s32 $0xFFFFC000  }
0xd3: {  	[tilespmem:s10], [sflag:$0x1] =	stream.indirect.gather [hbm4b:s8+s9], $0x20, s29, s9, $0xb8;
	[tilespmem:$0xF800] =	vst v63  }
0xd4: {  	_ =	swait.ge [sflag:s14], $0x4000  }
0xd5: {  	[sflag:s14] =	ssyncset.done $0x0  }
0xd6: {  	[sflag:s14] =	ssyncadd.s32 $0xFFFFC000  }
0xd7: {  	[spmem:s2] =	stream.indirect.scatter.add.f32 [tilespmem:s11], [sflag:$0x3], $0x20, s31, s9, $0xb8;
	[tilespmem:$0xF800] =	vst v63  }
0xd8: {  	_ =	swait.ge [sflag:s5], $0x4000  }
0xd9: {  	[sflag:s5] =	ssyncset.done $0x0  }
0xda: {  	[sflag:s5] =	ssyncadd.s32 $0xFFFFC000  }
0xdb: {  	_ =	swait.ge [sflag:s12], $0x4000  }
0xdc: {  	p0 =	sne.s32 s1, $0x1;
	[sflag:s12] =	ssyncset.done $0x0  }
.Ltmp1:
0xdd: {  	[sflag:s12] =	ssyncadd.s32 $0xFFFFC000;
	(pc) =	sbr.rel @p0 .LBB2_1-.Ltmp1, $4  }
0xde: {  	[bflag:$0x0] =	sbarrier.arrive $0xFFFF  }
0xdf: {  	s0 =	rddreg [dreg:$0x6]  }
0xe0: {  	[hbm:s0], [sflag:s4] =	dma.local [spmem:s6], $0xA00  }
0xe1: {  	s1 =	sadd.s32 $0xFFFFFFFF, s1;
	_ =	swait.ge [sflag:s5], $0xA00  }
.LBB2_2:
0xe2: {  	[sflag:s5] =	ssyncset.done $0x0  }
0xe3: {  	[sflag:s5] =	ssyncadd.s32 $0xFFFFF600  }
0xe4: {  	_ =	sfence.sel $0x180000  }
0xe5: {  	[bflag:$0x0] =	sbarrier.arrive $0xFFFF  }
0xe6: {  	_ =	strace $0x90000050  }
0xe7: {  	s0 =	stileid.u32;
	[bflag:$0x2] =	sbarrier.arrive $0xFFFF  }
0xe8: {  	p0 =	sne.s32 s0, $0x0;
	s0 =	rddreg [dreg:$0x2]  }
0xe9: {  	s0 =	sadd.s32 @!p0 $0x100000, s0  }
0xea: {  	[sflag:s0] =	ssyncadd.tile.s32 @!p0 $0x1;
	_ =	shalt  }
.Lfunc_end2:
_tile_overlayer_lowered:
.L_overlay_start_2:
0xeb: {  	(tag) =	ssettag $0x2  }
0xec: {  	s0 =	rddreg [dreg:$0x0];
	s2 =	stileid.u32  }
0xed: {  	s1 =	rddreg [dreg:$0x1];
	p0 =	sne.s32 s2, $0x0  }
0xee: {  	s3 =	rddreg [dreg:$0x2];
	[bflag:$0x3] =	sbarrier.arrive $0xFFFF;
	s2 =	simm.s32 @!p0 $0x1C03  }
0xef: {  	[timem:s3], [sflag:s2] =	dma.local @!p0 [hbm:s0], s1  }
0xf0: {  	s0 =	simm.s32 @!p0 $0x3  }
0xf1: {  	_ =	swait.ge @!p0 [sflag:s0], s1  }
0xf2: {  	s1 =	ssub.s32 @!p0 $0x0, s1;
	[sflag:s0] =	ssyncset.done @!p0 $0x0  }
0xf3: {  	[sflag:s0] =	ssyncadd.s32 @!p0 s1  }
0xf4: {  	[bflag:$0x3] =	sbarrier.arrive $0xFFFF  }
0xf5: {  	_ =	shalt  }

// kernel: sc_agg64.3.cloned.1.call-start
scs
__scs_entry_jumppad:
0x0: {  	(pc) =	sbr.rel $0x88, $3  }
0x1: {  	(tag) =	ssettag $0x0;
	lr =	simm.s32 $0x1  }
0x2: {  	[smem:$0x3F96] =	sst lr;
	_ =	strace $0xD0000000  }
0x3: {  	_ = 	snop  }
0x4: {  	_ = 	snop  }
0x5: {  	_ = 	snop  }
0x6: {  	_ = 	snop  }
0x7: {  	_ = 	snop  }
__scs_overlays_trampoline_lowered:
0x8: {  	[smem:$0x3FA5] =	sst s0  }
0x9: {  	[smem:$0x3FA6] =	sst s1  }
0xa: {  	[smem:$0x3FA7] =	sst s2  }
0xb: {  	[smem:$0x3FA8] =	sst s3  }
0xc: {  	[smem:$0x3FA9] =	sst s4  }
0xd: {  	[smem:$0x3FAA] =	sst s5  }
0xe: {  	[smem:$0x3FAB] =	sst s6  }
0xf: {  	[smem:$0x3FAC] =	sst s7  }
0x10: {  	[smem:$0x3FAD] =	sst s8  }
0x11: {  	[smem:$0x3FAE] =	sst s9;
	s0 =	simm.s32 @!p0 $0x0  }
0x12: {  	s1 =	sld [smem:$0x3F94];
	s0 =	simm.s32 @p0 $0x1  }
0x13: {  	[smem:$0x3FAF] =	sst s0;
	s0 =	simm.s32 @!p1 $0x0  }
0x14: {  	s2 =	sld [smem:$0x3F93];
	s0 =	simm.s32 @p1 $0x1  }
0x15: {  	[smem:$0x3FB0] =	sst s0;
	s0 =	simm.s32 @!p2 $0x0  }
0x16: {  	s3 =	sld [smem:$0x3FDB];
	s0 =	simm.s32 @p2 $0x1  }
0x17: {  	s4 =	simm.s32 $0x1BF5;
	[smem:$0x3FB2] =	sst s0  }
0x18: {  	s0 =	sld [smem:$0x3F95];
	_ =	swait.ge [sflag:s4], $0x0  }
0x19: {  	s7 =	sld [smem:$0x3F96]  }
0x1a: {  	s8 =	sadd.s32 $0xFFFFE003, lr  }
0x1b: {  	s9 =	sadd.s32 $0xFFFFFEF7, lr;
	s5 =	simm.s32 $0xFFFFFFFF;
	p2 =	slt.u32 s8, $0xFFFFF086  }
0x1c: {  	p1 =	slt.u32 s9, $0xF7A;
	s5 =	simm.s32 @!p2 $0x0  }
0x1d: {  	s5 =	simm.s32 @p1 $0x1;
	p0 =	seq.s32 s7, s2  }
0x1e: {  	s7 =	smul.u32 @!p0 $0xF7A, s2;
	p2 =	seq.s32 @!p0 s5, $0x0  }
0x1f: {  	s9 =	smul.u32 $0xF7A, s1;
	s8 =	simm.s32 @!p0 $0x1BF5;
	p2 =	por !p2, p0  }
0x20: {  	[sflag:s8] =	ssyncset.s32 @!p0 $0xFFFFF086;
	s6 =	sadd.s32 @!p0 s3, s7;
	s7 =	simm.s32 @!p0 $0x108  }
0x21: {  	s3 =	sadd.s32 s3, s9;
	s6 =	sadd.s32 @!p0 $0x88, s6;
	s7 =	simm.s32 @p2 $0x1082  }
0x22: {  	[simem:s7], [sflag:s8] =	dma.local @!p0 [hbm:s6], $0xF7A  }
0x23: {  	s9 =	sor.u32 $0xD0000000, s2;
	s6 =	simm.s32 $0x108;
	_ =	swait.ge @!p0 [sflag:s8], $0x0  }
0x24: {  	s3 =	sadd.s32 $0x88, s3;
	s6 =	simm.s32 @!p1 $0x1082;
	[sflag:s4] =	ssyncset.s32 $0xFFFFF086  }
0x25: {  	[simem:s6], [sflag:s4] =	dma.local [hbm:s3], $0xF7A  }
0x26: {  	[smem:$0x3F96] =	sst s1;
	(tag) =	ssettag s2;
	_ =	strace s9  }
0x27: {  	s1 =	sld [smem:$0x3FA6]  }
0x28: {  	s2 =	sld [smem:$0x3FA7]  }
0x29: {  	s4 =	sld [smem:$0x3FA9]  }
0x2a: {  	p0 =	seq.s32 s5, $0x0;
	s5 =	sld [smem:$0x3FAA]  }
0x2b: {  	s6 =	sld [smem:$0x3FAB]  }
0x2c: {  	s7 =	sld [smem:$0x3FAC]  }
0x2d: {  	s3 =	simm.s32 $0x108;
	s8 =	sld [smem:$0x3FAD]  }
0x2e: {  	s3 =	simm.s32 @!p0 $0x1082;
	s9 =	sld [smem:$0x3FAE]  }
0x2f: {  	lr =	sadd.s32 s0, s3;
	s0 =	sld [smem:$0x3FA5]  }
0x30: {  	s3 =	sld [smem:$0x3FA8]  }
0x31: {  	[smem:$0x3FB1] =	sst s10  }
0x32: {  	s10 =	sld [smem:$0x3FAF];
	_ =	sdelay $0x3  }
0x33: {  	p0 =	seq.s32 s10, $0x1;
	s10 =	sld [smem:$0x3FB1];
	_ =	sdelay $0x3  }
0x34: {  	[smem:$0x3FB1] =	sst s10  }
0x35: {  	s10 =	sld [smem:$0x3FB0];
	_ =	sdelay $0x3  }
0x36: {  	p1 =	seq.s32 s10, $0x1;
	s10 =	sld [smem:$0x3FB1];
	_ =	sdelay $0x3  }
0x37: {  	[smem:$0x3FB1] =	sst s10  }
0x38: {  	s10 =	sld [smem:$0x3FB2]  }
0x39: {  	_ = 	snop;
	(pc) =	sbr.ind lr, $3  }
0x3a: {  	_ = 	snop  }
0x3b: {  	_ = 	snop  }
0x3c: {  	p2 =	seq.s32 s10, $0x1;
	s10 =	sld [smem:$0x3FB1]  }
0x3d: {  	_ =	shalt  }
0x3e: {  	_ =	shalt  }
0x3f: {  	_ =	shalt  }
0x40: {  	_ =	shalt  }
0x41: {  	_ =	shalt  }
0x42: {  	_ =	shalt  }
0x43: {  	_ =	shalt  }
0x44: {  	_ =	shalt  }
0x45: {  	_ =	shalt  }
0x46: {  	_ =	shalt  }
0x47: {  	_ =	shalt  }
0x48: {  	_ =	shalt  }
0x49: {  	_ =	shalt  }
0x4a: {  	_ =	shalt  }
0x4b: {  	_ =	shalt  }
0x4c: {  	_ =	shalt  }
0x4d: {  	_ =	shalt  }
0x4e: {  	_ =	shalt  }
0x4f: {  	_ =	shalt  }
0x50: {  	_ =	shalt  }
0x51: {  	_ =	shalt  }
0x52: {  	_ =	shalt  }
0x53: {  	_ =	shalt  }
0x54: {  	_ =	shalt  }
0x55: {  	_ =	shalt  }
0x56: {  	_ =	shalt  }
0x57: {  	_ =	shalt  }
0x58: {  	_ =	shalt  }
0x59: {  	_ =	shalt  }
0x5a: {  	_ =	shalt  }
0x5b: {  	_ =	shalt  }
0x5c: {  	_ =	shalt  }
0x5d: {  	_ =	shalt  }
0x5e: {  	_ =	shalt  }
0x5f: {  	_ =	shalt  }
0x60: {  	_ =	shalt  }
0x61: {  	_ =	shalt  }
0x62: {  	_ =	shalt  }
0x63: {  	_ =	shalt  }
0x64: {  	_ =	shalt  }
0x65: {  	_ =	shalt  }
0x66: {  	_ =	shalt  }
0x67: {  	_ =	shalt  }
0x68: {  	_ =	shalt  }
0x69: {  	_ =	shalt  }
0x6a: {  	_ =	shalt  }
0x6b: {  	_ =	shalt  }
0x6c: {  	_ =	shalt  }
0x6d: {  	_ =	shalt  }
0x6e: {  	_ =	shalt  }
0x6f: {  	_ =	shalt  }
0x70: {  	_ =	shalt  }
0x71: {  	_ =	shalt  }
0x72: {  	_ =	shalt  }
0x73: {  	_ =	shalt  }
0x74: {  	_ =	shalt  }
0x75: {  	_ =	shalt  }
0x76: {  	_ =	shalt  }
0x77: {  	_ =	shalt  }
0x78: {  	_ =	shalt  }
0x79: {  	_ =	shalt  }
0x7a: {  	_ =	shalt  }
0x7b: {  	_ =	shalt  }
0x7c: {  	_ =	shalt  }
0x7d: {  	_ =	shalt  }
0x7e: {  	_ =	shalt  }
0x7f: {  	_ =	shalt  }
0x80: {  	_ =	shalt  }
0x81: {  	_ =	shalt  }
0x82: {  	_ =	shalt  }
0x83: {  	_ =	shalt  }
0x84: {  	_ =	shalt  }
0x85: {  	_ =	shalt  }
0x86: {  	_ =	shalt  }
0x87: {  	_ =	shalt  }
.Lfunc_end0:
.L_simem_size_0:
called_computation.2_lowered:
.L_overlay_start_0:
0x88: {  	s2 =	sld [smem:$0x3FD9]  }
0x89: {  	s3 =	sld [smem:$0x3FFE];
	_ =	sdelay $0x1  }
0x8a: {  	s1 =	srdreg.scid  }
0x8b: {  	s0 =	sand.u32 $0x1, s1  }
0x8c: {  	s16 =	sshll.u32 s0, $0xA;
	s2 =	sadd.s32 s3, s2  }
0x8d: {  	s2 =	sadd.s32 s2, s16  }
0x8e: {  	[smem:$0x3FBD] =	sst s2  }
0x8f: {  	_ = 	snop  }
0x90: {  	(tm) =	ssettm $0x1  }
0x91: {  	s17 =	sld [smem:$0x3FFB];
	_ =	sdelay $0x3  }
0x92: {  	_ =	strace s17  }
0x93: {  	s2 =	sld [smem:$0x3FFC];
	_ =	sdelay $0x3  }
0x94: {  	_ =	strace s2  }
0x95: {  	s2 =	sld [smem:$0x3FFD];
	_ =	sdelay $0x3  }
0x96: {  	_ =	strace s2  }
0x97: {  	_ =	strace $0x8FFFFFFF  }
0x98: {  	s18 =	sld [smem:$0x3FDB];
	_ =	sdelay $0x1  }
0x99: {  	s19 =	simm.s32 $_scs_section_size  }
0x9a: {  	s4 =	simm.s32 $_size__tile_overlayer_lowered;
	s5 =	simm.s32 $_tile_overlayer_lowered  }
0x9b: {  	s22 =	simm.s32 $0x1BFF;
	s21 =	sshll.u32 s5, $0x1;
	s2 =	sadd.s32 s19, s18  }
0x9c: {  	s6 =	simm.s32 $0x0;
	s20 =	sshll.u32 s4, $0x1;
	s4 =	sadd.s32 s21, s2  }
0x9d: {  	[timem:s6], [sflag:s22] =	dma.local [hbm:s4], s20  }
0x9e: {  	_ =	swait.ge [sflag:s22], s20  }
0x9f: {  	s3 =	ssub.s32 $0x0, s20;
	[sflag:s22] =	ssyncset.done $0x0  }
0xa0: {  	[sflag:s22] =	ssyncadd.s32 s3;
	_ =	sdelay $0x1  }
0xa1: {  	s23 =	simm.s32 $0x1B8B  }
0xa2: {  	_ =	swait.ge [sflag:s23], $0x1  }
0xa3: {  	[sflag:s23] =	ssyncset.done $0x0  }
0xa4: {  	s25 =	simm.s32 $0x1B8E;
	s24 =	sld [smem:$0x3FFE];
	[sflag:s23] =	ssyncadd.s32 $0xFFFFFFFF  }
0xa5: {  	s26 =	simm.s32 $execute0_lowered;
	[smem:$0x3FD2] =	sst s25  }
0xa6: {  	s4 =	sshll.u32 s26, $0x1;
	_ =	strace $0x8000004C;
	[dreg:$0x1] =	wrdreg $0xFFFFFFFF  }
0xa7: {  	s28 =	simm.s32 $_size_execute0_lowered;
	s2 =	sadd.s32 s2, s4;
	[dreg:$0x0] =	wrdreg $0x0  }
0xa8: {  	s4 =	sshll.u32 s28, $0x1;
	[dreg:$0x2] =	wrdreg s2  }
0xa9: {  	[dreg:$0x3] =	wrdreg s4  }
0xaa: {  	[dreg:$0x4] =	wrdreg $0xC0  }
0xab: {  	_ =	task [dreg:s6], $0x5FFFF  }
0xac: {  	[dreg:$0x1] =	wrdreg $0xFFFFFFFF  }
0xad: {  	[dreg:$0x0] =	wrdreg $0x60  }
0xae: {  	[dreg:$0x2] =	wrdreg s24  }
0xaf: {  	[dreg:$0x3] =	wrdreg $0x128000  }
0xb0: {  	[dreg:$0x4] =	wrdreg $0x9  }
0xb1: {  	_ =	task.clear_ibuf [dreg:s6], $0x5FFFF;
	_ =	strace $0x9000004C  }
0xb2: {  	s29 =	simm.s32 $0x9;
	_ =	strace $0x8000004E  }
0xb3: {  	_ =	swait.ge [sflag:s29], $0x1  }
0xb4: {  	[sflag:s29] =	ssyncadd.s32 $0xFFFFFFFF  }
0xb5: {  	_ =	strace $0x9000004E  }
0xb6: {  	_ =	sfence  }
0xb7: {  	s30 =	sld [smem:$0x0];
	_ =	sdelay $0x2  }
0xb8: {  	s31 =	sshll.u32 s1, $0xD;
	s1 =	sshrl.u32 s1, $0x2  }
0xb9: {  	s3 =	sand.u32 $0x4000, s31;
	s1 =	sadd.s32 s1, s30  }
0xba: {  	s0 =	sor.u32 s3, s0;
	s1 =	sshll.u32 s1, $0x11  }
0xbb: {  	s0 =	sor.u32 s1, s0  }
0xbc: {  	s0 =	sadd.s32 $0x8F2B, s0  }
0xbd: {  	[sflag:s0] =	ssyncadd.remote.s32 $0x1  }
0xbe: {  	_ =	sfence.sel $0xFFFF  }
0xbf: {  	[dreg:$0x0] =	wrdreg $0xFFFFFFFF;
	(pc) =	sbr.abs _section_cstart, $3  }
0xc0: {  	[dreg:$0x1] =	wrdreg $0xFFFFFFFF  }
0xc1: {  	_ =	task.clear_ibuf [dreg:s6], $0x2FFFF;
	_ =	strace $0x9FFFFFFF  }
0xc2: {  	(tm) =	ssettm $0x7FFFFFFF  }
0xc3: {  	_ =	shalt  }
tec
execute0_lowered:
.L_overlay_start_1:
0x0: {  	(tag) =	ssettag $0x1  }
0x1: {  	s1 =	srdreg.scid  }
0x2: {  	s0 =	stileid.u32;
	s8 =	rddreg [dreg:$0x0]  }
0x3: {  	s1 =	sand.u32 $0x1, s1;
	s3 =	sshll.u32 s0, $0x1;
	s5 =	smul.u32 $0xA000, s0  }
0x4: {  	s2 =	rddreg [dreg:$0x1];
	s23 =	sshll.u32 s0, $0x6;
	s4 =	sor.u32 s1, s3  }
0x5: {  	s3 =	simm.s32 $0x0;
	s4 =	smul.u32 $0x280, s4;
	s6 =	sshrl.u32 s5, $0x3  }
0x6: {  	s7 =	smul.u32 $0xA0000, s1;
	[smem:$0x7FF] =	sst s3;
	s6 =	sadd.s32 s6, s8  }
0x7: {  	_ =	strace $0x8000004D;
	s4 =	sadd.s32 s4, s8;
	s6 =	sadd.s32 $0x1F800, s6  }
0x8: {  	s7 =	sadd.s32 s5, s7;
	[dreg:$0x3] =	wrdreg s6;
	s22 =	sadd.s32 $0x6800, s4  }
0x9: {  	s5 =	sadd.s32 s5, s2;
	s7 =	sshrl.u32 s7, $0x3;
	[dreg:$0x4] =	wrdreg s22  }
0xa: {  	s7 =	sadd.s32 s7, s8;
	s9 =	sadd.s32 $0x1800, s4;
	s10 =	rddreg [dreg:$0x3]  }
0xb: {  	s4 =	sor.u32 $0x1C03, s23;
	[dreg:$0x5] =	wrdreg s9;
	s24 =	sadd.s32 $0x33800, s7  }
0xc: {  	s6 =	sshrl.u32 s5, $0x3;
	s5 =	simm.s32 $0x3;
	[dreg:$0x6] =	wrdreg s24  }
0xd: {  	[spmem:s6], [sflag:s4] =	dma.local [hbm:s10], $0x1400  }
0xe: {  	_ =	swait.ge [sflag:s5], $0x1400  }
0xf: {  	[sflag:s5] =	ssyncset.done $0x0  }
0x10: {  	s25 =	rddreg [dreg:$0x4];
	[sflag:s5] =	ssyncadd.s32 $0xFFFFEC00  }
0x11: {  	[tilespmem:s3], [sflag:$0x3] =	stream.linear.gather [hbm4b:s25+s3], $0x1400, $0x38;
	[tilespmem:$0x1C800] =	vst v63  }
0x12: {  	_ =	swait.ge [sflag:s5], $0x1400  }
0x13: {  	[sflag:s5] =	ssyncset.done $0x0  }
0x14: {  	s7 =	simm.s32 $0x1400;
	s26 =	rddreg [dreg:$0x5];
	[sflag:s5] =	ssyncadd.s32 $0xFFFFEC00  }
0x15: {  	[tilespmem:s7], [sflag:$0x3] =	stream.linear.gather [hbm4b:s26+s3], $0x1400, $0x38;
	[tilespmem:$0x1C800] =	vst v63  }
0x16: {  	_ =	swait.ge [sflag:s5], $0x1400  }
0x17: {  	[sflag:s5] =	ssyncset.done $0x0  }
0x18: {  	s8 =	sadd.s32 $0xB800, s8;
	[sflag:s5] =	ssyncadd.s32 $0xFFFFEC00  }
0x19: {  	s9 =	simm.s32 $0x200;
	s10 =	simm.s32 $0x2800;
	[bflag:$0x0] =	sbarrier.arrive $0xFFFF  }
0x1a: {  	[tilespmem:s10], [sflag:$0x1] =	stream.indirect.gather [hbm4b:s8+s9], $0x40, s3, s9, $0xb8;
	[tilespmem:$0x1C800] =	vst v63  }
0x1b: {  	s11 =	simm.s32 $0xA800;
	s12 =	simm.s32 $0x1  }
0x1c: {  	[tilespmem:s11], [sflag:$0x2] =	stream.indirect.gather [hbm4b:s8+s9], $0x40, s9, s9, $0xb8;
	[tilespmem:$0x1C800] =	vst v63  }
0x1d: {  	_ =	swait.ge [sflag:s12], $0x8000  }
0x1e: {  	[sflag:s12] =	ssyncset.done $0x0  }
0x1f: {  	[sflag:s12] =	ssyncadd.s32 $0xFFFF8000  }
0x20: {  	[spmem:s2] =	stream.indirect.scatter.add.f32 [tilespmem:s10], [sflag:$0x3], $0x40, s7, s9, $0xb8;
	[tilespmem:$0x1C800] =	vst v63  }
0x21: {  	_ =	swait.ge [sflag:s5], $0x8000  }
0x22: {  	[sflag:s5] =	ssyncset.done $0x0  }
0x23: {  	s13 =	simm.s32 $0x400;
	s14 =	simm.s32 $0x2;
	[sflag:s5] =	ssyncadd.s32 $0xFFFF8000  }
0x24: {  	[tilespmem:s10], [sflag:$0x1] =	stream.indirect.gather [hbm4b:s8+s9], $0x40, s13, s9, $0xb8;
	[tilespmem:$0x1C800] =	vst v63  }
0x25: {  	_ =	swait.ge [sflag:s14], $0x8000  }
0x26: {  	[sflag:s14] =	ssyncset.done $0x0  }
0x27: {  	s15 =	simm.s32 $0x1600;
	[sflag:s14] =	ssyncadd.s32 $0xFFFF8000  }
0x28: {  	[spmem:s2] =	stream.indirect.scatter.add.f32 [tilespmem:s11], [sflag:$0x3], $0x40, s15, s9, $0xb8;
	[tilespmem:$0x1C800] =	vst v63  }
0x29: {  	_ =	swait.ge [sflag:s5], $0x8000  }
0x2a: {  	[sflag:s5] =	ssyncset.done $0x0  }
0x2b: {  	s16 =	simm.s32 $0x600;
	[sflag:s5] =	ssyncadd.s32 $0xFFFF8000  }
0x2c: {  	[tilespmem:s11], [sflag:$0x2] =	stream.indirect.gather [hbm4b:s8+s9], $0x40, s16, s9, $0xb8;
	[tilespmem:$0x1C800] =	vst v63  }
0x2d: {  	_ =	swait.ge [sflag:s12], $0x8000  }
0x2e: {  	[sflag:s12] =	ssyncset.done $0x0  }
0x2f: {  	s17 =	simm.s32 $0x1800;
	[sflag:s12] =	ssyncadd.s32 $0xFFFF8000  }
0x30: {  	[spmem:s2] =	stream.indirect.scatter.add.f32 [tilespmem:s10], [sflag:$0x3], $0x40, s17, s9, $0xb8;
	[tilespmem:$0x1C800] =	vst v63  }
0x31: {  	_ =	swait.ge [sflag:s5], $0x8000  }
0x32: {  	[sflag:s5] =	ssyncset.done $0x0  }
0x33: {  	s18 =	simm.s32 $0x800;
	[sflag:s5] =	ssyncadd.s32 $0xFFFF8000  }
0x34: {  	[tilespmem:s10], [sflag:$0x1] =	stream.indirect.gather [hbm4b:s8+s9], $0x40, s18, s9, $0xb8;
	[tilespmem:$0x1C800] =	vst v63  }
0x35: {  	_ =	swait.ge [sflag:s14], $0x8000  }
0x36: {  	[sflag:s14] =	ssyncset.done $0x0  }
0x37: {  	s19 =	simm.s32 $0x1A00;
	[sflag:s14] =	ssyncadd.s32 $0xFFFF8000  }
0x38: {  	[spmem:s2] =	stream.indirect.scatter.add.f32 [tilespmem:s11], [sflag:$0x3], $0x40, s19, s9, $0xb8;
	[tilespmem:$0x1C800] =	vst v63  }
0x39: {  	_ =	swait.ge [sflag:s5], $0x8000  }
0x3a: {  	[sflag:s5] =	ssyncset.done $0x0  }
0x3b: {  	s20 =	simm.s32 $0xA00;
	[sflag:s5] =	ssyncadd.s32 $0xFFFF8000  }
0x3c: {  	[tilespmem:s11], [sflag:$0x2] =	stream.indirect.gather [hbm4b:s8+s9], $0x40, s20, s9, $0xb8;
	[tilespmem:$0x1C800] =	vst v63  }
0x3d: {  	_ =	swait.ge [sflag:s12], $0x8000  }
0x3e: {  	[sflag:s12] =	ssyncset.done $0x0  }
0x3f: {  	s21 =	simm.s32 $0x1C00;
	[sflag:s12] =	ssyncadd.s32 $0xFFFF8000  }
0x40: {  	[spmem:s2] =	stream.indirect.scatter.add.f32 [tilespmem:s10], [sflag:$0x3], $0x40, s21, s9, $0xb8;
	[tilespmem:$0x1C800] =	vst v63  }
0x41: {  	_ =	swait.ge [sflag:s5], $0x8000  }
0x42: {  	[sflag:s5] =	ssyncset.done $0x0  }
0x43: {  	s22 =	simm.s32 $0xC00;
	[sflag:s5] =	ssyncadd.s32 $0xFFFF8000  }
0x44: {  	[tilespmem:s10], [sflag:$0x1] =	stream.indirect.gather [hbm4b:s8+s9], $0x40, s22, s9, $0xb8;
	[tilespmem:$0x1C800] =	vst v63  }
0x45: {  	_ =	swait.ge [sflag:s14], $0x8000  }
0x46: {  	[sflag:s14] =	ssyncset.done $0x0  }
0x47: {  	s23 =	simm.s32 $0x1E00;
	[sflag:s14] =	ssyncadd.s32 $0xFFFF8000  }
0x48: {  	[spmem:s2] =	stream.indirect.scatter.add.f32 [tilespmem:s11], [sflag:$0x3], $0x40, s23, s9, $0xb8;
	[tilespmem:$0x1C800] =	vst v63  }
0x49: {  	_ =	swait.ge [sflag:s5], $0x8000  }
0x4a: {  	[sflag:s5] =	ssyncset.done $0x0  }
0x4b: {  	s24 =	simm.s32 $0xE00;
	[sflag:s5] =	ssyncadd.s32 $0xFFFF8000  }
0x4c: {  	[tilespmem:s11], [sflag:$0x2] =	stream.indirect.gather [hbm4b:s8+s9], $0x40, s24, s9, $0xb8;
	[tilespmem:$0x1C800] =	vst v63  }
0x4d: {  	_ =	swait.ge [sflag:s12], $0x8000  }
0x4e: {  	[sflag:s12] =	ssyncset.done $0x0  }
0x4f: {  	s25 =	simm.s32 $0x2000;
	[sflag:s12] =	ssyncadd.s32 $0xFFFF8000  }
0x50: {  	[spmem:s2] =	stream.indirect.scatter.add.f32 [tilespmem:s10], [sflag:$0x3], $0x40, s25, s9, $0xb8;
	[tilespmem:$0x1C800] =	vst v63  }
0x51: {  	_ =	swait.ge [sflag:s5], $0x8000  }
0x52: {  	[sflag:s5] =	ssyncset.done $0x0  }
0x53: {  	s26 =	simm.s32 $0x1000;
	[sflag:s5] =	ssyncadd.s32 $0xFFFF8000  }
0x54: {  	[tilespmem:s10], [sflag:$0x1] =	stream.indirect.gather [hbm4b:s8+s9], $0x40, s26, s9, $0xb8;
	[tilespmem:$0x1C800] =	vst v63  }
0x55: {  	_ =	swait.ge [sflag:s14], $0x8000  }
0x56: {  	[sflag:s14] =	ssyncset.done $0x0  }
0x57: {  	s28 =	simm.s32 $0x2200;
	[sflag:s14] =	ssyncadd.s32 $0xFFFF8000  }
0x58: {  	[spmem:s2] =	stream.indirect.scatter.add.f32 [tilespmem:s11], [sflag:$0x3], $0x40, s28, s9, $0xb8;
	[tilespmem:$0x1C800] =	vst v63  }
0x59: {  	_ =	swait.ge [sflag:s5], $0x8000  }
0x5a: {  	[sflag:s5] =	ssyncset.done $0x0  }
0x5b: {  	s29 =	simm.s32 $0x1200;
	[sflag:s5] =	ssyncadd.s32 $0xFFFF8000  }
0x5c: {  	[tilespmem:s11], [sflag:$0x2] =	stream.indirect.gather [hbm4b:s8+s9], $0x40, s29, s9, $0xb8;
	[tilespmem:$0x1C800] =	vst v63  }
0x5d: {  	_ =	swait.ge [sflag:s12], $0x8000  }
0x5e: {  	[sflag:s12] =	ssyncset.done $0x0  }
0x5f: {  	s30 =	simm.s32 $0x2400;
	[sflag:s12] =	ssyncadd.s32 $0xFFFF8000  }
0x60: {  	[spmem:s2] =	stream.indirect.scatter.add.f32 [tilespmem:s10], [sflag:$0x3], $0x40, s30, s9, $0xb8;
	[tilespmem:$0x1C800] =	vst v63  }
0x61: {  	_ =	swait.ge [sflag:s5], $0x8000  }
0x62: {  	[sflag:s5] =	ssyncset.done $0x0  }
0x63: {  	[sflag:s5] =	ssyncadd.s32 $0xFFFF8000  }
0x64: {  	[tilespmem:s10], [sflag:$0x1] =	stream.indirect.gather [hbm4b:s8+s9], $0x40, s29, s9, $0xb8;
	[tilespmem:$0x1C800] =	vst v63  }
0x65: {  	_ =	swait.ge [sflag:s14], $0x8000  }
0x66: {  	[sflag:s14] =	ssyncset.done $0x0  }
0x67: {  	s31 =	simm.s32 $0x2600;
	[sflag:s14] =	ssyncadd.s32 $0xFFFF8000  }
0x68: {  	[spmem:s2] =	stream.indirect.scatter.add.f32 [tilespmem:s11], [sflag:$0x3], $0x40, s31, s9, $0xb8;
	[tilespmem:$0x1C800] =	vst v63  }
0x69: {  	_ =	swait.ge [sflag:s5], $0x8000  }
0x6a: {  	[sflag:s5] =	ssyncset.done $0x0  }
0x6b: {  	[sflag:s5] =	ssyncadd.s32 $0xFFFF8000  }
0x6c: {  	_ =	swait.ge [sflag:s12], $0x8000  }
0x6d: {  	[sflag:s12] =	ssyncset.done $0x0  }
0x6e: {  	[sflag:s12] =	ssyncadd.s32 $0xFFFF8000  }
0x6f: {  	[bflag:$0x0] =	sbarrier.arrive $0xFFFF  }
0x70: {  	s1 =	ssub.s32 $0x2, s1;
	s0 =	rddreg [dreg:$0x6]  }
0x71: {  	[dreg:$0x7] =	wrdreg s0;
	s0 =	sshrl.u32 s1, $0x1  }
0x72: {  	s0 =	ssub.s32 s1, s0  }
0x73: {  	s0 =	smax.u32 s0, $0x1  }
0x74: {  	p0 =	sne.s32 s0, $0x1  }
.Ltmp0:
0x75: {  	_ = 	snop;
	(pc) =	sbr.rel @!p0 .LBB2_2-.Ltmp0, $4  }
0x76: {  	_ = 	snop  }
0x77: {  	s1 =	rddreg [dreg:$0x7]  }
0x78: {  	[hbm:s1], [sflag:s4] =	dma.local [spmem:s6], $0x1400  }
0x79: {  	s1 =	sadd.s32 $0xFFFFFFFF, s0;
	_ =	swait.ge [sflag:s5], $0x1400  }
.LBB2_1:
0x7a: {  	[sflag:s5] =	ssyncset.done $0x0  }
0x7b: {  	s0 =	rddreg [dreg:$0x3];
	[sflag:s5] =	ssyncadd.s32 $0xFFFFEC00  }
0x7c: {  	[spmem:s6], [sflag:s4] =	dma.local [hbm:s0], $0x1400  }
0x7d: {  	_ =	swait.ge [sflag:s5], $0x1400  }
0x7e: {  	[sflag:s5] =	ssyncset.done $0x0  }
0x7f: {  	s0 =	rddreg [dreg:$0x4];
	[sflag:s5] =	ssyncadd.s32 $0xFFFFEC00  }
0x80: {  	[tilespmem:s3], [sflag:$0x3] =	stream.linear.gather [hbm4b:s0+s3], $0x1400, $0x38;
	[tilespmem:$0x1C800] =	vst v63  }
0x81: {  	_ =	swait.ge [sflag:s5], $0x1400  }
0x82: {  	[sflag:s5] =	ssyncset.done $0x0  }
0x83: {  	s0 =	rddreg [dreg:$0x5];
	[sflag:s5] =	ssyncadd.s32 $0xFFFFEC00  }
0x84: {  	[tilespmem:s7], [sflag:$0x3] =	stream.linear.gather [hbm4b:s0+s3], $0x1400, $0x38;
	[tilespmem:$0x1C800] =	vst v63  }
0x85: {  	_ =	swait.ge [sflag:s5], $0x1400  }
0x86: {  	[sflag:s5] =	ssyncset.done $0x0  }
0x87: {  	[sflag:s5] =	ssyncadd.s32 $0xFFFFEC00  }
0x88: {  	[bflag:$0x0] =	sbarrier.arrive $0xFFFF  }
0x89: {  	[tilespmem:s10], [sflag:$0x1] =	stream.indirect.gather [hbm4b:s8+s9], $0x40, s3, s9, $0xb8;
	[tilespmem:$0x1C800] =	vst v63  }
0x8a: {  	_ = 	snop  }
0x8b: {  	[tilespmem:s11], [sflag:$0x2] =	stream.indirect.gather [hbm4b:s8+s9], $0x40, s9, s9, $0xb8;
	[tilespmem:$0x1C800] =	vst v63  }
0x8c: {  	_ =	swait.ge [sflag:s12], $0x8000  }
0x8d: {  	[sflag:s12] =	ssyncset.done $0x0  }
0x8e: {  	[sflag:s12] =	ssyncadd.s32 $0xFFFF8000  }
0x8f: {  	[spmem:s2] =	stream.indirect.scatter.add.f32 [tilespmem:s10], [sflag:$0x3], $0x40, s7, s9, $0xb8;
	[tilespmem:$0x1C800] =	vst v63  }
0x90: {  	_ =	swait.ge [sflag:s5], $0x8000  }
0x91: {  	[sflag:s5] =	ssyncset.done $0x0  }
0x92: {  	[sflag:s5] =	ssyncadd.s32 $0xFFFF8000  }
0x93: {  	[tilespmem:s10], [sflag:$0x1] =	stream.indirect.gather [hbm4b:s8+s9], $0x40, s13, s9, $0xb8;
	[tilespmem:$0x1C800] =	vst v63  }
0x94: {  	_ =	swait.ge [sflag:s14], $0x8000  }
0x95: {  	[sflag:s14] =	ssyncset.done $0x0  }
0x96: {  	[sflag:s14] =	ssyncadd.s32 $0xFFFF8000  }
0x97: {  	[spmem:s2] =	stream.indirect.scatter.add.f32 [tilespmem:s11], [sflag:$0x3], $0x40, s15, s9, $0xb8;
	[tilespmem:$0x1C800] =	vst v63  }
0x98: {  	_ =	swait.ge [sflag:s5], $0x8000  }
0x99: {  	[sflag:s5] =	ssyncset.done $0x0  }
0x9a: {  	[sflag:s5] =	ssyncadd.s32 $0xFFFF8000  }
0x9b: {  	[tilespmem:s11], [sflag:$0x2] =	stream.indirect.gather [hbm4b:s8+s9], $0x40, s16, s9, $0xb8;
	[tilespmem:$0x1C800] =	vst v63  }
0x9c: {  	_ =	swait.ge [sflag:s12], $0x8000  }
0x9d: {  	[sflag:s12] =	ssyncset.done $0x0  }
0x9e: {  	[sflag:s12] =	ssyncadd.s32 $0xFFFF8000  }
0x9f: {  	[spmem:s2] =	stream.indirect.scatter.add.f32 [tilespmem:s10], [sflag:$0x3], $0x40, s17, s9, $0xb8;
	[tilespmem:$0x1C800] =	vst v63  }
0xa0: {  	_ =	swait.ge [sflag:s5], $0x8000  }
0xa1: {  	[sflag:s5] =	ssyncset.done $0x0  }
0xa2: {  	[sflag:s5] =	ssyncadd.s32 $0xFFFF8000  }
0xa3: {  	[tilespmem:s10], [sflag:$0x1] =	stream.indirect.gather [hbm4b:s8+s9], $0x40, s18, s9, $0xb8;
	[tilespmem:$0x1C800] =	vst v63  }
0xa4: {  	_ =	swait.ge [sflag:s14], $0x8000  }
0xa5: {  	[sflag:s14] =	ssyncset.done $0x0  }
0xa6: {  	[sflag:s14] =	ssyncadd.s32 $0xFFFF8000  }
0xa7: {  	[spmem:s2] =	stream.indirect.scatter.add.f32 [tilespmem:s11], [sflag:$0x3], $0x40, s19, s9, $0xb8;
	[tilespmem:$0x1C800] =	vst v63  }
0xa8: {  	_ =	swait.ge [sflag:s5], $0x8000  }
0xa9: {  	[sflag:s5] =	ssyncset.done $0x0  }
0xaa: {  	[sflag:s5] =	ssyncadd.s32 $0xFFFF8000  }
0xab: {  	[tilespmem:s11], [sflag:$0x2] =	stream.indirect.gather [hbm4b:s8+s9], $0x40, s20, s9, $0xb8;
	[tilespmem:$0x1C800] =	vst v63  }
0xac: {  	_ =	swait.ge [sflag:s12], $0x8000  }
0xad: {  	[sflag:s12] =	ssyncset.done $0x0  }
0xae: {  	[sflag:s12] =	ssyncadd.s32 $0xFFFF8000  }
0xaf: {  	[spmem:s2] =	stream.indirect.scatter.add.f32 [tilespmem:s10], [sflag:$0x3], $0x40, s21, s9, $0xb8;
	[tilespmem:$0x1C800] =	vst v63  }
0xb0: {  	_ =	swait.ge [sflag:s5], $0x8000  }
0xb1: {  	[sflag:s5] =	ssyncset.done $0x0  }
0xb2: {  	[sflag:s5] =	ssyncadd.s32 $0xFFFF8000  }
0xb3: {  	[tilespmem:s10], [sflag:$0x1] =	stream.indirect.gather [hbm4b:s8+s9], $0x40, s22, s9, $0xb8;
	[tilespmem:$0x1C800] =	vst v63  }
0xb4: {  	_ =	swait.ge [sflag:s14], $0x8000  }
0xb5: {  	[sflag:s14] =	ssyncset.done $0x0  }
0xb6: {  	[sflag:s14] =	ssyncadd.s32 $0xFFFF8000  }
0xb7: {  	[spmem:s2] =	stream.indirect.scatter.add.f32 [tilespmem:s11], [sflag:$0x3], $0x40, s23, s9, $0xb8;
	[tilespmem:$0x1C800] =	vst v63  }
0xb8: {  	_ =	swait.ge [sflag:s5], $0x8000  }
0xb9: {  	[sflag:s5] =	ssyncset.done $0x0  }
0xba: {  	[sflag:s5] =	ssyncadd.s32 $0xFFFF8000  }
0xbb: {  	[tilespmem:s11], [sflag:$0x2] =	stream.indirect.gather [hbm4b:s8+s9], $0x40, s24, s9, $0xb8;
	[tilespmem:$0x1C800] =	vst v63  }
0xbc: {  	_ =	swait.ge [sflag:s12], $0x8000  }
0xbd: {  	[sflag:s12] =	ssyncset.done $0x0  }
0xbe: {  	[sflag:s12] =	ssyncadd.s32 $0xFFFF8000  }
0xbf: {  	[spmem:s2] =	stream.indirect.scatter.add.f32 [tilespmem:s10], [sflag:$0x3], $0x40, s25, s9, $0xb8;
	[tilespmem:$0x1C800] =	vst v63  }
0xc0: {  	_ =	swait.ge [sflag:s5], $0x8000  }
0xc1: {  	[sflag:s5] =	ssyncset.done $0x0  }
0xc2: {  	[sflag:s5] =	ssyncadd.s32 $0xFFFF8000  }
0xc3: {  	[tilespmem:s10], [sflag:$0x1] =	stream.indirect.gather [hbm4b:s8+s9], $0x40, s26, s9, $0xb8;
	[tilespmem:$0x1C800] =	vst v63  }
0xc4: {  	_ =	swait.ge [sflag:s14], $0x8000  }
0xc5: {  	[sflag:s14] =	ssyncset.done $0x0  }
0xc6: {  	[sflag:s14] =	ssyncadd.s32 $0xFFFF8000  }
0xc7: {  	[spmem:s2] =	stream.indirect.scatter.add.f32 [tilespmem:s11], [sflag:$0x3], $0x40, s28, s9, $0xb8;
	[tilespmem:$0x1C800] =	vst v63  }
0xc8: {  	_ =	swait.ge [sflag:s5], $0x8000  }
0xc9: {  	[sflag:s5] =	ssyncset.done $0x0  }
0xca: {  	[sflag:s5] =	ssyncadd.s32 $0xFFFF8000  }
0xcb: {  	[tilespmem:s11], [sflag:$0x2] =	stream.indirect.gather [hbm4b:s8+s9], $0x40, s29, s9, $0xb8;
	[tilespmem:$0x1C800] =	vst v63  }
0xcc: {  	_ =	swait.ge [sflag:s12], $0x8000  }
0xcd: {  	[sflag:s12] =	ssyncset.done $0x0  }
0xce: {  	[sflag:s12] =	ssyncadd.s32 $0xFFFF8000  }
0xcf: {  	[spmem:s2] =	stream.indirect.scatter.add.f32 [tilespmem:s10], [sflag:$0x3], $0x40, s30, s9, $0xb8;
	[tilespmem:$0x1C800] =	vst v63  }
0xd0: {  	_ =	swait.ge [sflag:s5], $0x8000  }
0xd1: {  	[sflag:s5] =	ssyncset.done $0x0  }
0xd2: {  	[sflag:s5] =	ssyncadd.s32 $0xFFFF8000  }
0xd3: {  	[tilespmem:s10], [sflag:$0x1] =	stream.indirect.gather [hbm4b:s8+s9], $0x40, s29, s9, $0xb8;
	[tilespmem:$0x1C800] =	vst v63  }
0xd4: {  	_ =	swait.ge [sflag:s14], $0x8000  }
0xd5: {  	[sflag:s14] =	ssyncset.done $0x0  }
0xd6: {  	[sflag:s14] =	ssyncadd.s32 $0xFFFF8000  }
0xd7: {  	[spmem:s2] =	stream.indirect.scatter.add.f32 [tilespmem:s11], [sflag:$0x3], $0x40, s31, s9, $0xb8;
	[tilespmem:$0x1C800] =	vst v63  }
0xd8: {  	_ =	swait.ge [sflag:s5], $0x8000  }
0xd9: {  	[sflag:s5] =	ssyncset.done $0x0  }
0xda: {  	[sflag:s5] =	ssyncadd.s32 $0xFFFF8000  }
0xdb: {  	_ =	swait.ge [sflag:s12], $0x8000  }
0xdc: {  	p0 =	sne.s32 s1, $0x1;
	[sflag:s12] =	ssyncset.done $0x0  }
.Ltmp1:
0xdd: {  	[sflag:s12] =	ssyncadd.s32 $0xFFFF8000;
	(pc) =	sbr.rel @p0 .LBB2_1-.Ltmp1, $4  }
0xde: {  	[bflag:$0x0] =	sbarrier.arrive $0xFFFF  }
0xdf: {  	s0 =	rddreg [dreg:$0x6]  }
0xe0: {  	[hbm:s0], [sflag:s4] =	dma.local [spmem:s6], $0x1400  }
0xe1: {  	s1 =	sadd.s32 $0xFFFFFFFF, s1;
	_ =	swait.ge [sflag:s5], $0x1400  }
.LBB2_2:
0xe2: {  	[sflag:s5] =	ssyncset.done $0x0  }
0xe3: {  	[sflag:s5] =	ssyncadd.s32 $0xFFFFEC00  }
0xe4: {  	_ =	sfence.sel $0x180000  }
0xe5: {  	[bflag:$0x0] =	sbarrier.arrive $0xFFFF  }
0xe6: {  	_ =	strace $0x9000004D  }
0xe7: {  	s0 =	stileid.u32;
	[bflag:$0x2] =	sbarrier.arrive $0xFFFF  }
0xe8: {  	p0 =	sne.s32 s0, $0x0;
	s0 =	rddreg [dreg:$0x2]  }
0xe9: {  	s0 =	sadd.s32 @!p0 $0x100000, s0  }
0xea: {  	[sflag:s0] =	ssyncadd.tile.s32 @!p0 $0x1;
	_ =	shalt  }
.Lfunc_end2:
_tile_overlayer_lowered:
.L_overlay_start_2:
0xeb: {  	(tag) =	ssettag $0x2  }
0xec: {  	s0 =	rddreg [dreg:$0x0];
	s2 =	stileid.u32  }
0xed: {  	s1 =	rddreg [dreg:$0x1];
	p0 =	sne.s32 s2, $0x0  }
0xee: {  	s3 =	rddreg [dreg:$0x2];
	[bflag:$0x3] =	sbarrier.arrive $0xFFFF;
	s2 =	simm.s32 @!p0 $0x1C03  }
0xef: {  	[timem:s3], [sflag:s2] =	dma.local @!p0 [hbm:s0], s1  }
0xf0: {  	s0 =	simm.s32 @!p0 $0x3  }
0xf1: {  	_ =	swait.ge @!p0 [sflag:s0], s1  }
0xf2: {  	s1 =	ssub.s32 @!p0 $0x0, s1;
	[sflag:s0] =	ssyncset.done @!p0 $0x0  }
0xf3: {  	[sflag:s0] =	ssyncadd.s32 @!p0 s1  }
0xf4: {  	[bflag:$0x3] =	sbarrier.arrive $0xFFFF  }
0xf5: {  	_ =	shalt  }

// kernel: sc_deg.3.cloned.1.call-start
scs
__scs_entry_jumppad:
0x0: {  	(pc) =	sbr.rel $0x88, $3  }
0x1: {  	(tag) =	ssettag $0x0;
	lr =	simm.s32 $0x1  }
0x2: {  	[smem:$0x3F96] =	sst lr;
	_ =	strace $0xD0000000  }
0x3: {  	_ = 	snop  }
0x4: {  	_ = 	snop  }
0x5: {  	_ = 	snop  }
0x6: {  	_ = 	snop  }
0x7: {  	_ = 	snop  }
__scs_overlays_trampoline_lowered:
0x8: {  	[smem:$0x3FA5] =	sst s0  }
0x9: {  	[smem:$0x3FA6] =	sst s1  }
0xa: {  	[smem:$0x3FA7] =	sst s2  }
0xb: {  	[smem:$0x3FA8] =	sst s3  }
0xc: {  	[smem:$0x3FA9] =	sst s4  }
0xd: {  	[smem:$0x3FAA] =	sst s5  }
0xe: {  	[smem:$0x3FAB] =	sst s6  }
0xf: {  	[smem:$0x3FAC] =	sst s7  }
0x10: {  	[smem:$0x3FAD] =	sst s8  }
0x11: {  	[smem:$0x3FAE] =	sst s9;
	s0 =	simm.s32 @!p0 $0x0  }
0x12: {  	s1 =	sld [smem:$0x3F94];
	s0 =	simm.s32 @p0 $0x1  }
0x13: {  	[smem:$0x3FAF] =	sst s0;
	s0 =	simm.s32 @!p1 $0x0  }
0x14: {  	s2 =	sld [smem:$0x3F93];
	s0 =	simm.s32 @p1 $0x1  }
0x15: {  	[smem:$0x3FB0] =	sst s0;
	s0 =	simm.s32 @!p2 $0x0  }
0x16: {  	s3 =	sld [smem:$0x3FDB];
	s0 =	simm.s32 @p2 $0x1  }
0x17: {  	s4 =	simm.s32 $0x1BF5;
	[smem:$0x3FB2] =	sst s0  }
0x18: {  	s0 =	sld [smem:$0x3F95];
	_ =	swait.ge [sflag:s4], $0x0  }
0x19: {  	s7 =	sld [smem:$0x3F96]  }
0x1a: {  	s8 =	sadd.s32 $0xFFFFE003, lr  }
0x1b: {  	s9 =	sadd.s32 $0xFFFFFEF7, lr;
	s5 =	simm.s32 $0xFFFFFFFF;
	p2 =	slt.u32 s8, $0xFFFFF086  }
0x1c: {  	p1 =	slt.u32 s9, $0xF7A;
	s5 =	simm.s32 @!p2 $0x0  }
0x1d: {  	s5 =	simm.s32 @p1 $0x1;
	p0 =	seq.s32 s7, s2  }
0x1e: {  	s7 =	smul.u32 @!p0 $0xF7A, s2;
	p2 =	seq.s32 @!p0 s5, $0x0  }
0x1f: {  	s9 =	smul.u32 $0xF7A, s1;
	s8 =	simm.s32 @!p0 $0x1BF5;
	p2 =	por !p2, p0  }
0x20: {  	[sflag:s8] =	ssyncset.s32 @!p0 $0xFFFFF086;
	s6 =	sadd.s32 @!p0 s3, s7;
	s7 =	simm.s32 @!p0 $0x108  }
0x21: {  	s3 =	sadd.s32 s3, s9;
	s6 =	sadd.s32 @!p0 $0x88, s6;
	s7 =	simm.s32 @p2 $0x1082  }
0x22: {  	[simem:s7], [sflag:s8] =	dma.local @!p0 [hbm:s6], $0xF7A  }
0x23: {  	s9 =	sor.u32 $0xD0000000, s2;
	s6 =	simm.s32 $0x108;
	_ =	swait.ge @!p0 [sflag:s8], $0x0  }
0x24: {  	s3 =	sadd.s32 $0x88, s3;
	s6 =	simm.s32 @!p1 $0x1082;
	[sflag:s4] =	ssyncset.s32 $0xFFFFF086  }
0x25: {  	[simem:s6], [sflag:s4] =	dma.local [hbm:s3], $0xF7A  }
0x26: {  	[smem:$0x3F96] =	sst s1;
	(tag) =	ssettag s2;
	_ =	strace s9  }
0x27: {  	s1 =	sld [smem:$0x3FA6]  }
0x28: {  	s2 =	sld [smem:$0x3FA7]  }
0x29: {  	s4 =	sld [smem:$0x3FA9]  }
0x2a: {  	p0 =	seq.s32 s5, $0x0;
	s5 =	sld [smem:$0x3FAA]  }
0x2b: {  	s6 =	sld [smem:$0x3FAB]  }
0x2c: {  	s7 =	sld [smem:$0x3FAC]  }
0x2d: {  	s3 =	simm.s32 $0x108;
	s8 =	sld [smem:$0x3FAD]  }
0x2e: {  	s3 =	simm.s32 @!p0 $0x1082;
	s9 =	sld [smem:$0x3FAE]  }
0x2f: {  	lr =	sadd.s32 s0, s3;
	s0 =	sld [smem:$0x3FA5]  }
0x30: {  	s3 =	sld [smem:$0x3FA8]  }
0x31: {  	[smem:$0x3FB1] =	sst s10  }
0x32: {  	s10 =	sld [smem:$0x3FAF];
	_ =	sdelay $0x3  }
0x33: {  	p0 =	seq.s32 s10, $0x1;
	s10 =	sld [smem:$0x3FB1];
	_ =	sdelay $0x3  }
0x34: {  	[smem:$0x3FB1] =	sst s10  }
0x35: {  	s10 =	sld [smem:$0x3FB0];
	_ =	sdelay $0x3  }
0x36: {  	p1 =	seq.s32 s10, $0x1;
	s10 =	sld [smem:$0x3FB1];
	_ =	sdelay $0x3  }
0x37: {  	[smem:$0x3FB1] =	sst s10  }
0x38: {  	s10 =	sld [smem:$0x3FB2]  }
0x39: {  	_ = 	snop;
	(pc) =	sbr.ind lr, $3  }
0x3a: {  	_ = 	snop  }
0x3b: {  	_ = 	snop  }
0x3c: {  	p2 =	seq.s32 s10, $0x1;
	s10 =	sld [smem:$0x3FB1]  }
0x3d: {  	_ =	shalt  }
0x3e: {  	_ =	shalt  }
0x3f: {  	_ =	shalt  }
0x40: {  	_ =	shalt  }
0x41: {  	_ =	shalt  }
0x42: {  	_ =	shalt  }
0x43: {  	_ =	shalt  }
0x44: {  	_ =	shalt  }
0x45: {  	_ =	shalt  }
0x46: {  	_ =	shalt  }
0x47: {  	_ =	shalt  }
0x48: {  	_ =	shalt  }
0x49: {  	_ =	shalt  }
0x4a: {  	_ =	shalt  }
0x4b: {  	_ =	shalt  }
0x4c: {  	_ =	shalt  }
0x4d: {  	_ =	shalt  }
0x4e: {  	_ =	shalt  }
0x4f: {  	_ =	shalt  }
0x50: {  	_ =	shalt  }
0x51: {  	_ =	shalt  }
0x52: {  	_ =	shalt  }
0x53: {  	_ =	shalt  }
0x54: {  	_ =	shalt  }
0x55: {  	_ =	shalt  }
0x56: {  	_ =	shalt  }
0x57: {  	_ =	shalt  }
0x58: {  	_ =	shalt  }
0x59: {  	_ =	shalt  }
0x5a: {  	_ =	shalt  }
0x5b: {  	_ =	shalt  }
0x5c: {  	_ =	shalt  }
0x5d: {  	_ =	shalt  }
0x5e: {  	_ =	shalt  }
0x5f: {  	_ =	shalt  }
0x60: {  	_ =	shalt  }
0x61: {  	_ =	shalt  }
0x62: {  	_ =	shalt  }
0x63: {  	_ =	shalt  }
0x64: {  	_ =	shalt  }
0x65: {  	_ =	shalt  }
0x66: {  	_ =	shalt  }
0x67: {  	_ =	shalt  }
0x68: {  	_ =	shalt  }
0x69: {  	_ =	shalt  }
0x6a: {  	_ =	shalt  }
0x6b: {  	_ =	shalt  }
0x6c: {  	_ =	shalt  }
0x6d: {  	_ =	shalt  }
0x6e: {  	_ =	shalt  }
0x6f: {  	_ =	shalt  }
0x70: {  	_ =	shalt  }
0x71: {  	_ =	shalt  }
0x72: {  	_ =	shalt  }
0x73: {  	_ =	shalt  }
0x74: {  	_ =	shalt  }
0x75: {  	_ =	shalt  }
0x76: {  	_ =	shalt  }
0x77: {  	_ =	shalt  }
0x78: {  	_ =	shalt  }
0x79: {  	_ =	shalt  }
0x7a: {  	_ =	shalt  }
0x7b: {  	_ =	shalt  }
0x7c: {  	_ =	shalt  }
0x7d: {  	_ =	shalt  }
0x7e: {  	_ =	shalt  }
0x7f: {  	_ =	shalt  }
0x80: {  	_ =	shalt  }
0x81: {  	_ =	shalt  }
0x82: {  	_ =	shalt  }
0x83: {  	_ =	shalt  }
0x84: {  	_ =	shalt  }
0x85: {  	_ =	shalt  }
0x86: {  	_ =	shalt  }
0x87: {  	_ =	shalt  }
.Lfunc_end0:
.L_simem_size_0:
called_computation.1_lowered:
.L_overlay_start_0:
0x88: {  	s2 =	sld [smem:$0x3FD9]  }
0x89: {  	s3 =	sld [smem:$0x3FFE];
	_ =	sdelay $0x1  }
0x8a: {  	s1 =	srdreg.scid  }
0x8b: {  	s0 =	sand.u32 $0x1, s1  }
0x8c: {  	s16 =	sshll.u32 s0, $0xA;
	s2 =	sadd.s32 s3, s2  }
0x8d: {  	s2 =	sadd.s32 s2, s16  }
0x8e: {  	[smem:$0x3FBD] =	sst s2  }
0x8f: {  	_ = 	snop  }
0x90: {  	(tm) =	ssettm $0x1  }
0x91: {  	s17 =	sld [smem:$0x3FFB];
	_ =	sdelay $0x3  }
0x92: {  	_ =	strace s17  }
0x93: {  	s2 =	sld [smem:$0x3FFC];
	_ =	sdelay $0x3  }
0x94: {  	_ =	strace s2  }
0x95: {  	s2 =	sld [smem:$0x3FFD];
	_ =	sdelay $0x3  }
0x96: {  	_ =	strace s2  }
0x97: {  	_ =	strace $0x8FFFFFFF  }
0x98: {  	s18 =	sld [smem:$0x3FDB];
	_ =	sdelay $0x1  }
0x99: {  	s19 =	simm.s32 $_scs_section_size  }
0x9a: {  	s4 =	simm.s32 $_size__tile_overlayer_lowered;
	s5 =	simm.s32 $_tile_overlayer_lowered  }
0x9b: {  	s22 =	simm.s32 $0x1BFF;
	s21 =	sshll.u32 s5, $0x1;
	s2 =	sadd.s32 s19, s18  }
0x9c: {  	s6 =	simm.s32 $0x0;
	s20 =	sshll.u32 s4, $0x1;
	s4 =	sadd.s32 s21, s2  }
0x9d: {  	[timem:s6], [sflag:s22] =	dma.local [hbm:s4], s20  }
0x9e: {  	_ =	swait.ge [sflag:s22], s20  }
0x9f: {  	s3 =	ssub.s32 $0x0, s20;
	[sflag:s22] =	ssyncset.done $0x0  }
0xa0: {  	[sflag:s22] =	ssyncadd.s32 s3;
	_ =	sdelay $0x1  }
0xa1: {  	s23 =	simm.s32 $0x1B8B  }
0xa2: {  	_ =	swait.ge [sflag:s23], $0x1  }
0xa3: {  	[sflag:s23] =	ssyncset.done $0x0  }
0xa4: {  	s25 =	simm.s32 $0x1B8E;
	s24 =	sld [smem:$0x3FFE];
	[sflag:s23] =	ssyncadd.s32 $0xFFFFFFFF  }
0xa5: {  	s26 =	simm.s32 $execute0_lowered;
	[smem:$0x3FD2] =	sst s25  }
0xa6: {  	s4 =	sshll.u32 s26, $0x1;
	_ =	strace $0x80000046;
	[dreg:$0x1] =	wrdreg $0xFFFFFFFF  }
0xa7: {  	s28 =	simm.s32 $_size_execute0_lowered;
	s2 =	sadd.s32 s2, s4;
	[dreg:$0x0] =	wrdreg $0x0  }
0xa8: {  	s4 =	sshll.u32 s28, $0x1;
	[dreg:$0x2] =	wrdreg s2  }
0xa9: {  	[dreg:$0x3] =	wrdreg s4  }
0xaa: {  	[dreg:$0x4] =	wrdreg $0xC0  }
0xab: {  	_ =	task [dreg:s6], $0x5FFFF  }
0xac: {  	[dreg:$0x1] =	wrdreg $0xFFFFFFFF  }
0xad: {  	[dreg:$0x0] =	wrdreg $0x60  }
0xae: {  	[dreg:$0x2] =	wrdreg s24  }
0xaf: {  	[dreg:$0x3] =	wrdreg $0x34000  }
0xb0: {  	[dreg:$0x4] =	wrdreg $0xA  }
0xb1: {  	_ =	task.clear_ibuf [dreg:s6], $0x5FFFF;
	_ =	strace $0x90000046  }
0xb2: {  	s29 =	simm.s32 $0xA;
	_ =	strace $0x80000048  }
0xb3: {  	_ =	swait.ge [sflag:s29], $0x1  }
0xb4: {  	[sflag:s29] =	ssyncadd.s32 $0xFFFFFFFF  }
0xb5: {  	_ =	strace $0x90000048  }
0xb6: {  	_ =	sfence  }
0xb7: {  	s30 =	sld [smem:$0x0];
	_ =	sdelay $0x2  }
0xb8: {  	s31 =	sshll.u32 s1, $0xD;
	s1 =	sshrl.u32 s1, $0x2  }
0xb9: {  	s3 =	sand.u32 $0x4000, s31;
	s1 =	sadd.s32 s1, s30  }
0xba: {  	s0 =	sor.u32 s3, s0;
	s1 =	sshll.u32 s1, $0x11  }
0xbb: {  	s0 =	sor.u32 s1, s0  }
0xbc: {  	s0 =	sadd.s32 $0x8F2B, s0  }
0xbd: {  	[sflag:s0] =	ssyncadd.remote.s32 $0x1  }
0xbe: {  	_ =	sfence.sel $0xFFFF  }
0xbf: {  	[dreg:$0x0] =	wrdreg $0xFFFFFFFF;
	(pc) =	sbr.abs _section_cstart, $3  }
0xc0: {  	[dreg:$0x1] =	wrdreg $0xFFFFFFFF  }
0xc1: {  	_ =	task.clear_ibuf [dreg:s6], $0x2FFFF;
	_ =	strace $0x9FFFFFFF  }
0xc2: {  	(tm) =	ssettm $0x7FFFFFFF  }
0xc3: {  	_ =	shalt  }
tec
execute0_lowered:
.L_overlay_start_1:
0x0: {  	(tag) =	ssettag $0x1  }
0x1: {  	s21 =	rddreg [dreg:$0x0]  }
0x2: {  	s2 =	rddreg [dreg:$0x1]  }
0x3: {  	s1 =	stileid.u32;
	s0 =	rddreg [dreg:$0x2]  }
0x4: {  	s3 =	simm.s32 $0x0;
	s4 =	srdreg.scid;
	s22 =	smul.u32 $0x2800, s1  }
0x5: {  	[smem:$0x7FF] =	sst s3;
	s23 =	sand.u32 $0x1, s4  }
0x6: {  	s29 =	sshll.u32 s1, $0x6;
	_ =	strace $0x80000047;
	s5 =	sshrl.u32 s22, $0x3  }
0x7: {  	s6 =	sadd.s32 s22, s2;
	s28 =	sadd.s32 s5, s21;
	s5 =	sor.u32 $0x1C02, s29  }
0x8: {  	s7 =	sshrl.u32 s6, $0x3;
	s6 =	simm.s32 $0x2;
	s4 =	sadd.s32 $0xB800, s28  }
0x9: {  	[spmem:s7], [sflag:s5] =	dma.local [hbm:s4], $0x500  }
0xa: {  	s8 =	sshll.u32 s1, $0x1;
	_ =	swait.ge [sflag:s6], $0x500  }
0xb: {  	s9 =	simm.s32 $0x1400;
	s8 =	sor.u32 s23, s8;
	[sflag:s6] =	ssyncset.done $0x0  }
0xc: {  	s10 =	smul.u32 $0x280, s8;
	s8 =	sadd.s32 $0x10800, s21;
	[sflag:s6] =	ssyncadd.s32 $0xFFFFFB00  }
0xd: {  	[tilespmem:s9], [sflag:$0x2] =	stream.linear.gather [hbm4b:s8+s3], $0x2000, $0x38;
	[tilespmem:$0x5C00] =	vst v63  }
0xe: {  	_ =	swait.ge [sflag:s6], $0x2000  }
0xf: {  	s10 =	sadd.s32 s10, s21;
	[sflag:s6] =	ssyncset.done $0x0  }
0x10: {  	s10 =	sadd.s32 $0x1800, s10;
	[sflag:s6] =	ssyncadd.s32 $0xFFFFE000  }
0x11: {  	[tilespmem:s3], [sflag:$0x2] =	stream.linear.gather [hbm4b:s10+s3], $0x1400, $0x38;
	[tilespmem:$0x5C00] =	vst v63  }
0x12: {  	_ =	swait.ge [sflag:s6], $0x1400  }
0x13: {  	[sflag:s6] =	ssyncset.done $0x0  }
0x14: {  	[sflag:s6] =	ssyncadd.s32 $0xFFFFEC00  }
0x15: {  	s11 =	simm.s32 $0x200;
	[bflag:$0x0] =	sbarrier.arrive $0xFFFF  }
0x16: {  	[spmem:s2] =	stream.indirect.scatter.add.f32 [tilespmem:s9], [sflag:$0x1], $0x10, s3, s11, $0xb8;
	[tilespmem:$0x5C00] =	vst v63  }
0x17: {  	_ = 	snop  }
0x18: {  	[spmem:s2] =	stream.indirect.scatter.add.f32 [tilespmem:s9], [sflag:$0x1], $0x10, s11, s11, $0xb8;
	[tilespmem:$0x5C00] =	vst v63  }
0x19: {  	s12 =	simm.s32 $0x400  }
0x1a: {  	[spmem:s2] =	stream.indirect.scatter.add.f32 [tilespmem:s9], [sflag:$0x1], $0x10, s12, s11, $0xb8;
	[tilespmem:$0x5C00] =	vst v63  }
0x1b: {  	s13 =	simm.s32 $0x600  }
0x1c: {  	[spmem:s2] =	stream.indirect.scatter.add.f32 [tilespmem:s9], [sflag:$0x1], $0x10, s13, s11, $0xb8;
	[tilespmem:$0x5C00] =	vst v63  }
0x1d: {  	s14 =	simm.s32 $0x800  }
0x1e: {  	[spmem:s2] =	stream.indirect.scatter.add.f32 [tilespmem:s9], [sflag:$0x1], $0x10, s14, s11, $0xb8;
	[tilespmem:$0x5C00] =	vst v63  }
0x1f: {  	s15 =	simm.s32 $0xA00  }
0x20: {  	[spmem:s2] =	stream.indirect.scatter.add.f32 [tilespmem:s9], [sflag:$0x1], $0x10, s15, s11, $0xb8;
	[tilespmem:$0x5C00] =	vst v63  }
0x21: {  	s16 =	simm.s32 $0xC00  }
0x22: {  	[spmem:s2] =	stream.indirect.scatter.add.f32 [tilespmem:s9], [sflag:$0x1], $0x10, s16, s11, $0xb8;
	[tilespmem:$0x5C00] =	vst v63  }
0x23: {  	s17 =	simm.s32 $0xE00  }
0x24: {  	[spmem:s2] =	stream.indirect.scatter.add.f32 [tilespmem:s9], [sflag:$0x1], $0x10, s17, s11, $0xb8;
	[tilespmem:$0x5C00] =	vst v63  }
0x25: {  	s18 =	simm.s32 $0x1000  }
0x26: {  	[spmem:s2] =	stream.indirect.scatter.add.f32 [tilespmem:s9], [sflag:$0x1], $0x10, s18, s11, $0xb8;
	[tilespmem:$0x5C00] =	vst v63  }
0x27: {  	s19 =	simm.s32 $0x1200;
	s20 =	simm.s32 $0x1  }
0x28: {  	[spmem:s2] =	stream.indirect.scatter.add.f32 [tilespmem:s9], [sflag:$0x1], $0x10, s19, s11, $0xb8;
	[tilespmem:$0x5C00] =	vst v63  }
0x29: {  	_ =	swait.ge [sflag:s20], $0x2000  }
0x2a: {  	[sflag:s20] =	ssyncset.done $0x0  }
0x2b: {  	[sflag:s20] =	ssyncadd.s32 $0xFFFFE000  }
0x2c: {  	_ =	swait.ge [sflag:s20], $0x2000  }
0x2d: {  	[sflag:s20] =	ssyncset.done $0x0  }
0x2e: {  	[sflag:s20] =	ssyncadd.s32 $0xFFFFE000  }
0x2f: {  	_ =	swait.ge [sflag:s20], $0x2000  }
0x30: {  	[sflag:s20] =	ssyncset.done $0x0  }
0x31: {  	[sflag:s20] =	ssyncadd.s32 $0xFFFFE000  }
0x32: {  	_ =	swait.ge [sflag:s20], $0x2000  }
0x33: {  	[sflag:s20] =	ssyncset.done $0x0  }
0x34: {  	[sflag:s20] =	ssyncadd.s32 $0xFFFFE000  }
0x35: {  	_ =	swait.ge [sflag:s20], $0x2000  }
0x36: {  	[sflag:s20] =	ssyncset.done $0x0  }
0x37: {  	[sflag:s20] =	ssyncadd.s32 $0xFFFFE000  }
0x38: {  	_ =	swait.ge [sflag:s20], $0x2000  }
0x39: {  	[sflag:s20] =	ssyncset.done $0x0  }
0x3a: {  	[sflag:s20] =	ssyncadd.s32 $0xFFFFE000  }
0x3b: {  	_ =	swait.ge [sflag:s20], $0x2000  }
0x3c: {  	[sflag:s20] =	ssyncset.done $0x0  }
0x3d: {  	[sflag:s20] =	ssyncadd.s32 $0xFFFFE000  }
0x3e: {  	_ =	swait.ge [sflag:s20], $0x2000  }
0x3f: {  	[sflag:s20] =	ssyncset.done $0x0  }
0x40: {  	s24 =	smul.u32 $0x28000, s23;
	[sflag:s20] =	ssyncadd.s32 $0xFFFFE000  }
0x41: {  	s23 =	ssub.s32 $0x2, s23;
	_ =	swait.ge [sflag:s20], $0x2000  }
0x42: {  	s30 =	sshrl.u32 s23, $0x1;
	s22 =	sadd.s32 s22, s24;
	[sflag:s20] =	ssyncset.done $0x0  }
0x43: {  	s31 =	ssub.s32 s23, s30;
	s22 =	sshrl.u32 s22, $0x3;
	[sflag:s20] =	ssyncadd.s32 $0xFFFFE000  }
0x44: {  	s21 =	sadd.s32 s22, s21;
	s22 =	smax.u32 s31, $0x1;
	_ =	swait.ge [sflag:s20], $0x2000  }
0x45: {  	p0 =	sne.s32 s22, $0x1;
	[sflag:s20] =	ssyncset.done $0x0  }
.Ltmp0:
0x46: {  	[sflag:s20] =	ssyncadd.s32 $0xFFFFE000;
	(pc) =	sbr.rel @!p0 .LBB2_2-.Ltmp0, $4  }
0x47: {  	s21 =	sadd.s32 $0x10C00, s21;
	[bflag:$0x0] =	sbarrier.arrive $0xFFFF  }
0x48: {  	[hbm:s21], [sflag:s5] =	dma.local [spmem:s7], $0x500  }
0x49: {  	_ =	swait.ge [sflag:s6], $0x500  }
0x4a: {  	s22 =	sadd.s32 $0xFFFFFFFF, s22;
	[sflag:s6] =	ssyncset.done $0x0  }
.LBB2_1:
0x4b: {  	p0 =	sne.s32 s22, $0x1;
	s22 =	sadd.s32 $0xFFFFFFFF, s22;
	[sflag:s6] =	ssyncadd.s32 $0xFFFFFB00  }
0x4c: {  	[spmem:s7], [sflag:s5] =	dma.local [hbm:s4], $0x500  }
0x4d: {  	_ =	swait.ge [sflag:s6], $0x500  }
0x4e: {  	[sflag:s6] =	ssyncset.done $0x0  }
0x4f: {  	[sflag:s6] =	ssyncadd.s32 $0xFFFFFB00  }
0x50: {  	[tilespmem:s9], [sflag:$0x2] =	stream.linear.gather [hbm4b:s8+s3], $0x2000, $0x38;
	[tilespmem:$0x5C00] =	vst v63  }
0x51: {  	_ =	swait.ge [sflag:s6], $0x2000  }
0x52: {  	[sflag:s6] =	ssyncset.done $0x0  }
0x53: {  	[sflag:s6] =	ssyncadd.s32 $0xFFFFE000  }
0x54: {  	[tilespmem:s3], [sflag:$0x2] =	stream.linear.gather [hbm4b:s10+s3], $0x1400, $0x38;
	[tilespmem:$0x5C00] =	vst v63  }
0x55: {  	_ =	swait.ge [sflag:s6], $0x1400  }
0x56: {  	[sflag:s6] =	ssyncset.done $0x0  }
0x57: {  	[sflag:s6] =	ssyncadd.s32 $0xFFFFEC00  }
0x58: {  	[bflag:$0x0] =	sbarrier.arrive $0xFFFF  }
0x59: {  	[spmem:s2] =	stream.indirect.scatter.add.f32 [tilespmem:s9], [sflag:$0x1], $0x10, s3, s11, $0xb8;
	[tilespmem:$0x5C00] =	vst v63  }
0x5a: {  	_ = 	snop  }
0x5b: {  	[spmem:s2] =	stream.indirect.scatter.add.f32 [tilespmem:s9], [sflag:$0x1], $0x10, s11, s11, $0xb8;
	[tilespmem:$0x5C00] =	vst v63  }
0x5c: {  	_ = 	snop  }
0x5d: {  	[spmem:s2] =	stream.indirect.scatter.add.f32 [tilespmem:s9], [sflag:$0x1], $0x10, s12, s11, $0xb8;
	[tilespmem:$0x5C00] =	vst v63  }
0x5e: {  	_ = 	snop  }
0x5f: {  	[spmem:s2] =	stream.indirect.scatter.add.f32 [tilespmem:s9], [sflag:$0x1], $0x10, s13, s11, $0xb8;
	[tilespmem:$0x5C00] =	vst v63  }
0x60: {  	_ = 	snop  }
0x61: {  	[spmem:s2] =	stream.indirect.scatter.add.f32 [tilespmem:s9], [sflag:$0x1], $0x10, s14, s11, $0xb8;
	[tilespmem:$0x5C00] =	vst v63  }
0x62: {  	_ = 	snop  }
0x63: {  	[spmem:s2] =	stream.indirect.scatter.add.f32 [tilespmem:s9], [sflag:$0x1], $0x10, s15, s11, $0xb8;
	[tilespmem:$0x5C00] =	vst v63  }
0x64: {  	_ = 	snop  }
0x65: {  	[spmem:s2] =	stream.indirect.scatter.add.f32 [tilespmem:s9], [sflag:$0x1], $0x10, s16, s11, $0xb8;
	[tilespmem:$0x5C00] =	vst v63  }
0x66: {  	_ = 	snop  }
0x67: {  	[spmem:s2] =	stream.indirect.scatter.add.f32 [tilespmem:s9], [sflag:$0x1], $0x10, s17, s11, $0xb8;
	[tilespmem:$0x5C00] =	vst v63  }
0x68: {  	_ = 	snop  }
0x69: {  	[spmem:s2] =	stream.indirect.scatter.add.f32 [tilespmem:s9], [sflag:$0x1], $0x10, s18, s11, $0xb8;
	[tilespmem:$0x5C00] =	vst v63  }
0x6a: {  	_ = 	snop  }
0x6b: {  	[spmem:s2] =	stream.indirect.scatter.add.f32 [tilespmem:s9], [sflag:$0x1], $0x10, s19, s11, $0xb8;
	[tilespmem:$0x5C00] =	vst v63  }
0x6c: {  	_ =	swait.ge [sflag:s20], $0x2000  }
0x6d: {  	[sflag:s20] =	ssyncset.done $0x0  }
0x6e: {  	[sflag:s20] =	ssyncadd.s32 $0xFFFFE000  }
0x6f: {  	_ =	swait.ge [sflag:s20], $0x2000  }
0x70: {  	[sflag:s20] =	ssyncset.done $0x0  }
0x71: {  	[sflag:s20] =	ssyncadd.s32 $0xFFFFE000  }
0x72: {  	_ =	swait.ge [sflag:s20], $0x2000  }
0x73: {  	[sflag:s20] =	ssyncset.done $0x0  }
0x74: {  	[sflag:s20] =	ssyncadd.s32 $0xFFFFE000  }
0x75: {  	_ =	swait.ge [sflag:s20], $0x2000  }
0x76: {  	[sflag:s20] =	ssyncset.done $0x0  }
0x77: {  	[sflag:s20] =	ssyncadd.s32 $0xFFFFE000  }
0x78: {  	_ =	swait.ge [sflag:s20], $0x2000  }
0x79: {  	[sflag:s20] =	ssyncset.done $0x0  }
0x7a: {  	[sflag:s20] =	ssyncadd.s32 $0xFFFFE000  }
0x7b: {  	_ =	swait.ge [sflag:s20], $0x2000  }
0x7c: {  	[sflag:s20] =	ssyncset.done $0x0  }
0x7d: {  	[sflag:s20] =	ssyncadd.s32 $0xFFFFE000  }
0x7e: {  	_ =	swait.ge [sflag:s20], $0x2000  }
0x7f: {  	[sflag:s20] =	ssyncset.done $0x0  }
0x80: {  	[sflag:s20] =	ssyncadd.s32 $0xFFFFE000  }
0x81: {  	_ =	swait.ge [sflag:s20], $0x2000  }
0x82: {  	[sflag:s20] =	ssyncset.done $0x0  }
0x83: {  	[sflag:s20] =	ssyncadd.s32 $0xFFFFE000  }
0x84: {  	_ =	swait.ge [sflag:s20], $0x2000  }
0x85: {  	[sflag:s20] =	ssyncset.done $0x0  }
0x86: {  	[sflag:s20] =	ssyncadd.s32 $0xFFFFE000  }
0x87: {  	_ =	swait.ge [sflag:s20], $0x2000  }
0x88: {  	[sflag:s20] =	ssyncset.done $0x0  }
.Ltmp1:
0x89: {  	[sflag:s20] =	ssyncadd.s32 $0xFFFFE000;
	(pc) =	sbr.rel @p0 .LBB2_1-.Ltmp1, $4  }
0x8a: {  	[bflag:$0x0] =	sbarrier.arrive $0xFFFF  }
0x8b: {  	[hbm:s21], [sflag:s5] =	dma.local [spmem:s7], $0x500  }
0x8c: {  	_ =	swait.ge [sflag:s6], $0x500  }
0x8d: {  	[sflag:s6] =	ssyncset.done $0x0  }
.LBB2_2:
0x8e: {  	[sflag:s6] =	ssyncadd.s32 $0xFFFFFB00  }
0x8f: {  	_ =	sfence.sel $0x180000  }
0x90: {  	[bflag:$0x0] =	sbarrier.arrive $0xFFFF  }
0x91: {  	p0 =	sne.s32 s1, $0x0;
	_ =	strace $0x90000047  }
0x92: {  	s0 =	sadd.s32 @!p0 $0x100000, s0;
	[bflag:$0x2] =	sbarrier.arrive $0xFFFF  }
0x93: {  	[sflag:s0] =	ssyncadd.tile.s32 @!p0 $0x1;
	_ =	shalt  }
.Lfunc_end2:
_tile_overlayer_lowered:
.L_overlay_start_2:
0x94: {  	(tag) =	ssettag $0x2  }
0x95: {  	s0 =	rddreg [dreg:$0x0];
	s2 =	stileid.u32  }
0x96: {  	s1 =	rddreg [dreg:$0x1];
	p0 =	sne.s32 s2, $0x0  }
0x97: {  	s3 =	rddreg [dreg:$0x2];
	[bflag:$0x3] =	sbarrier.arrive $0xFFFF;
	s2 =	simm.s32 @!p0 $0x1C02  }
0x98: {  	[timem:s3], [sflag:s2] =	dma.local @!p0 [hbm:s0], s1  }
0x99: {  	s0 =	simm.s32 @!p0 $0x2  }
0x9a: {  	_ =	swait.ge @!p0 [sflag:s0], s1  }
0x9b: {  	s1 =	ssub.s32 @!p0 $0x0, s1;
	[sflag:s0] =	ssyncset.done @!p0 $0x0  }
0x9c: {  	[sflag:s0] =	ssyncadd.s32 @!p0 s1  }
0x9d: {  	[bflag:$0x3] =	sbarrier.arrive $0xFFFF  }
0x9e: {  	_ =	shalt  }

// kernel: sc_embed.3.cloned.1.call-start
scs
__scs_entry_jumppad:
0x0: {  	(pc) =	sbr.rel $0x88, $3  }
0x1: {  	(tag) =	ssettag $0x0;
	lr =	simm.s32 $0x1  }
0x2: {  	[smem:$0x3F96] =	sst lr;
	_ =	strace $0xD0000000  }
0x3: {  	_ = 	snop  }
0x4: {  	_ = 	snop  }
0x5: {  	_ = 	snop  }
0x6: {  	_ = 	snop  }
0x7: {  	_ = 	snop  }
__scs_overlays_trampoline_lowered:
0x8: {  	[smem:$0x3FA5] =	sst s0  }
0x9: {  	[smem:$0x3FA6] =	sst s1  }
0xa: {  	[smem:$0x3FA7] =	sst s2  }
0xb: {  	[smem:$0x3FA8] =	sst s3  }
0xc: {  	[smem:$0x3FA9] =	sst s4  }
0xd: {  	[smem:$0x3FAA] =	sst s5  }
0xe: {  	[smem:$0x3FAB] =	sst s6  }
0xf: {  	[smem:$0x3FAC] =	sst s7  }
0x10: {  	[smem:$0x3FAD] =	sst s8  }
0x11: {  	[smem:$0x3FAE] =	sst s9;
	s0 =	simm.s32 @!p0 $0x0  }
0x12: {  	s1 =	sld [smem:$0x3F94];
	s0 =	simm.s32 @p0 $0x1  }
0x13: {  	[smem:$0x3FAF] =	sst s0;
	s0 =	simm.s32 @!p1 $0x0  }
0x14: {  	s2 =	sld [smem:$0x3F93];
	s0 =	simm.s32 @p1 $0x1  }
0x15: {  	[smem:$0x3FB0] =	sst s0;
	s0 =	simm.s32 @!p2 $0x0  }
0x16: {  	s3 =	sld [smem:$0x3FDB];
	s0 =	simm.s32 @p2 $0x1  }
0x17: {  	s4 =	simm.s32 $0x1BF5;
	[smem:$0x3FB2] =	sst s0  }
0x18: {  	s0 =	sld [smem:$0x3F95];
	_ =	swait.ge [sflag:s4], $0x0  }
0x19: {  	s7 =	sld [smem:$0x3F96]  }
0x1a: {  	s8 =	sadd.s32 $0xFFFFE003, lr  }
0x1b: {  	s9 =	sadd.s32 $0xFFFFFEF7, lr;
	s5 =	simm.s32 $0xFFFFFFFF;
	p2 =	slt.u32 s8, $0xFFFFF086  }
0x1c: {  	p1 =	slt.u32 s9, $0xF7A;
	s5 =	simm.s32 @!p2 $0x0  }
0x1d: {  	s5 =	simm.s32 @p1 $0x1;
	p0 =	seq.s32 s7, s2  }
0x1e: {  	s7 =	smul.u32 @!p0 $0xF7A, s2;
	p2 =	seq.s32 @!p0 s5, $0x0  }
0x1f: {  	s9 =	smul.u32 $0xF7A, s1;
	s8 =	simm.s32 @!p0 $0x1BF5;
	p2 =	por !p2, p0  }
0x20: {  	[sflag:s8] =	ssyncset.s32 @!p0 $0xFFFFF086;
	s6 =	sadd.s32 @!p0 s3, s7;
	s7 =	simm.s32 @!p0 $0x108  }
0x21: {  	s3 =	sadd.s32 s3, s9;
	s6 =	sadd.s32 @!p0 $0x88, s6;
	s7 =	simm.s32 @p2 $0x1082  }
0x22: {  	[simem:s7], [sflag:s8] =	dma.local @!p0 [hbm:s6], $0xF7A  }
0x23: {  	s9 =	sor.u32 $0xD0000000, s2;
	s6 =	simm.s32 $0x108;
	_ =	swait.ge @!p0 [sflag:s8], $0x0  }
0x24: {  	s3 =	sadd.s32 $0x88, s3;
	s6 =	simm.s32 @!p1 $0x1082;
	[sflag:s4] =	ssyncset.s32 $0xFFFFF086  }
0x25: {  	[simem:s6], [sflag:s4] =	dma.local [hbm:s3], $0xF7A  }
0x26: {  	[smem:$0x3F96] =	sst s1;
	(tag) =	ssettag s2;
	_ =	strace s9  }
0x27: {  	s1 =	sld [smem:$0x3FA6]  }
0x28: {  	s2 =	sld [smem:$0x3FA7]  }
0x29: {  	s4 =	sld [smem:$0x3FA9]  }
0x2a: {  	p0 =	seq.s32 s5, $0x0;
	s5 =	sld [smem:$0x3FAA]  }
0x2b: {  	s6 =	sld [smem:$0x3FAB]  }
0x2c: {  	s7 =	sld [smem:$0x3FAC]  }
0x2d: {  	s3 =	simm.s32 $0x108;
	s8 =	sld [smem:$0x3FAD]  }
0x2e: {  	s3 =	simm.s32 @!p0 $0x1082;
	s9 =	sld [smem:$0x3FAE]  }
0x2f: {  	lr =	sadd.s32 s0, s3;
	s0 =	sld [smem:$0x3FA5]  }
0x30: {  	s3 =	sld [smem:$0x3FA8]  }
0x31: {  	[smem:$0x3FB1] =	sst s10  }
0x32: {  	s10 =	sld [smem:$0x3FAF];
	_ =	sdelay $0x3  }
0x33: {  	p0 =	seq.s32 s10, $0x1;
	s10 =	sld [smem:$0x3FB1];
	_ =	sdelay $0x3  }
0x34: {  	[smem:$0x3FB1] =	sst s10  }
0x35: {  	s10 =	sld [smem:$0x3FB0];
	_ =	sdelay $0x3  }
0x36: {  	p1 =	seq.s32 s10, $0x1;
	s10 =	sld [smem:$0x3FB1];
	_ =	sdelay $0x3  }
0x37: {  	[smem:$0x3FB1] =	sst s10  }
0x38: {  	s10 =	sld [smem:$0x3FB2]  }
0x39: {  	_ = 	snop;
	(pc) =	sbr.ind lr, $3  }
0x3a: {  	_ = 	snop  }
0x3b: {  	_ = 	snop  }
0x3c: {  	p2 =	seq.s32 s10, $0x1;
	s10 =	sld [smem:$0x3FB1]  }
0x3d: {  	_ =	shalt  }
0x3e: {  	_ =	shalt  }
0x3f: {  	_ =	shalt  }
0x40: {  	_ =	shalt  }
0x41: {  	_ =	shalt  }
0x42: {  	_ =	shalt  }
0x43: {  	_ =	shalt  }
0x44: {  	_ =	shalt  }
0x45: {  	_ =	shalt  }
0x46: {  	_ =	shalt  }
0x47: {  	_ =	shalt  }
0x48: {  	_ =	shalt  }
0x49: {  	_ =	shalt  }
0x4a: {  	_ =	shalt  }
0x4b: {  	_ =	shalt  }
0x4c: {  	_ =	shalt  }
0x4d: {  	_ =	shalt  }
0x4e: {  	_ =	shalt  }
0x4f: {  	_ =	shalt  }
0x50: {  	_ =	shalt  }
0x51: {  	_ =	shalt  }
0x52: {  	_ =	shalt  }
0x53: {  	_ =	shalt  }
0x54: {  	_ =	shalt  }
0x55: {  	_ =	shalt  }
0x56: {  	_ =	shalt  }
0x57: {  	_ =	shalt  }
0x58: {  	_ =	shalt  }
0x59: {  	_ =	shalt  }
0x5a: {  	_ =	shalt  }
0x5b: {  	_ =	shalt  }
0x5c: {  	_ =	shalt  }
0x5d: {  	_ =	shalt  }
0x5e: {  	_ =	shalt  }
0x5f: {  	_ =	shalt  }
0x60: {  	_ =	shalt  }
0x61: {  	_ =	shalt  }
0x62: {  	_ =	shalt  }
0x63: {  	_ =	shalt  }
0x64: {  	_ =	shalt  }
0x65: {  	_ =	shalt  }
0x66: {  	_ =	shalt  }
0x67: {  	_ =	shalt  }
0x68: {  	_ =	shalt  }
0x69: {  	_ =	shalt  }
0x6a: {  	_ =	shalt  }
0x6b: {  	_ =	shalt  }
0x6c: {  	_ =	shalt  }
0x6d: {  	_ =	shalt  }
0x6e: {  	_ =	shalt  }
0x6f: {  	_ =	shalt  }
0x70: {  	_ =	shalt  }
0x71: {  	_ =	shalt  }
0x72: {  	_ =	shalt  }
0x73: {  	_ =	shalt  }
0x74: {  	_ =	shalt  }
0x75: {  	_ =	shalt  }
0x76: {  	_ =	shalt  }
0x77: {  	_ =	shalt  }
0x78: {  	_ =	shalt  }
0x79: {  	_ =	shalt  }
0x7a: {  	_ =	shalt  }
0x7b: {  	_ =	shalt  }
0x7c: {  	_ =	shalt  }
0x7d: {  	_ =	shalt  }
0x7e: {  	_ =	shalt  }
0x7f: {  	_ =	shalt  }
0x80: {  	_ =	shalt  }
0x81: {  	_ =	shalt  }
0x82: {  	_ =	shalt  }
0x83: {  	_ =	shalt  }
0x84: {  	_ =	shalt  }
0x85: {  	_ =	shalt  }
0x86: {  	_ =	shalt  }
0x87: {  	_ =	shalt  }
.Lfunc_end0:
.L_simem_size_0:
called_computation_lowered:
.L_overlay_start_0:
0x88: {  	s2 =	sld [smem:$0x3FD9]  }
0x89: {  	s3 =	sld [smem:$0x3FFE];
	_ =	sdelay $0x1  }
0x8a: {  	s1 =	srdreg.scid  }
0x8b: {  	s0 =	sand.u32 $0x1, s1  }
0x8c: {  	s17 =	sshll.u32 s0, $0xA;
	s2 =	sadd.s32 s3, s2  }
0x8d: {  	s2 =	sadd.s32 s2, s17  }
0x8e: {  	[smem:$0x3FBD] =	sst s2  }
0x8f: {  	_ = 	snop  }
0x90: {  	s18 =	sld [smem:$0x3FC7];
	(tm) =	ssettm $0x1  }
0x91: {  	s19 =	sld [smem:$0x3FFB];
	_ =	sdelay $0x3  }
0x92: {  	_ =	strace s19  }
0x93: {  	s2 =	sld [smem:$0x3FFC];
	_ =	sdelay $0x3  }
0x94: {  	_ =	strace s2  }
0x95: {  	s2 =	sld [smem:$0x3FFD];
	_ =	sdelay $0x3  }
0x96: {  	_ =	strace s2  }
0x97: {  	_ =	strace $0x8FFFFFFF  }
0x98: {  	s20 =	sld [smem:$0x3FDB];
	_ =	sdelay $0x1  }
0x99: {  	s4 =	simm.s32 $_scs_section_size  }
0x9a: {  	s5 =	simm.s32 $_size__tile_overlayer_lowered;
	s6 =	simm.s32 $_tile_overlayer_lowered  }
0x9b: {  	s7 =	simm.s32 $0x1BFF;
	s21 =	sshll.u32 s6, $0x1;
	s4 =	sadd.s32 s4, s20  }
0x9c: {  	s22 =	simm.s32 $0x0;
	s5 =	sshll.u32 s5, $0x1;
	s6 =	sadd.s32 s21, s4  }
0x9d: {  	[timem:s22], [sflag:s7] =	dma.local [hbm:s6], s5  }
0x9e: {  	_ =	swait.ge [sflag:s7], s5  }
0x9f: {  	s5 =	ssub.s32 $0x0, s5;
	[sflag:s7] =	ssyncset.done $0x0  }
0xa0: {  	[sflag:s7] =	ssyncadd.s32 s5;
	_ =	sdelay $0x1  }
0xa1: {  	s23 =	simm.s32 $0x1B8B  }
0xa2: {  	_ =	swait.ge [sflag:s23], $0x1  }
0xa3: {  	[sflag:s23] =	ssyncset.done $0x0  }
0xa4: {  	[sflag:s23] =	ssyncadd.s32 $0xFFFFFFFF  }
0xa5: {  	s5 =	sld [smem:$0x0]  }
0xa6: {  	s6 =	sand.u32 $0xFFFFFFFE, s1  }
0xa7: {  	p0 =	sne.s32 s1, s6  }
0xa8: {  	s6 =	sshll.u32 @p0 s6, $0xE  }
0xa9: {  	s6 =	sadd.s32 @p0 $0x11B8D, s6;
	s7 =	sshll.u32 @p0 s5, $0x11  }
0xaa: {  	s6 =	sor.u32 @p0 s7, s6  }
0xab: {  	[sflag:s6] =	ssyncadd.remote.s32 @p0 $0x1;
	_ =	sdelay $0x1  }
0xac: {  	s6 =	simm.s32 @p0 $0x1B8D  }
0xad: {  	_ =	swait.eq @p0 [sflag:s6], $0x1  }
0xae: {  	[sflag:s6] =	ssyncadd.s32 @p0 $0xFFFFFFFF  }
0xaf: {  	s7 =	sshll.u32 @!p0 s1, $0xE  }
0xb0: {  	s7 =	sor.u32 @!p0 $0x4000, s7;
	s6 =	simm.s32 @!p0 $0x1B8D  }
0xb1: {  	s5 =	sshll.u32 @!p0 s5, $0x11;
	s7 =	sadd.s32 @!p0 $0x11B8D, s7;
	_ =	swait.eq @!p0 [sflag:s6], $0x1  }
0xb2: {  	s5 =	sor.u32 @!p0 s5, s7;
	[sflag:s6] =	ssyncadd.s32 @!p0 $0xFFFFFFFF  }
0xb3: {  	s25 =	simm.s32 $0x1B8E;
	s24 =	sld [smem:$0x3FFE];
	[sflag:s5] =	ssyncadd.remote.s32 @!p0 $0x1  }
0xb4: {  	s26 =	simm.s32 $execute0_lowered;
	[smem:$0x3FD2] =	sst s25  }
0xb5: {  	s6 =	sshll.u32 s26, $0x1;
	_ =	strace $0x80000049;
	[dreg:$0x1] =	wrdreg $0xFFFFFFFF  }
0xb6: {  	s28 =	simm.s32 $_size_execute0_lowered;
	s4 =	sadd.s32 s4, s6;
	[dreg:$0x0] =	wrdreg $0x0  }
0xb7: {  	s6 =	sshll.u32 s28, $0x1;
	[dreg:$0x2] =	wrdreg s4  }
0xb8: {  	[dreg:$0x3] =	wrdreg s6  }
0xb9: {  	[dreg:$0x4] =	wrdreg $0xC0  }
0xba: {  	_ =	task [dreg:s22], $0x5FFFF  }
0xbb: {  	[dreg:$0x1] =	wrdreg $0xFFFFFFFF  }
0xbc: {  	[dreg:$0x0] =	wrdreg $0x60  }
0xbd: {  	[dreg:$0x2] =	wrdreg s24  }
0xbe: {  	[dreg:$0x3] =	wrdreg s18  }
0xbf: {  	[dreg:$0x4] =	wrdreg $0x9  }
0xc0: {  	_ =	task.clear_ibuf [dreg:s22], $0x5FFFF;
	_ =	strace $0x90000049  }
0xc1: {  	s29 =	simm.s32 $0x9;
	_ =	strace $0x8000004B  }
0xc2: {  	_ =	swait.ge [sflag:s29], $0x1  }
0xc3: {  	[sflag:s29] =	ssyncadd.s32 $0xFFFFFFFF  }
0xc4: {  	_ =	strace $0x9000004B  }
0xc5: {  	_ =	sfence  }
0xc6: {  	s30 =	sld [smem:$0x0];
	_ =	sdelay $0x2  }
0xc7: {  	s31 =	sshll.u32 s1, $0xD;
	s1 =	sshrl.u32 s1, $0x2  }
0xc8: {  	s4 =	sand.u32 $0x4000, s31;
	s1 =	sadd.s32 s1, s30  }
0xc9: {  	s0 =	sor.u32 s4, s0;
	s1 =	sshll.u32 s1, $0x11  }
0xca: {  	s0 =	sor.u32 s1, s0  }
0xcb: {  	s0 =	sadd.s32 $0x8F2B, s0  }
0xcc: {  	[sflag:s0] =	ssyncadd.remote.s32 $0x1  }
0xcd: {  	_ =	sfence.sel $0xFFFF  }
0xce: {  	[dreg:$0x0] =	wrdreg $0xFFFFFFFF;
	(pc) =	sbr.abs _section_cstart, $3  }
0xcf: {  	[dreg:$0x1] =	wrdreg $0xFFFFFFFF  }
0xd0: {  	_ =	task.clear_ibuf [dreg:s22], $0x2FFFF;
	_ =	strace $0x9FFFFFFF  }
0xd1: {  	(tm) =	ssettm $0x7FFFFFFF  }
tec
execute0_lowered:
.L_overlay_start_1:
0x0: {  	(tag) =	ssettag $0x1  }
0x1: {  	s4 =	rddreg [dreg:$0x0]  }
0x2: {  	s2 =	rddreg [dreg:$0x1]  }
0x3: {  	s0 =	rddreg [dreg:$0x2];
	s3 =	simm.s32 $0x0;
	s5 =	srdreg.scid  }
0x4: {  	s1 =	stileid.u32;
	s12 =	simm.s32 $0x400;
	s13 =	simm.s32 $0xC00  }
0x5: {  	s14 =	simm.s32 $0x1400;
	s15 =	simm.s32 $0x1C00;
	s16 =	simm.s32 $0x2400  }
0x6: {  	s17 =	simm.s32 $0x2C00;
	s18 =	simm.s32 $0x3400;
	s19 =	simm.s32 $0x3C00  }
0x7: {  	s20 =	simm.s32 $0x4400;
	s21 =	simm.s32 $0x4C00;
	s22 =	simm.s32 $0x5400  }
0x8: {  	s23 =	simm.s32 $0x5C00;
	s24 =	simm.s32 $0x6400;
	s25 =	simm.s32 $0x6C00  }
0x9: {  	s26 =	simm.s32 $0x7400;
	s28 =	simm.s32 $0x7C00;
	s29 =	simm.s32 $0x1  }
0xa: {  	s30 =	simm.s32 $0x2;
	s5 =	sand.u32 $0x1, s5;
	s6 =	sshll.u32 s1, $0x1  }
0xb: {  	[smem:$0x7FF] =	sst s3;
	s10 =	sadd.s32 $0x1BC00, s4;
	s6 =	sor.u32 s5, s6  }
0xc: {  	_ =	strace $0x8000004A;
	s5 =	ssub.s32 $0x2, s5;
	s8 =	smul.u32 $0x14000, s6  }
0xd: {  	s7 =	sshll.u32 s6, $0x7;
	s9 =	sshrl.u32 s5, $0x1;
	s6 =	smul.u32 $0x2800, s6  }
0xe: {  	s7 =	sadd.s32 s7, s4;
	s11 =	ssub.s32 s5, s9;
	s8 =	sshrl.u32 s8, $0x3  }
0xf: {  	v2 =	vlaneseq.u32;
	s4 =	sadd.s32 $0x1AC00, s7;
	s5 =	sadd.s32 s10, s6;
	s31 =	sadd.s32 s10, s8  }
0x10: {  	vm0 =	vmmov $0xffff;
	v1 =	vshrl.u32 v2, $0x3;
	s10 =	smax.u32 s11, $0x1;
	s11 =	simm.s32 $0x3;
	s6 =	sadd.s32 $0x800, s31  }
0x11: {  	v0 =	vand.u32 $0x7, v2;
	v2 =	vor.u32 $0x8, v2;
	v1 =	vmul.u32 $0x8, v1;
	s7 =	sadd.s32 $0x1000, s31;
	s8 =	sadd.s32 $0x1800, s31;
	s9 =	sadd.s32 $0x2000, s31  }
.LBB2_1:
0x12: {  	[tilespmem:s3], [sflag:$0x3] =	stream.linear.gather [hbm4b:s4+s3], $0x280, $0x38;
	[tilespmem:$0x8400] =	vst v63  }
0x13: {  	_ =	swait.ge [sflag:s11], $0x280  }
0x14: {  	[sflag:s11] =	ssyncset.done $0x0  }
0x15: {  	[sflag:s11] =	ssyncadd.s32 $0xFFFFFD80  }
0x16: {  	v3 =	vld [tilespmem:$0x0];
	_ =	sdelay $0x4  }
0x17: {  	v4 =	vshll.u32 v3, $0x1  }
0x18: {  	v3 =	vand.u32 $0x7, v3;
	v4 =	vand.u32 $0xFFFFFFF0, v4  }
0x19: {  	v3 =	vor.u32 v3, v4  }
0x1a: {  	v4 =	vperm.xlane v3, v0;
	_ =	sdelay $0x1  }
0x1b: {  	v3 =	vperm.xlane v3, v2;
	v4 =	vadd.s32 v1, v4;
	_ =	sdelay $0x1  }
0x1c: {  	v3 =	vadd.s32 v1, v3;
	_ =	sdelay $0x2  }
0x1d: {  	[tilespmem:s12], [sflag:$0x1] =	stream.indirect_vreg.gather [hbm4b:s2+s3], $0x80, v4, vm0, $0xb8;
	[tilespmem:$0x8400] =	vst v63  }
0x1e: {  	_ = 	snop  }
0x1f: {  	[tilespmem:s13], [sflag:$0x1] =	stream.indirect_vreg.gather [hbm4b:s2+s3], $0x80, v3, vm0, $0xb8;
	[tilespmem:$0x8400] =	vst v63  }
0x20: {  	v3 =	vld [tilespmem:$0x10];
	_ =	sdelay $0x4  }
0x21: {  	v45 =	vshll.u32 v3, $0x1  }
0x22: {  	v3 =	vand.u32 $0x7, v3;
	v4 =	vand.u32 $0xFFFFFFF0, v45  }
0x23: {  	v3 =	vor.u32 v3, v4  }
0x24: {  	v4 =	vperm.xlane v3, v0;
	_ =	sdelay $0x1  }
0x25: {  	v3 =	vperm.xlane v3, v2;
	v4 =	vadd.s32 v1, v4;
	_ =	sdelay $0x1  }
0x26: {  	v3 =	vadd.s32 v1, v3;
	_ =	sdelay $0x2  }
0x27: {  	[tilespmem:s14], [sflag:$0x1] =	stream.indirect_vreg.gather [hbm4b:s2+s3], $0x80, v4, vm0, $0xb8;
	[tilespmem:$0x8400] =	vst v63  }
0x28: {  	_ = 	snop  }
0x29: {  	[tilespmem:s15], [sflag:$0x1] =	stream.indirect_vreg.gather [hbm4b:s2+s3], $0x80, v3, vm0, $0xb8;
	[tilespmem:$0x8400] =	vst v63  }
0x2a: {  	v3 =	vld [tilespmem:$0x20];
	_ =	sdelay $0x4  }
0x2b: {  	v46 =	vshll.u32 v3, $0x1  }
0x2c: {  	v3 =	vand.u32 $0x7, v3;
	v4 =	vand.u32 $0xFFFFFFF0, v46  }
0x2d: {  	v3 =	vor.u32 v3, v4  }
0x2e: {  	v4 =	vperm.xlane v3, v0;
	_ =	sdelay $0x1  }
0x2f: {  	v3 =	vperm.xlane v3, v2;
	v4 =	vadd.s32 v1, v4;
	_ =	sdelay $0x1  }
0x30: {  	v3 =	vadd.s32 v1, v3;
	_ =	sdelay $0x2  }
0x31: {  	[tilespmem:s16], [sflag:$0x1] =	stream.indirect_vreg.gather [hbm4b:s2+s3], $0x80, v4, vm0, $0xb8;
	[tilespmem:$0x8400] =	vst v63  }
0x32: {  	_ = 	snop  }
0x33: {  	[tilespmem:s17], [sflag:$0x1] =	stream.indirect_vreg.gather [hbm4b:s2+s3], $0x80, v3, vm0, $0xb8;
	[tilespmem:$0x8400] =	vst v63  }
0x34: {  	v3 =	vld [tilespmem:$0x30];
	_ =	sdelay $0x4  }
0x35: {  	v47 =	vshll.u32 v3, $0x1  }
0x36: {  	v3 =	vand.u32 $0x7, v3;
	v4 =	vand.u32 $0xFFFFFFF0, v47  }
0x37: {  	v3 =	vor.u32 v3, v4  }
0x38: {  	v4 =	vperm.xlane v3, v0;
	_ =	sdelay $0x1  }
0x39: {  	v3 =	vperm.xlane v3, v2;
	v4 =	vadd.s32 v1, v4;
	_ =	sdelay $0x1  }
0x3a: {  	v3 =	vadd.s32 v1, v3;
	_ =	sdelay $0x2  }
0x3b: {  	[tilespmem:s18], [sflag:$0x1] =	stream.indirect_vreg.gather [hbm4b:s2+s3], $0x80, v4, vm0, $0xb8;
	[tilespmem:$0x8400] =	vst v63  }
0x3c: {  	_ = 	snop  }
0x3d: {  	[tilespmem:s19], [sflag:$0x1] =	stream.indirect_vreg.gather [hbm4b:s2+s3], $0x80, v3, vm0, $0xb8;
	[tilespmem:$0x8400] =	vst v63  }
0x3e: {  	v3 =	vld [tilespmem:$0x80];
	_ =	sdelay $0x4  }
0x3f: {  	v48 =	vshll.u32 v3, $0x1  }
0x40: {  	v3 =	vand.u32 $0x7, v3;
	v4 =	vand.u32 $0xFFFFFFF0, v48  }
0x41: {  	v3 =	vor.u32 v3, v4  }
0x42: {  	v4 =	vperm.xlane v3, v0;
	_ =	sdelay $0x1  }
0x43: {  	v3 =	vperm.xlane v3, v2;
	v4 =	vadd.s32 v1, v4;
	_ =	sdelay $0x1  }
0x44: {  	v3 =	vadd.s32 v1, v3;
	_ =	sdelay $0x2  }
0x45: {  	[tilespmem:s20], [sflag:$0x2] =	stream.indirect_vreg.gather [hbm4b:s2+s3], $0x80, v4, vm0, $0xb8;
	[tilespmem:$0x8400] =	vst v63  }
0x46: {  	_ = 	snop  }
0x47: {  	[tilespmem:s21], [sflag:$0x2] =	stream.indirect_vreg.gather [hbm4b:s2+s3], $0x80, v3, vm0, $0xb8;
	[tilespmem:$0x8400] =	vst v63  }
0x48: {  	v3 =	vld [tilespmem:$0x90];
	_ =	sdelay $0x4  }
0x49: {  	v49 =	vshll.u32 v3, $0x1  }
0x4a: {  	v3 =	vand.u32 $0x7, v3;
	v4 =	vand.u32 $0xFFFFFFF0, v49  }
0x4b: {  	v3 =	vor.u32 v3, v4  }
0x4c: {  	v4 =	vperm.xlane v3, v0;
	_ =	sdelay $0x1  }
0x4d: {  	v3 =	vperm.xlane v3, v2;
	v4 =	vadd.s32 v1, v4;
	_ =	sdelay $0x1  }
0x4e: {  	v3 =	vadd.s32 v1, v3;
	_ =	sdelay $0x2  }
0x4f: {  	[tilespmem:s22], [sflag:$0x2] =	stream.indirect_vreg.gather [hbm4b:s2+s3], $0x80, v4, vm0, $0xb8;
	[tilespmem:$0x8400] =	vst v63  }
0x50: {  	_ = 	snop  }
0x51: {  	[tilespmem:s23], [sflag:$0x2] =	stream.indirect_vreg.gather [hbm4b:s2+s3], $0x80, v3, vm0, $0xb8;
	[tilespmem:$0x8400] =	vst v63  }
0x52: {  	v3 =	vld [tilespmem:$0xA0];
	_ =	sdelay $0x4  }
0x53: {  	v50 =	vshll.u32 v3, $0x1  }
0x54: {  	v3 =	vand.u32 $0x7, v3;
	v4 =	vand.u32 $0xFFFFFFF0, v50  }
0x55: {  	v3 =	vor.u32 v3, v4  }
0x56: {  	v4 =	vperm.xlane v3, v0;
	_ =	sdelay $0x1  }
0x57: {  	v3 =	vperm.xlane v3, v2;
	v4 =	vadd.s32 v1, v4;
	_ =	sdelay $0x1  }
0x58: {  	v3 =	vadd.s32 v1, v3;
	_ =	sdelay $0x2  }
0x59: {  	[tilespmem:s24], [sflag:$0x2] =	stream.indirect_vreg.gather [hbm4b:s2+s3], $0x80, v4, vm0, $0xb8;
	[tilespmem:$0x8400] =	vst v63  }
0x5a: {  	_ = 	snop  }
0x5b: {  	[tilespmem:s25], [sflag:$0x2] =	stream.indirect_vreg.gather [hbm4b:s2+s3], $0x80, v3, vm0, $0xb8;
	[tilespmem:$0x8400] =	vst v63  }
0x5c: {  	v3 =	vld [tilespmem:$0xB0];
	_ =	sdelay $0x4  }
0x5d: {  	v51 =	vshll.u32 v3, $0x1  }
0x5e: {  	v3 =	vand.u32 $0x7, v3;
	v4 =	vand.u32 $0xFFFFFFF0, v51  }
0x5f: {  	v3 =	vor.u32 v3, v4  }
0x60: {  	v4 =	vperm.xlane v3, v0;
	_ =	sdelay $0x1  }
0x61: {  	v3 =	vperm.xlane v3, v2;
	v4 =	vadd.s32 v1, v4;
	_ =	sdelay $0x1  }
0x62: {  	v3 =	vadd.s32 v1, v3;
	_ =	sdelay $0x2  }
0x63: {  	[tilespmem:s26], [sflag:$0x2] =	stream.indirect_vreg.gather [hbm4b:s2+s3], $0x80, v4, vm0, $0xb8;
	[tilespmem:$0x8400] =	vst v63  }
0x64: {  	_ = 	snop  }
0x65: {  	[tilespmem:s28], [sflag:$0x2] =	stream.indirect_vreg.gather [hbm4b:s2+s3], $0x80, v3, vm0, $0xb8;
	[tilespmem:$0x8400] =	vst v63  }
0x66: {  	_ =	swait.ge [sflag:s29], $0x4000  }
0x67: {  	[sflag:s29] =	ssyncset.done $0x0  }
0x68: {  	[sflag:s29] =	ssyncadd.s32 $0xFFFFC000  }
0x69: {  	[hbm4b:s5+s3] =	stream.linear.scatter [tilespmem:s12], [sflag:$0x3], $0x4000, $0x38;
	[tilespmem:$0x8400] =	vst v63  }
0x6a: {  	_ =	swait.ge [sflag:s11], $0x4000  }
0x6b: {  	[sflag:s11] =	ssyncset.done $0x0  }
0x6c: {  	[sflag:s11] =	ssyncadd.s32 $0xFFFFC000  }
0x6d: {  	v3 =	vld [tilespmem:$0x100];
	_ =	sdelay $0x4  }
0x6e: {  	v52 =	vshll.u32 v3, $0x1  }
0x6f: {  	v3 =	vand.u32 $0x7, v3;
	v4 =	vand.u32 $0xFFFFFFF0, v52  }
0x70: {  	v3 =	vor.u32 v3, v4  }
0x71: {  	v4 =	vperm.xlane v3, v0;
	_ =	sdelay $0x1  }
0x72: {  	v3 =	vperm.xlane v3, v2;
	v4 =	vadd.s32 v1, v4;
	_ =	sdelay $0x1  }
0x73: {  	v3 =	vadd.s32 v1, v3;
	_ =	sdelay $0x2  }
0x74: {  	[tilespmem:s12], [sflag:$0x1] =	stream.indirect_vreg.gather [hbm4b:s2+s3], $0x80, v4, vm0, $0xb8;
	[tilespmem:$0x8400] =	vst v63  }
0x75: {  	_ = 	snop  }
0x76: {  	[tilespmem:s13], [sflag:$0x1] =	stream.indirect_vreg.gather [hbm4b:s2+s3], $0x80, v3, vm0, $0xb8;
	[tilespmem:$0x8400] =	vst v63  }
0x77: {  	v3 =	vld [tilespmem:$0x110];
	_ =	sdelay $0x4  }
0x78: {  	v53 =	vshll.u32 v3, $0x1  }
0x79: {  	v3 =	vand.u32 $0x7, v3;
	v4 =	vand.u32 $0xFFFFFFF0, v53  }
0x7a: {  	v3 =	vor.u32 v3, v4  }
0x7b: {  	v4 =	vperm.xlane v3, v0;
	_ =	sdelay $0x1  }
0x7c: {  	v3 =	vperm.xlane v3, v2;
	v4 =	vadd.s32 v1, v4;
	_ =	sdelay $0x1  }
0x7d: {  	v3 =	vadd.s32 v1, v3;
	_ =	sdelay $0x2  }
0x7e: {  	[tilespmem:s14], [sflag:$0x1] =	stream.indirect_vreg.gather [hbm4b:s2+s3], $0x80, v4, vm0, $0xb8;
	[tilespmem:$0x8400] =	vst v63  }
0x7f: {  	_ = 	snop  }
0x80: {  	[tilespmem:s15], [sflag:$0x1] =	stream.indirect_vreg.gather [hbm4b:s2+s3], $0x80, v3, vm0, $0xb8;
	[tilespmem:$0x8400] =	vst v63  }
0x81: {  	v3 =	vld [tilespmem:$0x120];
	_ =	sdelay $0x4  }
0x82: {  	v54 =	vshll.u32 v3, $0x1  }
0x83: {  	v3 =	vand.u32 $0x7, v3;
	v4 =	vand.u32 $0xFFFFFFF0, v54  }
0x84: {  	v3 =	vor.u32 v3, v4  }
0x85: {  	v4 =	vperm.xlane v3, v0;
	_ =	sdelay $0x1  }
0x86: {  	v3 =	vperm.xlane v3, v2;
	v4 =	vadd.s32 v1, v4;
	_ =	sdelay $0x1  }
0x87: {  	v3 =	vadd.s32 v1, v3;
	_ =	sdelay $0x2  }
0x88: {  	[tilespmem:s16], [sflag:$0x1] =	stream.indirect_vreg.gather [hbm4b:s2+s3], $0x80, v4, vm0, $0xb8;
	[tilespmem:$0x8400] =	vst v63  }
0x89: {  	_ = 	snop  }
0x8a: {  	[tilespmem:s17], [sflag:$0x1] =	stream.indirect_vreg.gather [hbm4b:s2+s3], $0x80, v3, vm0, $0xb8;
	[tilespmem:$0x8400] =	vst v63  }
0x8b: {  	v3 =	vld [tilespmem:$0x130];
	_ =	sdelay $0x4  }
0x8c: {  	v55 =	vshll.u32 v3, $0x1  }
0x8d: {  	v3 =	vand.u32 $0x7, v3;
	v4 =	vand.u32 $0xFFFFFFF0, v55  }
0x8e: {  	v3 =	vor.u32 v3, v4  }
0x8f: {  	v4 =	vperm.xlane v3, v0;
	_ =	sdelay $0x1  }
0x90: {  	v3 =	vperm.xlane v3, v2;
	v4 =	vadd.s32 v1, v4;
	_ =	sdelay $0x1  }
0x91: {  	v3 =	vadd.s32 v1, v3;
	_ =	sdelay $0x2  }
0x92: {  	[tilespmem:s18], [sflag:$0x1] =	stream.indirect_vreg.gather [hbm4b:s2+s3], $0x80, v4, vm0, $0xb8;
	[tilespmem:$0x8400] =	vst v63  }
0x93: {  	_ = 	snop  }
0x94: {  	[tilespmem:s19], [sflag:$0x1] =	stream.indirect_vreg.gather [hbm4b:s2+s3], $0x80, v3, vm0, $0xb8;
	[tilespmem:$0x8400] =	vst v63  }
0x95: {  	_ =	swait.ge [sflag:s30], $0x4000  }
0x96: {  	[sflag:s30] =	ssyncset.done $0x0  }
0x97: {  	[sflag:s30] =	ssyncadd.s32 $0xFFFFC000  }
0x98: {  	[hbm4b:s6+s3] =	stream.linear.scatter [tilespmem:s20], [sflag:$0x3], $0x4000, $0x38;
	[tilespmem:$0x8400] =	vst v63  }
0x99: {  	_ =	swait.ge [sflag:s11], $0x4000  }
0x9a: {  	[sflag:s11] =	ssyncset.done $0x0  }
0x9b: {  	[sflag:s11] =	ssyncadd.s32 $0xFFFFC000  }
0x9c: {  	v3 =	vld [tilespmem:$0x180];
	_ =	sdelay $0x4  }
0x9d: {  	v56 =	vshll.u32 v3, $0x1  }
0x9e: {  	v3 =	vand.u32 $0x7, v3;
	v4 =	vand.u32 $0xFFFFFFF0, v56  }
0x9f: {  	v3 =	vor.u32 v3, v4  }
0xa0: {  	v4 =	vperm.xlane v3, v0;
	_ =	sdelay $0x1  }
0xa1: {  	v3 =	vperm.xlane v3, v2;
	v4 =	vadd.s32 v1, v4;
	_ =	sdelay $0x1  }
0xa2: {  	v3 =	vadd.s32 v1, v3;
	_ =	sdelay $0x2  }
0xa3: {  	[tilespmem:s20], [sflag:$0x2] =	stream.indirect_vreg.gather [hbm4b:s2+s3], $0x80, v4, vm0, $0xb8;
	[tilespmem:$0x8400] =	vst v63  }
0xa4: {  	_ = 	snop  }
0xa5: {  	[tilespmem:s21], [sflag:$0x2] =	stream.indirect_vreg.gather [hbm4b:s2+s3], $0x80, v3, vm0, $0xb8;
	[tilespmem:$0x8400] =	vst v63  }
0xa6: {  	v3 =	vld [tilespmem:$0x190];
	_ =	sdelay $0x4  }
0xa7: {  	v57 =	vshll.u32 v3, $0x1  }
0xa8: {  	v3 =	vand.u32 $0x7, v3;
	v4 =	vand.u32 $0xFFFFFFF0, v57  }
0xa9: {  	v3 =	vor.u32 v3, v4  }
0xaa: {  	v4 =	vperm.xlane v3, v0;
	_ =	sdelay $0x1  }
0xab: {  	v3 =	vperm.xlane v3, v2;
	v4 =	vadd.s32 v1, v4;
	_ =	sdelay $0x1  }
0xac: {  	v3 =	vadd.s32 v1, v3;
	_ =	sdelay $0x2  }
0xad: {  	[tilespmem:s22], [sflag:$0x2] =	stream.indirect_vreg.gather [hbm4b:s2+s3], $0x80, v4, vm0, $0xb8;
	[tilespmem:$0x8400] =	vst v63  }
0xae: {  	_ = 	snop  }
0xaf: {  	[tilespmem:s23], [sflag:$0x2] =	stream.indirect_vreg.gather [hbm4b:s2+s3], $0x80, v3, vm0, $0xb8;
	[tilespmem:$0x8400] =	vst v63  }
0xb0: {  	v3 =	vld [tilespmem:$0x1A0];
	_ =	sdelay $0x4  }
0xb1: {  	v58 =	vshll.u32 v3, $0x1  }
0xb2: {  	v3 =	vand.u32 $0x7, v3;
	v4 =	vand.u32 $0xFFFFFFF0, v58  }
0xb3: {  	v3 =	vor.u32 v3, v4  }
0xb4: {  	v4 =	vperm.xlane v3, v0;
	_ =	sdelay $0x1  }
0xb5: {  	v3 =	vperm.xlane v3, v2;
	v4 =	vadd.s32 v1, v4;
	_ =	sdelay $0x1  }
0xb6: {  	v3 =	vadd.s32 v1, v3;
	_ =	sdelay $0x2  }
0xb7: {  	[tilespmem:s24], [sflag:$0x2] =	stream.indirect_vreg.gather [hbm4b:s2+s3], $0x80, v4, vm0, $0xb8;
	[tilespmem:$0x8400] =	vst v63  }
0xb8: {  	_ = 	snop  }
0xb9: {  	[tilespmem:s25], [sflag:$0x2] =	stream.indirect_vreg.gather [hbm4b:s2+s3], $0x80, v3, vm0, $0xb8;
	[tilespmem:$0x8400] =	vst v63  }
0xba: {  	v3 =	vld [tilespmem:$0x1B0];
	_ =	sdelay $0x4  }
0xbb: {  	v59 =	vshll.u32 v3, $0x1  }
0xbc: {  	v3 =	vand.u32 $0x7, v3;
	v4 =	vand.u32 $0xFFFFFFF0, v59  }
0xbd: {  	v3 =	vor.u32 v3, v4  }
0xbe: {  	v4 =	vperm.xlane v3, v0;
	_ =	sdelay $0x1  }
0xbf: {  	v3 =	vperm.xlane v3, v2;
	v4 =	vadd.s32 v1, v4;
	_ =	sdelay $0x1  }
0xc0: {  	v3 =	vadd.s32 v1, v3;
	_ =	sdelay $0x2  }
0xc1: {  	[tilespmem:s26], [sflag:$0x2] =	stream.indirect_vreg.gather [hbm4b:s2+s3], $0x80, v4, vm0, $0xb8;
	[tilespmem:$0x8400] =	vst v63  }
0xc2: {  	_ = 	snop  }
0xc3: {  	[tilespmem:s28], [sflag:$0x2] =	stream.indirect_vreg.gather [hbm4b:s2+s3], $0x80, v3, vm0, $0xb8;
	[tilespmem:$0x8400] =	vst v63  }
0xc4: {  	_ =	swait.ge [sflag:s29], $0x4000  }
0xc5: {  	[sflag:s29] =	ssyncset.done $0x0  }
0xc6: {  	[sflag:s29] =	ssyncadd.s32 $0xFFFFC000  }
0xc7: {  	[hbm4b:s7+s3] =	stream.linear.scatter [tilespmem:s12], [sflag:$0x3], $0x4000, $0x38;
	[tilespmem:$0x8400] =	vst v63  }
0xc8: {  	_ =	swait.ge [sflag:s11], $0x4000  }
0xc9: {  	[sflag:s11] =	ssyncset.done $0x0  }
0xca: {  	[sflag:s11] =	ssyncadd.s32 $0xFFFFC000  }
0xcb: {  	v3 =	vld [tilespmem:$0x200];
	_ =	sdelay $0x4  }
0xcc: {  	v60 =	vshll.u32 v3, $0x1  }
0xcd: {  	v3 =	vand.u32 $0x7, v3;
	v4 =	vand.u32 $0xFFFFFFF0, v60  }
0xce: {  	v3 =	vor.u32 v3, v4  }
0xcf: {  	v4 =	vperm.xlane v3, v0;
	_ =	sdelay $0x1  }
0xd0: {  	v3 =	vperm.xlane v3, v2;
	v4 =	vadd.s32 v1, v4;
	_ =	sdelay $0x1  }
0xd1: {  	v3 =	vadd.s32 v1, v3;
	_ =	sdelay $0x2  }
0xd2: {  	[tilespmem:s12], [sflag:$0x1] =	stream.indirect_vreg.gather [hbm4b:s2+s3], $0x80, v4, vm0, $0xb8;
	[tilespmem:$0x8400] =	vst v63  }
0xd3: {  	_ = 	snop  }
0xd4: {  	[tilespmem:s13], [sflag:$0x1] =	stream.indirect_vreg.gather [hbm4b:s2+s3], $0x80, v3, vm0, $0xb8;
	[tilespmem:$0x8400] =	vst v63  }
0xd5: {  	v3 =	vld [tilespmem:$0x210];
	_ =	sdelay $0x4  }
0xd6: {  	v61 =	vshll.u32 v3, $0x1  }
0xd7: {  	v3 =	vand.u32 $0x7, v3;
	v4 =	vand.u32 $0xFFFFFFF0, v61  }
0xd8: {  	v3 =	vor.u32 v3, v4  }
0xd9: {  	v4 =	vperm.xlane v3, v0;
	_ =	sdelay $0x1  }
0xda: {  	v3 =	vperm.xlane v3, v2;
	v4 =	vadd.s32 v1, v4;
	_ =	sdelay $0x1  }
0xdb: {  	v3 =	vadd.s32 v1, v3;
	_ =	sdelay $0x2  }
0xdc: {  	[tilespmem:s14], [sflag:$0x1] =	stream.indirect_vreg.gather [hbm4b:s2+s3], $0x80, v4, vm0, $0xb8;
	[tilespmem:$0x8400] =	vst v63  }
0xdd: {  	_ = 	snop  }
0xde: {  	[tilespmem:s15], [sflag:$0x1] =	stream.indirect_vreg.gather [hbm4b:s2+s3], $0x80, v3, vm0, $0xb8;
	[tilespmem:$0x8400] =	vst v63  }
0xdf: {  	v3 =	vld [tilespmem:$0x220];
	_ =	sdelay $0x4  }
0xe0: {  	v62 =	vshll.u32 v3, $0x1  }
0xe1: {  	v3 =	vand.u32 $0x7, v3;
	v4 =	vand.u32 $0xFFFFFFF0, v62  }
0xe2: {  	v3 =	vor.u32 v3, v4  }
0xe3: {  	v4 =	vperm.xlane v3, v0;
	_ =	sdelay $0x1  }
0xe4: {  	v3 =	vperm.xlane v3, v2;
	v4 =	vadd.s32 v1, v4;
	_ =	sdelay $0x1  }
0xe5: {  	v3 =	vadd.s32 v1, v3;
	_ =	sdelay $0x2  }
0xe6: {  	[tilespmem:s16], [sflag:$0x1] =	stream.indirect_vreg.gather [hbm4b:s2+s3], $0x80, v4, vm0, $0xb8;
	[tilespmem:$0x8400] =	vst v63  }
0xe7: {  	_ = 	snop  }
0xe8: {  	[tilespmem:s17], [sflag:$0x1] =	stream.indirect_vreg.gather [hbm4b:s2+s3], $0x80, v3, vm0, $0xb8;
	[tilespmem:$0x8400] =	vst v63  }
0xe9: {  	v3 =	vld [tilespmem:$0x230];
	_ =	sdelay $0x4  }
0xea: {  	v63 =	vshll.u32 v3, $0x1  }
0xeb: {  	v3 =	vand.u32 $0x7, v3;
	v4 =	vand.u32 $0xFFFFFFF0, v63  }
0xec: {  	v3 =	vor.u32 v3, v4  }
0xed: {  	v4 =	vperm.xlane v3, v0;
	_ =	sdelay $0x1  }
0xee: {  	v3 =	vperm.xlane v3, v2;
	v4 =	vadd.s32 v1, v4;
	_ =	sdelay $0x1  }
0xef: {  	v3 =	vadd.s32 v1, v3;
	_ =	sdelay $0x2  }
0xf0: {  	[tilespmem:s18], [sflag:$0x1] =	stream.indirect_vreg.gather [hbm4b:s2+s3], $0x80, v4, vm0, $0xb8;
	[tilespmem:$0x8400] =	vst v63  }
0xf1: {  	_ = 	snop  }
0xf2: {  	[tilespmem:s19], [sflag:$0x1] =	stream.indirect_vreg.gather [hbm4b:s2+s3], $0x80, v3, vm0, $0xb8;
	[tilespmem:$0x8400] =	vst v63  }
0xf3: {  	_ =	swait.ge [sflag:s30], $0x4000  }
0xf4: {  	[sflag:s30] =	ssyncset.done $0x0  }
0xf5: {  	[sflag:s30] =	ssyncadd.s32 $0xFFFFC000  }
0xf6: {  	[hbm4b:s8+s3] =	stream.linear.scatter [tilespmem:s20], [sflag:$0x3], $0x4000, $0x38;
	[tilespmem:$0x8400] =	vst v63  }
0xf7: {  	_ =	swait.ge [sflag:s11], $0x4000  }
0xf8: {  	[sflag:s11] =	ssyncset.done $0x0  }
0xf9: {  	[sflag:s11] =	ssyncadd.s32 $0xFFFFC000  }
0xfa: {  	_ =	swait.ge [sflag:s29], $0x4000  }
0xfb: {  	p0 =	sne.s32 s10, $0x1;
	[sflag:s29] =	ssyncset.done $0x0  }
.Ltmp0:
0xfc: {  	[sflag:s29] =	ssyncadd.s32 $0xFFFFC000;
	(pc) =	sbr.rel @p0 .LBB2_1-.Ltmp0, $4  }
0xfd: {  	[hbm4b:s9+s3] =	stream.linear.scatter [tilespmem:s12], [sflag:$0x3], $0x4000, $0x38;
	[tilespmem:$0x8400] =	vst v63  }
0xfe: {  	_ =	swait.ge [sflag:s11], $0x4000  }
0xff: {  	[sflag:s11] =	ssyncset.done $0x0  }
0x100: {  	s10 =	sadd.s32 $0xFFFFFFFF, s10;
	[sflag:s11] =	ssyncadd.s32 $0xFFFFC000  }
0x101: {  	_ =	sfence.sel $0x180000  }
0x102: {  	[bflag:$0x0] =	sbarrier.arrive $0xFFFF  }
0x103: {  	p0 =	sne.s32 s1, $0x0;
	_ =	strace $0x9000004A  }
0x104: {  	s0 =	sadd.s32 @!p0 $0x100000, s0;
	[bflag:$0x2] =	sbarrier.arrive $0xFFFF  }
0x105: {  	[sflag:s0] =	ssyncadd.tile.s32 @!p0 $0x1;
	_ =	shalt  }
.Lfunc_end2:
_tile_overlayer_lowered:
.L_overlay_start_2:
0x106: {  	(tag) =	ssettag $0x2  }
0x107: {  	s0 =	rddreg [dreg:$0x0];
	s2 =	stileid.u32  }
0x108: {  	s1 =	rddreg [dreg:$0x1];
	p0 =	sne.s32 s2, $0x0  }
0x109: {  	s3 =	rddreg [dreg:$0x2];
	[bflag:$0x3] =	sbarrier.arrive $0xFFFF;
	s2 =	simm.s32 @!p0 $0x1C03  }
0x10a: {  	[timem:s3], [sflag:s2] =	dma.local @!p0 [hbm:s0], s1  }
0x10b: {  	s0 =	simm.s32 @!p0 $0x3  }
0x10c: {  	_ =	swait.ge @!p0 [sflag:s0], s1  }
0x10d: {  	s1 =	ssub.s32 @!p0 $0x0, s1;
	[sflag:s0] =	ssyncset.done @!p0 $0x0  }
0x10e: {  	[sflag:s0] =	ssyncadd.s32 @!p0 s1  }
0x10f: {  	[bflag:$0x3] =	sbarrier.arrive $0xFFFF  }
0x110: {  	_ =	shalt  }

</sc_bundles>
